<compile_context>
chip_gen: v7x
topology: tpu7x:2x2x1
jax: 0.10.2.dev20260603
libtpu: 0.0.44.dev20260713+nightly
codegen_flags: <defaults>
</compile_context>

<pallas_src>
import functools

import jax
import jax.numpy as jnp
from jax import lax
from jax.experimental import pallas as pl
from jax.experimental.pallas import tpu as pltpu
from jax.experimental.pallas import tpu_sc as plsc

_N_ATOMS = 100000
_FDIM = 128
_HIDDEN = 300
_N_GROUPS = 20000
_GSIZE = 8
_N_FUNC = 64

_K = 128
_N0 = 72
_N1 = 8
_TOT_CHUNK = 16 * (_N0 + _N1)
_CH_PAD = _TOT_CHUNK + _N0 - _N1
_E_PAD = _CH_PAD * _K
_NBUF = 4
_MROWS = 160
_SLAB_ROWS = 128
_RPT = _N_FUNC // 16


def _sc_body(f_hbm, a_hbm, b_hbm, out_hbm,
             aidx_v, bidx_v, rows_v, acc_v, tmp_v, zv, slabs_sh, gsems):
    cid = lax.axis_index("c")
    sid = lax.axis_index("s")
    base = jnp.where(cid == 0, sid * _N0, 16 * _N0 + sid * _N1)
    nch = jnp.where(cid == 0, _N0, _N1)

    @pl.when(cid == 0)
    def _():
        pltpu.sync_copy(a_hbm.at[pl.ds(base, _N0)], aidx_v)
        pltpu.sync_copy(b_hbm.at[pl.ds(base, _N0)], bidx_v)

    @pl.when(cid == 1)
    def _():
        pltpu.sync_copy(a_hbm.at[pl.ds(base, _N1)], aidx_v.at[pl.ds(0, _N1)])
        pltpu.sync_copy(b_hbm.at[pl.ds(base, _N1)], bidx_v.at[pl.ds(0, _N1)])

    pltpu.async_copy(f_hbm.at[aidx_v.at[0]], rows_v.at[0], gsems.at[0])
    pltpu.async_copy(f_hbm.at[aidx_v.at[1]], rows_v.at[1], gsems.at[1])

    zvec = jnp.zeros((16,), jnp.float32)
    for r in range(8):
        for c in range(_FDIM // 16):
            zv[r, pl.ds(c * 16, 16)] = zvec
    for k in range(9):
        pltpu.sync_copy(zv, slabs_sh.at[sid, pl.ds(k * 8, 8)])

    @pl.loop(0, nch, step=_NBUF)
    def _(j):
        for b in range(_NBUF):
            i = j + b
            pltpu.make_async_copy(f_hbm.at[aidx_v.at[i]], rows_v.at[b],
                                  gsems.at[b]).wait()
            nb = (b + 2) % _NBUF

            @pl.when(i + 2 < nch)
            def _():
                pltpu.async_copy(f_hbm.at[aidx_v.at[i + 2]], rows_v.at[nb],
                                 gsems.at[nb])

            pltpu.sync_copy(rows_v.at[b], slabs_sh.at[sid].at[bidx_v.at[i]],
                            add=True)

    plsc.subcore_barrier()

    r0 = sid * _RPT
    pltpu.sync_copy(slabs_sh.at[0, pl.ds(r0, _RPT)], acc_v)

    @pl.loop(1, 16)
    def _(s):
        pltpu.sync_copy(slabs_sh.at[s, pl.ds(r0, _RPT)], tmp_v)
        for r in range(_RPT):
            for c in range(_FDIM // 16):
                sl = pl.ds(c * 16, 16)
                acc_v[r, sl] = acc_v[r, sl] + tmp_v[r, sl]

    pltpu.sync_copy(acc_v, out_hbm.at[cid, pl.ds(r0, _RPT)])


@functools.cache
def _sc_edge_sum():
    return functools.partial(
        pl.kernel,
        out_type=jax.ShapeDtypeStruct((2, _N_FUNC, _FDIM), jnp.float32),
        mesh=plsc.VectorSubcoreMesh(core_axis_name="c", subcore_axis_name="s"),
        scratch_types=[
            pltpu.VMEM((_N0, _K), jnp.int32),
            pltpu.VMEM((_N0, _K), jnp.int32),
            pltpu.VMEM((_NBUF, _K, _FDIM), jnp.float32),
            pltpu.VMEM((_RPT, _FDIM), jnp.float32),
            pltpu.VMEM((_RPT, _FDIM), jnp.float32),
            pltpu.VMEM((8, _FDIM), jnp.float32),
            pltpu.VMEM_SHARED((16, _SLAB_ROWS, _FDIM), jnp.float32),
            pltpu.SemaphoreType.DMA((_NBUF,)),
        ],
    )(_sc_body)


_EROWS = _N_GROUPS * _GSIZE // _K


def _prep_body(f2a_ref, map_ref, a_ref, b_ref):
    a_blk = f2a_ref[...]
    parts = [jnp.broadcast_to(map_ref[:, pl.ds(g, 1)], (_EROWS, _GSIZE))
             for g in range(16)]
    b_blk = jnp.concatenate(parts, axis=1)
    b_blk = jnp.where(a_blk == 0, _N_FUNC, b_blk)
    a_blk = jnp.maximum(a_blk - 1, 0)
    npad = _CH_PAD - _EROWS
    a_ref[...] = jnp.concatenate(
        [a_blk, jnp.zeros((npad, _K), jnp.int32)], axis=0)
    b_ref[...] = jnp.concatenate(
        [b_blk, jnp.full((npad, _K), _N_FUNC, jnp.int32)], axis=0)


def _tc_body(s2_ref, w_ref, fs_ref, m_ref, out_ref, cnt_ref):
    s = s2_ref[0] + s2_ref[1]
    out_ref[...] = fs_ref[...] + jnp.dot(
        s, w_ref[...], preferred_element_type=jnp.float32)

    iota = lax.broadcasted_iota(jnp.int32, (_N_FUNC, 128), 0)

    def body(r, acc):
        blk = m_ref[pl.ds(r, 1), :]
        return acc + (jnp.broadcast_to(blk, (_N_FUNC, 128)) == iota
                      ).astype(jnp.int32)

    acc = lax.fori_loop(0, _MROWS, body,
                        jnp.zeros((_N_FUNC, 128), jnp.int32))
    cnt_ref[...] = jnp.sum(acc, axis=1, keepdims=True) + 1


def kernel(step, f_atoms, func2atom, mapping, W_i_atom, func_save):
    del step
    mapping = mapping.astype(jnp.int32)
    f2a2 = func2atom.astype(jnp.int32).reshape(_EROWS, _K)
    map2 = mapping.reshape(_EROWS, 16)
    a3, b3 = pl.pallas_call(
        _prep_body,
        out_shape=(
            jax.ShapeDtypeStruct((_CH_PAD, _K), jnp.int32),
            jax.ShapeDtypeStruct((_CH_PAD, _K), jnp.int32),
        ),
    )(f2a2, map2)

    s2 = _sc_edge_sum()(f_atoms, a3, b3)

    mp = jnp.concatenate([
        mapping,
        jnp.full((_MROWS * 128 - _N_GROUPS,), -1, jnp.int32),
    ]).reshape(_MROWS, 128)

    func_save_new, cnt = pl.pallas_call(
        _tc_body,
        out_shape=(
            jax.ShapeDtypeStruct((_N_FUNC, _HIDDEN), jnp.float32),
            jax.ShapeDtypeStruct((_N_FUNC, 1), jnp.int32),
        ),
    )(s2, W_i_atom, func_save, mp)

    return func_save_new, cnt.reshape(_N_FUNC)

# --- scband reference (transcript-rebuilt; emitter-appended) ---
"""Pipeline reference for scband-cmpnencoder-22368189678083 (READ-ONLY COPY).

The authoritative reference and input builder live on the scoring server;
editing this copy changes nothing except your own understanding.
"""

import jax, jax.numpy as jnp
import numpy as np

N_ATOMS = 100000
ATOM_FDIM = 128
HIDDEN = 300
N_GROUPS = 20000
GROUP_SIZE = 8
N_FUNC = 64

def setup_inputs(seed: int = 0) -> dict:
    key = jax.random.key(seed)
    k1, k2, k3, k4 = jax.random.split(key, 4)
    f_atoms = jax.random.normal(k1, (N_ATOMS, ATOM_FDIM), dtype=jnp.float32)
    # indices into the zero-padded atom array of length N_ATOMS+1; index 0 == padding row
    func2atom = jax.random.randint(k2, (N_GROUPS, GROUP_SIZE), 0, N_ATOMS + 1)
    mapping = jax.random.randint(k3, (N_GROUPS,), 0, N_FUNC)
    # learned params: W_i_atom linear (bias=False per args.bias)
    W_i_atom = jax.random.normal(k4, (ATOM_FDIM, HIDDEN), dtype=jnp.float32) * 0.02
    # running functional-group feature bank (self.func_save), initialized to zeros
    func_save = jnp.zeros((N_FUNC, HIDDEN), dtype=jnp.float32)
    return {"step": 0, "f_atoms": f_atoms, "func2atom": func2atom, "mapping": mapping,
            "W_i_atom": W_i_atom, "func_save": func_save}

def reference(step, f_atoms, func2atom, mapping, W_i_atom, func_save):
    # input_atom = self.W_i_atom(f_atoms)
    input_atom = f_atoms @ W_i_atom  # [N, H]
    # padding_zero prepended so that index 0 in func2atom maps to zeros
    padded = jnp.concatenate([jnp.zeros((1, input_atom.shape[1]), dtype=input_atom.dtype), input_atom], axis=0)  # [N+1, H]
    # cur_a = cur_a[cur_m]; cur_a = cur_a.sum(dim=1)  (batch collapsed into one scope)
    gathered = padded[func2atom]          # [M, G, H] gather
    cur_a = gathered.sum(axis=1)          # [M, H]
    # self.func_save[idx] += cur_a[i]; self.func_num[idx] += 1  -> scatter-add over fg type
    func_save_new = func_save.at[mapping].add(cur_a)
    func_num = jnp.ones((func_save.shape[0],), dtype=jnp.int32) + jnp.bincount(mapping, length=func_save.shape[0]).astype(jnp.int32)
    return func_save_new, func_num

if __name__ == "__main__":
    import jax
    _d = setup_inputs()
    print(jax.jit(kernel)(*tuple(_d.values())))

</pallas_src>

<mosaic_0001>
#map = affine_map<(d0, d1) -> (0, 0)>
#map1 = affine_map<(d0, d1) -> (0, 0, 0)>
module attributes {stable_mosaic.version = 14 : i64} {
  func.func @_sc_body(%arg0: i32, %arg1: i32, %arg2: memref<100000x128xf32, #tpu.memory_space<hbm>>, %arg3: memref<1344x128xi32, #tpu.memory_space<hbm>>, %arg4: memref<1344x128xi32, #tpu.memory_space<hbm>>, %arg5: memref<2x64x128xf32, #tpu.memory_space<hbm>>, %arg6: memref<72x128xi32, #tpu.memory_space<vmem>>, %arg7: memref<72x128xi32, #tpu.memory_space<vmem>>, %arg8: memref<4x128x128xf32, #tpu.memory_space<vmem>>, %arg9: memref<4x128xf32, #tpu.memory_space<vmem>>, %arg10: memref<4x128xf32, #tpu.memory_space<vmem>>, %arg11: memref<8x128xf32, #tpu.memory_space<vmem>>, %arg12: memref<16x128x128xf32, #tpu.memory_space<vmem_shared>>, %arg13: memref<4x!tpu.dma_semaphore, #tpu.memory_space<semaphore_mem>>) attributes {dimension_semantics = [#tpu.dimension_semantics<core_parallel>, #tpu.dimension_semantics<subcore_parallel>], iteration_bounds = array<i64: 2, 16>, scalar_prefetch = 0 : i64, scratch_operands = 8 : i64, tpu.core_type = #tpu.core_type<sc_vector_subcore>, window_params = [{transform_indices = #map}, {transform_indices = #map}, {transform_indices = #map}, {transform_indices = #map1}]} {
    %eq3A = arith.constant 0 : i32
    %eq3A_0 = arith.cmpi eq, %arg0, %eq3A : i32
    %mul3A = arith.constant 72 : i32
    %mul3A_1 = arith.muli %arg1, %mul3A : i32
    %mul3A_2 = arith.constant 8 : i32
    %mul3A_3 = arith.muli %arg1, %mul3A_2 : i32
    %add3A = arith.constant 1152 : i32
    %add3A_4 = arith.addi %add3A, %mul3A_3 : i32
    %select_n3A = arith.select %eq3A_0, %mul3A_1, %add3A_4 : i32
    %eq3A_5 = arith.constant 0 : i32
    %eq3A_6 = arith.cmpi eq, %arg0, %eq3A_5 : i32
    %jit3A = arith.constant 72 : i32
    %jit3A_7 = arith.constant 8 : i32
    %select_n3A_8 = arith.select %eq3A_6, %jit3A, %jit3A_7 : i32
    %eq3A_9 = arith.constant 0 : i32
    %eq3A_10 = arith.cmpi eq, %arg0, %eq3A_9 : i32
    %convert_element_type3A = arith.extui %eq3A_10 : i1 to i32
    %cond3A = arith.constant 0 : i32
    %cond3A_11 = arith.cmpi ne, %convert_element_type3A, %cond3A : i32
    scf.if %cond3A_11 {
      "tpu.region"() ({
        %run_scoped3A_452 = tpu.sem_alloc : memref<!tpu.dma_semaphore, #tpu.memory_space<semaphore_mem>>
        %dma_start3A_453 = arith.constant 0 : i32
        %dma_start3A_454 = tpu.memref_slice %arg3[%select_n3A, %dma_start3A_453] : memref<1344x128xi32, #tpu.memory_space<hbm>> -> memref<72x128xi32, #tpu.memory_space<hbm>>
        %dma_start3A_455 = arith.constant 0 : i32
        %dma_start3A_456 = tpu.memref_slice %arg3[%select_n3A, %dma_start3A_455] : memref<1344x128xi32, #tpu.memory_space<hbm>> -> memref<72x128xi32, #tpu.memory_space<hbm>>
        tpu.enqueue_dma source(%dma_start3A_456 : memref<72x128xi32, #tpu.memory_space<hbm>>) target(%arg6 : memref<72x128xi32, #tpu.memory_space<vmem>>) target_semaphore(%run_scoped3A_452 : memref<!tpu.dma_semaphore, #tpu.memory_space<semaphore_mem>>)
        %dma_wait3A = arith.constant 0 : i32
        %dma_wait3A_457 = tpu.memref_slice %arg3[%select_n3A, %dma_wait3A] : memref<1344x128xi32, #tpu.memory_space<hbm>> -> memref<72x128xi32, #tpu.memory_space<hbm>>
        %dma_wait3A_458 = arith.constant 0 : i32
        %dma_wait3A_459 = tpu.memref_slice %arg3[%select_n3A, %dma_wait3A_458] : memref<1344x128xi32, #tpu.memory_space<hbm>> -> memref<72x128xi32, #tpu.memory_space<hbm>>
        tpu.wait_dma2 semaphore(%run_scoped3A_452 : memref<!tpu.dma_semaphore, #tpu.memory_space<semaphore_mem>>) src(%dma_wait3A_459 : memref<72x128xi32, #tpu.memory_space<hbm>>) dst(%arg6 : memref<72x128xi32, #tpu.memory_space<vmem>>)
        tpu.yield
      }) : () -> ()
      "tpu.region"() ({
        %run_scoped3A_452 = tpu.sem_alloc : memref<!tpu.dma_semaphore, #tpu.memory_space<semaphore_mem>>
        %dma_start3A_453 = arith.constant 0 : i32
        %dma_start3A_454 = tpu.memref_slice %arg4[%select_n3A, %dma_start3A_453] : memref<1344x128xi32, #tpu.memory_space<hbm>> -> memref<72x128xi32, #tpu.memory_space<hbm>>
        %dma_start3A_455 = arith.constant 0 : i32
        %dma_start3A_456 = tpu.memref_slice %arg4[%select_n3A, %dma_start3A_455] : memref<1344x128xi32, #tpu.memory_space<hbm>> -> memref<72x128xi32, #tpu.memory_space<hbm>>
        tpu.enqueue_dma source(%dma_start3A_456 : memref<72x128xi32, #tpu.memory_space<hbm>>) target(%arg7 : memref<72x128xi32, #tpu.memory_space<vmem>>) target_semaphore(%run_scoped3A_452 : memref<!tpu.dma_semaphore, #tpu.memory_space<semaphore_mem>>)
        %dma_wait3A = arith.constant 0 : i32
        %dma_wait3A_457 = tpu.memref_slice %arg4[%select_n3A, %dma_wait3A] : memref<1344x128xi32, #tpu.memory_space<hbm>> -> memref<72x128xi32, #tpu.memory_space<hbm>>
        %dma_wait3A_458 = arith.constant 0 : i32
        %dma_wait3A_459 = tpu.memref_slice %arg4[%select_n3A, %dma_wait3A_458] : memref<1344x128xi32, #tpu.memory_space<hbm>> -> memref<72x128xi32, #tpu.memory_space<hbm>>
        tpu.wait_dma2 semaphore(%run_scoped3A_452 : memref<!tpu.dma_semaphore, #tpu.memory_space<semaphore_mem>>) src(%dma_wait3A_459 : memref<72x128xi32, #tpu.memory_space<hbm>>) dst(%arg7 : memref<72x128xi32, #tpu.memory_space<vmem>>)
        tpu.yield
      }) : () -> ()
    } else {
    }
    %eq3A_12 = arith.constant 1 : i32
    %eq3A_13 = arith.cmpi eq, %arg0, %eq3A_12 : i32
    %convert_element_type3A_14 = arith.extui %eq3A_13 : i1 to i32
    %cond3A_15 = arith.constant 0 : i32
    %cond3A_16 = arith.cmpi ne, %convert_element_type3A_14, %cond3A_15 : i32
    scf.if %cond3A_16 {
      "tpu.region"() ({
        %run_scoped3A_452 = tpu.sem_alloc : memref<!tpu.dma_semaphore, #tpu.memory_space<semaphore_mem>>
        %dma_start3A_453 = arith.constant 0 : i32
        %dma_start3A_454 = arith.constant 0 : i32
        %dma_start3A_455 = tpu.memref_slice %arg6[%dma_start3A_453, %dma_start3A_454] : memref<72x128xi32, #tpu.memory_space<vmem>> -> memref<8x128xi32, #tpu.memory_space<vmem>>
        %dma_start3A_456 = arith.constant 0 : i32
        %dma_start3A_457 = tpu.memref_slice %arg3[%select_n3A, %dma_start3A_456] : memref<1344x128xi32, #tpu.memory_space<hbm>> -> memref<8x128xi32, #tpu.memory_space<hbm>>
        %dma_start3A_458 = arith.constant 0 : i32
        %dma_start3A_459 = arith.constant 0 : i32
        %dma_start3A_460 = tpu.memref_slice %arg6[%dma_start3A_458, %dma_start3A_459] : memref<72x128xi32, #tpu.memory_space<vmem>> -> memref<8x128xi32, #tpu.memory_space<vmem>>
        %dma_start3A_461 = arith.constant 0 : i32
        %dma_start3A_462 = tpu.memref_slice %arg3[%select_n3A, %dma_start3A_461] : memref<1344x128xi32, #tpu.memory_space<hbm>> -> memref<8x128xi32, #tpu.memory_space<hbm>>
        tpu.enqueue_dma source(%dma_start3A_462 : memref<8x128xi32, #tpu.memory_space<hbm>>) target(%dma_start3A_460 : memref<8x128xi32, #tpu.memory_space<vmem>>) target_semaphore(%run_scoped3A_452 : memref<!tpu.dma_semaphore, #tpu.memory_space<semaphore_mem>>)
        %dma_wait3A = arith.constant 0 : i32
        %dma_wait3A_463 = arith.constant 0 : i32
        %dma_wait3A_464 = tpu.memref_slice %arg6[%dma_wait3A, %dma_wait3A_463] : memref<72x128xi32, #tpu.memory_space<vmem>> -> memref<8x128xi32, #tpu.memory_space<vmem>>
        %dma_wait3A_465 = arith.constant 0 : i32
        %dma_wait3A_466 = tpu.memref_slice %arg3[%select_n3A, %dma_wait3A_465] : memref<1344x128xi32, #tpu.memory_space<hbm>> -> memref<8x128xi32, #tpu.memory_space<hbm>>
        %dma_wait3A_467 = arith.constant 0 : i32
        %dma_wait3A_468 = arith.constant 0 : i32
        %dma_wait3A_469 = tpu.memref_slice %arg6[%dma_wait3A_467, %dma_wait3A_468] : memref<72x128xi32, #tpu.memory_space<vmem>> -> memref<8x128xi32, #tpu.memory_space<vmem>>
        %dma_wait3A_470 = arith.constant 0 : i32
        %dma_wait3A_471 = tpu.memref_slice %arg3[%select_n3A, %dma_wait3A_470] : memref<1344x128xi32, #tpu.memory_space<hbm>> -> memref<8x128xi32, #tpu.memory_space<hbm>>
        tpu.wait_dma2 semaphore(%run_scoped3A_452 : memref<!tpu.dma_semaphore, #tpu.memory_space<semaphore_mem>>) src(%dma_wait3A_471 : memref<8x128xi32, #tpu.memory_space<hbm>>) dst(%dma_wait3A_469 : memref<8x128xi32, #tpu.memory_space<vmem>>)
        tpu.yield
      }) : () -> ()
      "tpu.region"() ({
        %run_scoped3A_452 = tpu.sem_alloc : memref<!tpu.dma_semaphore, #tpu.memory_space<semaphore_mem>>
        %dma_start3A_453 = arith.constant 0 : i32
        %dma_start3A_454 = arith.constant 0 : i32
        %dma_start3A_455 = tpu.memref_slice %arg7[%dma_start3A_453, %dma_start3A_454] : memref<72x128xi32, #tpu.memory_space<vmem>> -> memref<8x128xi32, #tpu.memory_space<vmem>>
        %dma_start3A_456 = arith.constant 0 : i32
        %dma_start3A_457 = tpu.memref_slice %arg4[%select_n3A, %dma_start3A_456] : memref<1344x128xi32, #tpu.memory_space<hbm>> -> memref<8x128xi32, #tpu.memory_space<hbm>>
        %dma_start3A_458 = arith.constant 0 : i32
        %dma_start3A_459 = arith.constant 0 : i32
        %dma_start3A_460 = tpu.memref_slice %arg7[%dma_start3A_458, %dma_start3A_459] : memref<72x128xi32, #tpu.memory_space<vmem>> -> memref<8x128xi32, #tpu.memory_space<vmem>>
        %dma_start3A_461 = arith.constant 0 : i32
        %dma_start3A_462 = tpu.memref_slice %arg4[%select_n3A, %dma_start3A_461] : memref<1344x128xi32, #tpu.memory_space<hbm>> -> memref<8x128xi32, #tpu.memory_space<hbm>>
        tpu.enqueue_dma source(%dma_start3A_462 : memref<8x128xi32, #tpu.memory_space<hbm>>) target(%dma_start3A_460 : memref<8x128xi32, #tpu.memory_space<vmem>>) target_semaphore(%run_scoped3A_452 : memref<!tpu.dma_semaphore, #tpu.memory_space<semaphore_mem>>)
        %dma_wait3A = arith.constant 0 : i32
        %dma_wait3A_463 = arith.constant 0 : i32
        %dma_wait3A_464 = tpu.memref_slice %arg7[%dma_wait3A, %dma_wait3A_463] : memref<72x128xi32, #tpu.memory_space<vmem>> -> memref<8x128xi32, #tpu.memory_space<vmem>>
        %dma_wait3A_465 = arith.constant 0 : i32
        %dma_wait3A_466 = tpu.memref_slice %arg4[%select_n3A, %dma_wait3A_465] : memref<1344x128xi32, #tpu.memory_space<hbm>> -> memref<8x128xi32, #tpu.memory_space<hbm>>
        %dma_wait3A_467 = arith.constant 0 : i32
        %dma_wait3A_468 = arith.constant 0 : i32
        %dma_wait3A_469 = tpu.memref_slice %arg7[%dma_wait3A_467, %dma_wait3A_468] : memref<72x128xi32, #tpu.memory_space<vmem>> -> memref<8x128xi32, #tpu.memory_space<vmem>>
        %dma_wait3A_470 = arith.constant 0 : i32
        %dma_wait3A_471 = tpu.memref_slice %arg4[%select_n3A, %dma_wait3A_470] : memref<1344x128xi32, #tpu.memory_space<hbm>> -> memref<8x128xi32, #tpu.memory_space<hbm>>
        tpu.wait_dma2 semaphore(%run_scoped3A_452 : memref<!tpu.dma_semaphore, #tpu.memory_space<semaphore_mem>>) src(%dma_wait3A_471 : memref<8x128xi32, #tpu.memory_space<hbm>>) dst(%dma_wait3A_469 : memref<8x128xi32, #tpu.memory_space<vmem>>)
        tpu.yield
      }) : () -> ()
    } else {
    }
    %dma_start3A = arith.constant 0 : i32
    %dma_start3A_17 = arith.constant 0 : i32
    %dma_start3A_18 = arith.constant 0 : i32
    %dma_start3A_19 = arith.constant 0 : i32
    %dma_start3A_20 = arith.constant 0 : i32
    %dma_start3A_21 = tpu.memref_slice %arg8[%dma_start3A_17, %dma_start3A_19, %dma_start3A_20] : memref<4x128x128xf32, #tpu.memory_space<vmem>> -> memref<1x128x128xf32, #tpu.memory_space<vmem>>
    %dma_start3A_22 = tpu.memref_squeeze %dma_start3A_21 : memref<1x128x128xf32, #tpu.memory_space<vmem>> -> memref<128x128xf32, #tpu.memory_space<vmem>>
    %dma_start3A_23 = arith.constant 0 : i32
    %dma_start3A_24 = tpu.memref_slice %arg6[%dma_start3A, %dma_start3A_23] : memref<72x128xi32, #tpu.memory_space<vmem>> -> memref<1x128xi32, #tpu.memory_space<vmem>>
    %dma_start3A_25 = tpu.memref_squeeze %dma_start3A_24 : memref<1x128xi32, #tpu.memory_space<vmem>> -> memref<128xi32, #tpu.memory_space<vmem>>
    %dma_start3A_26 = arith.constant 0 : i32
    %dma_start3A_27 = arith.constant 0 : i32
    %dma_start3A_28 = tpu.memref_slice %arg2[%dma_start3A_26, %dma_start3A_27] : memref<100000x128xf32, #tpu.memory_space<hbm>> -> memref<100000x128xf32, #tpu.memory_space<hbm>>
    %dma_start3A_29 = tpu.memref_slice %arg13[%dma_start3A_18] : memref<4x!tpu.dma_semaphore, #tpu.memory_space<semaphore_mem>> -> memref<1x!tpu.dma_semaphore, #tpu.memory_space<semaphore_mem>>
    %dma_start3A_30 = tpu.memref_squeeze %dma_start3A_29 : memref<1x!tpu.dma_semaphore, #tpu.memory_space<semaphore_mem>> -> memref<!tpu.dma_semaphore, #tpu.memory_space<semaphore_mem>>
    tpu.enqueue_indirect_dma source(%dma_start3A_28 : memref<100000x128xf32, #tpu.memory_space<hbm>>) target(%dma_start3A_22 : memref<128x128xf32, #tpu.memory_space<vmem>>) offsets(%dma_start3A_25 : memref<128xi32, #tpu.memory_space<vmem>>) semaphore(%dma_start3A_30 : memref<!tpu.dma_semaphore, #tpu.memory_space<semaphore_mem>>)
    %dma_start3A_31 = arith.constant 1 : i32
    %dma_start3A_32 = arith.constant 1 : i32
    %dma_start3A_33 = arith.constant 1 : i32
    %dma_start3A_34 = arith.constant 0 : i32
    %dma_start3A_35 = arith.constant 0 : i32
    %dma_start3A_36 = tpu.memref_slice %arg8[%dma_start3A_32, %dma_start3A_34, %dma_start3A_35] : memref<4x128x128xf32, #tpu.memory_space<vmem>> -> memref<1x128x128xf32, #tpu.memory_space<vmem>>
    %dma_start3A_37 = tpu.memref_squeeze %dma_start3A_36 : memref<1x128x128xf32, #tpu.memory_space<vmem>> -> memref<128x128xf32, #tpu.memory_space<vmem>>
    %dma_start3A_38 = arith.constant 0 : i32
    %dma_start3A_39 = tpu.memref_slice %arg6[%dma_start3A_31, %dma_start3A_38] : memref<72x128xi32, #tpu.memory_space<vmem>> -> memref<1x128xi32, #tpu.memory_space<vmem>>
    %dma_start3A_40 = tpu.memref_squeeze %dma_start3A_39 : memref<1x128xi32, #tpu.memory_space<vmem>> -> memref<128xi32, #tpu.memory_space<vmem>>
    %dma_start3A_41 = arith.constant 0 : i32
    %dma_start3A_42 = arith.constant 0 : i32
    %dma_start3A_43 = tpu.memref_slice %arg2[%dma_start3A_41, %dma_start3A_42] : memref<100000x128xf32, #tpu.memory_space<hbm>> -> memref<100000x128xf32, #tpu.memory_space<hbm>>
    %dma_start3A_44 = tpu.memref_slice %arg13[%dma_start3A_33] : memref<4x!tpu.dma_semaphore, #tpu.memory_space<semaphore_mem>> -> memref<1x!tpu.dma_semaphore, #tpu.memory_space<semaphore_mem>>
    %dma_start3A_45 = tpu.memref_squeeze %dma_start3A_44 : memref<1x!tpu.dma_semaphore, #tpu.memory_space<semaphore_mem>> -> memref<!tpu.dma_semaphore, #tpu.memory_space<semaphore_mem>>
    tpu.enqueue_indirect_dma source(%dma_start3A_43 : memref<100000x128xf32, #tpu.memory_space<hbm>>) target(%dma_start3A_37 : memref<128x128xf32, #tpu.memory_space<vmem>>) offsets(%dma_start3A_40 : memref<128xi32, #tpu.memory_space<vmem>>) semaphore(%dma_start3A_45 : memref<!tpu.dma_semaphore, #tpu.memory_space<semaphore_mem>>)
    %broadcast_in_dim3A = arith.constant 0.000000e+00 : f32
    %broadcast_in_dim3A_46 = vector.broadcast %broadcast_in_dim3A : f32 to vector<16xf32>
    %swap3A = arith.constant 0 : i32
    %swap3A_47 = arith.index_cast %swap3A : i32 to index
    %swap3A_48 = arith.constant 0 : index
    %swap3A_49 = tpu.vector_load %arg11[%swap3A_47, %swap3A_48] {strides = array<i32>} : memref<8x128xf32, #tpu.memory_space<vmem>>, vector<1x16xf32>,
    %swap3A_50 = vector.shape_cast %swap3A_49 : vector<1x16xf32> to vector<16xf32>
    %swap3A_51 = vector.shape_cast %broadcast_in_dim3A_46 : vector<16xf32> to vector<1x16xf32>
    tpu.vector_store %arg11[%swap3A_47, %swap3A_48], %swap3A_51 {strides = array<i32>} : memref<8x128xf32, #tpu.memory_space<vmem>>, vector<1x16xf32>,
    %swap3A_52 = arith.constant 0 : i32
    %swap3A_53 = arith.index_cast %swap3A_52 : i32 to index
    %swap3A_54 = arith.constant 16 : index
    %swap3A_55 = tpu.vector_load %arg11[%swap3A_53, %swap3A_54] {strides = array<i32>} : memref<8x128xf32, #tpu.memory_space<vmem>>, vector<1x16xf32>,
    %swap3A_56 = vector.shape_cast %swap3A_55 : vector<1x16xf32> to vector<16xf32>
    %swap3A_57 = vector.shape_cast %broadcast_in_dim3A_46 : vector<16xf32> to vector<1x16xf32>
    tpu.vector_store %arg11[%swap3A_53, %swap3A_54], %swap3A_57 {strides = array<i32>} : memref<8x128xf32, #tpu.memory_space<vmem>>, vector<1x16xf32>,
    %swap3A_58 = arith.constant 0 : i32
    %swap3A_59 = arith.index_cast %swap3A_58 : i32 to index
    %swap3A_60 = arith.constant 32 : index
    %swap3A_61 = tpu.vector_load %arg11[%swap3A_59, %swap3A_60] {strides = array<i32>} : memref<8x128xf32, #tpu.memory_space<vmem>>, vector<1x16xf32>,
    %swap3A_62 = vector.shape_cast %swap3A_61 : vector<1x16xf32> to vector<16xf32>
    %swap3A_63 = vector.shape_cast %broadcast_in_dim3A_46 : vector<16xf32> to vector<1x16xf32>
    tpu.vector_store %arg11[%swap3A_59, %swap3A_60], %swap3A_63 {strides = array<i32>} : memref<8x128xf32, #tpu.memory_space<vmem>>, vector<1x16xf32>,
    %swap3A_64 = arith.constant 0 : i32
    %swap3A_65 = arith.index_cast %swap3A_64 : i32 to index
    %swap3A_66 = arith.constant 48 : index
    %swap3A_67 = tpu.vector_load %arg11[%swap3A_65, %swap3A_66] {strides = array<i32>} : memref<8x128xf32, #tpu.memory_space<vmem>>, vector<1x16xf32>,
    %swap3A_68 = vector.shape_cast %swap3A_67 : vector<1x16xf32> to vector<16xf32>
    %swap3A_69 = vector.shape_cast %broadcast_in_dim3A_46 : vector<16xf32> to vector<1x16xf32>
    tpu.vector_store %arg11[%swap3A_65, %swap3A_66], %swap3A_69 {strides = array<i32>} : memref<8x128xf32, #tpu.memory_space<vmem>>, vector<1x16xf32>,
    %swap3A_70 = arith.constant 0 : i32
    %swap3A_71 = arith.index_cast %swap3A_70 : i32 to index
    %swap3A_72 = arith.constant 64 : index
    %swap3A_73 = tpu.vector_load %arg11[%swap3A_71, %swap3A_72] {strides = array<i32>} : memref<8x128xf32, #tpu.memory_space<vmem>>, vector<1x16xf32>,
    %swap3A_74 = vector.shape_cast %swap3A_73 : vector<1x16xf32> to vector<16xf32>
    %swap3A_75 = vector.shape_cast %broadcast_in_dim3A_46 : vector<16xf32> to vector<1x16xf32>
    tpu.vector_store %arg11[%swap3A_71, %swap3A_72], %swap3A_75 {strides = array<i32>} : memref<8x128xf32, #tpu.memory_space<vmem>>, vector<1x16xf32>,
    %swap3A_76 = arith.constant 0 : i32
    %swap3A_77 = arith.index_cast %swap3A_76 : i32 to index
    %swap3A_78 = arith.constant 80 : index
    %swap3A_79 = tpu.vector_load %arg11[%swap3A_77, %swap3A_78] {strides = array<i32>} : memref<8x128xf32, #tpu.memory_space<vmem>>, vector<1x16xf32>,
    %swap3A_80 = vector.shape_cast %swap3A_79 : vector<1x16xf32> to vector<16xf32>
    %swap3A_81 = vector.shape_cast %broadcast_in_dim3A_46 : vector<16xf32> to vector<1x16xf32>
    tpu.vector_store %arg11[%swap3A_77, %swap3A_78], %swap3A_81 {strides = array<i32>} : memref<8x128xf32, #tpu.memory_space<vmem>>, vector<1x16xf32>,
    %swap3A_82 = arith.constant 0 : i32
    %swap3A_83 = arith.index_cast %swap3A_82 : i32 to index
    %swap3A_84 = arith.constant 96 : index
    %swap3A_85 = tpu.vector_load %arg11[%swap3A_83, %swap3A_84] {strides = array<i32>} : memref<8x128xf32, #tpu.memory_space<vmem>>, vector<1x16xf32>,
    %swap3A_86 = vector.shape_cast %swap3A_85 : vector<1x16xf32> to vector<16xf32>
    %swap3A_87 = vector.shape_cast %broadcast_in_dim3A_46 : vector<16xf32> to vector<1x16xf32>
    tpu.vector_store %arg11[%swap3A_83, %swap3A_84], %swap3A_87 {strides = array<i32>} : memref<8x128xf32, #tpu.memory_space<vmem>>, vector<1x16xf32>,
    %swap3A_88 = arith.constant 0 : i32
    %swap3A_89 = arith.index_cast %swap3A_88 : i32 to index
    %swap3A_90 = arith.constant 112 : index
    %swap3A_91 = tpu.vector_load %arg11[%swap3A_89, %swap3A_90] {strides = array<i32>} : memref<8x128xf32, #tpu.memory_space<vmem>>, vector<1x16xf32>,
    %swap3A_92 = vector.shape_cast %swap3A_91 : vector<1x16xf32> to vector<16xf32>
    %swap3A_93 = vector.shape_cast %broadcast_in_dim3A_46 : vector<16xf32> to vector<1x16xf32>
    tpu.vector_store %arg11[%swap3A_89, %swap3A_90], %swap3A_93 {strides = array<i32>} : memref<8x128xf32, #tpu.memory_space<vmem>>, vector<1x16xf32>,
    %swap3A_94 = arith.constant 1 : i32
    %swap3A_95 = arith.index_cast %swap3A_94 : i32 to index
    %swap3A_96 = arith.constant 0 : index
    %swap3A_97 = tpu.vector_load %arg11[%swap3A_95, %swap3A_96] {strides = array<i32>} : memref<8x128xf32, #tpu.memory_space<vmem>>, vector<1x16xf32>,
    %swap3A_98 = vector.shape_cast %swap3A_97 : vector<1x16xf32> to vector<16xf32>
    %swap3A_99 = vector.shape_cast %broadcast_in_dim3A_46 : vector<16xf32> to vector<1x16xf32>
    tpu.vector_store %arg11[%swap3A_95, %swap3A_96], %swap3A_99 {strides = array<i32>} : memref<8x128xf32, #tpu.memory_space<vmem>>, vector<1x16xf32>,
    %swap3A_100 = arith.constant 1 : i32
    %swap3A_101 = arith.index_cast %swap3A_100 : i32 to index
    %swap3A_102 = arith.constant 16 : index
    %swap3A_103 = tpu.vector_load %arg11[%swap3A_101, %swap3A_102] {strides = array<i32>} : memref<8x128xf32, #tpu.memory_space<vmem>>, vector<1x16xf32>,
    %swap3A_104 = vector.shape_cast %swap3A_103 : vector<1x16xf32> to vector<16xf32>
    %swap3A_105 = vector.shape_cast %broadcast_in_dim3A_46 : vector<16xf32> to vector<1x16xf32>
    tpu.vector_store %arg11[%swap3A_101, %swap3A_102], %swap3A_105 {strides = array<i32>} : memref<8x128xf32, #tpu.memory_space<vmem>>, vector<1x16xf32>,
    %swap3A_106 = arith.constant 1 : i32
    %swap3A_107 = arith.index_cast %swap3A_106 : i32 to index
    %swap3A_108 = arith.constant 32 : index
    %swap3A_109 = tpu.vector_load %arg11[%swap3A_107, %swap3A_108] {strides = array<i32>} : memref<8x128xf32, #tpu.memory_space<vmem>>, vector<1x16xf32>,
    %swap3A_110 = vector.shape_cast %swap3A_109 : vector<1x16xf32> to vector<16xf32>
    %swap3A_111 = vector.shape_cast %broadcast_in_dim3A_46 : vector<16xf32> to vector<1x16xf32>
    tpu.vector_store %arg11[%swap3A_107, %swap3A_108], %swap3A_111 {strides = array<i32>} : memref<8x128xf32, #tpu.memory_space<vmem>>, vector<1x16xf32>,
    %swap3A_112 = arith.constant 1 : i32
    %swap3A_113 = arith.index_cast %swap3A_112 : i32 to index
    %swap3A_114 = arith.constant 48 : index
    %swap3A_115 = tpu.vector_load %arg11[%swap3A_113, %swap3A_114] {strides = array<i32>} : memref<8x128xf32, #tpu.memory_space<vmem>>, vector<1x16xf32>,
    %swap3A_116 = vector.shape_cast %swap3A_115 : vector<1x16xf32> to vector<16xf32>
    %swap3A_117 = vector.shape_cast %broadcast_in_dim3A_46 : vector<16xf32> to vector<1x16xf32>
    tpu.vector_store %arg11[%swap3A_113, %swap3A_114], %swap3A_117 {strides = array<i32>} : memref<8x128xf32, #tpu.memory_space<vmem>>, vector<1x16xf32>,
    %swap3A_118 = arith.constant 1 : i32
    %swap3A_119 = arith.index_cast %swap3A_118 : i32 to index
    %swap3A_120 = arith.constant 64 : index
    %swap3A_121 = tpu.vector_load %arg11[%swap3A_119, %swap3A_120] {strides = array<i32>} : memref<8x128xf32, #tpu.memory_space<vmem>>, vector<1x16xf32>,
    %swap3A_122 = vector.shape_cast %swap3A_121 : vector<1x16xf32> to vector<16xf32>
    %swap3A_123 = vector.shape_cast %broadcast_in_dim3A_46 : vector<16xf32> to vector<1x16xf32>
    tpu.vector_store %arg11[%swap3A_119, %swap3A_120], %swap3A_123 {strides = array<i32>} : memref<8x128xf32, #tpu.memory_space<vmem>>, vector<1x16xf32>,
    %swap3A_124 = arith.constant 1 : i32
    %swap3A_125 = arith.index_cast %swap3A_124 : i32 to index
    %swap3A_126 = arith.constant 80 : index
    %swap3A_127 = tpu.vector_load %arg11[%swap3A_125, %swap3A_126] {strides = array<i32>} : memref<8x128xf32, #tpu.memory_space<vmem>>, vector<1x16xf32>,
    %swap3A_128 = vector.shape_cast %swap3A_127 : vector<1x16xf32> to vector<16xf32>
    %swap3A_129 = vector.shape_cast %broadcast_in_dim3A_46 : vector<16xf32> to vector<1x16xf32>
    tpu.vector_store %arg11[%swap3A_125, %swap3A_126], %swap3A_129 {strides = array<i32>} : memref<8x128xf32, #tpu.memory_space<vmem>>, vector<1x16xf32>,
    %swap3A_130 = arith.constant 1 : i32
    %swap3A_131 = arith.index_cast %swap3A_130 : i32 to index
    %swap3A_132 = arith.constant 96 : index
    %swap3A_133 = tpu.vector_load %arg11[%swap3A_131, %swap3A_132] {strides = array<i32>} : memref<8x128xf32, #tpu.memory_space<vmem>>, vector<1x16xf32>,
    %swap3A_134 = vector.shape_cast %swap3A_133 : vector<1x16xf32> to vector<16xf32>
    %swap3A_135 = vector.shape_cast %broadcast_in_dim3A_46 : vector<16xf32> to vector<1x16xf32>
    tpu.vector_store %arg11[%swap3A_131, %swap3A_132], %swap3A_135 {strides = array<i32>} : memref<8x128xf32, #tpu.memory_space<vmem>>, vector<1x16xf32>,
    %swap3A_136 = arith.constant 1 : i32
    %swap3A_137 = arith.index_cast %swap3A_136 : i32 to index
    %swap3A_138 = arith.constant 112 : index
    %swap3A_139 = tpu.vector_load %arg11[%swap3A_137, %swap3A_138] {strides = array<i32>} : memref<8x128xf32, #tpu.memory_space<vmem>>, vector<1x16xf32>,
    %swap3A_140 = vector.shape_cast %swap3A_139 : vector<1x16xf32> to vector<16xf32>
    %swap3A_141 = vector.shape_cast %broadcast_in_dim3A_46 : vector<16xf32> to vector<1x16xf32>
    tpu.vector_store %arg11[%swap3A_137, %swap3A_138], %swap3A_141 {strides = array<i32>} : memref<8x128xf32, #tpu.memory_space<vmem>>, vector<1x16xf32>,
    %swap3A_142 = arith.constant 2 : i32
    %swap3A_143 = arith.index_cast %swap3A_142 : i32 to index
    %swap3A_144 = arith.constant 0 : index
    %swap3A_145 = tpu.vector_load %arg11[%swap3A_143, %swap3A_144] {strides = array<i32>} : memref<8x128xf32, #tpu.memory_space<vmem>>, vector<1x16xf32>,
    %swap3A_146 = vector.shape_cast %swap3A_145 : vector<1x16xf32> to vector<16xf32>
    %swap3A_147 = vector.shape_cast %broadcast_in_dim3A_46 : vector<16xf32> to vector<1x16xf32>
    tpu.vector_store %arg11[%swap3A_143, %swap3A_144], %swap3A_147 {strides = array<i32>} : memref<8x128xf32, #tpu.memory_space<vmem>>, vector<1x16xf32>,
    %swap3A_148 = arith.constant 2 : i32
    %swap3A_149 = arith.index_cast %swap3A_148 : i32 to index
    %swap3A_150 = arith.constant 16 : index
    %swap3A_151 = tpu.vector_load %arg11[%swap3A_149, %swap3A_150] {strides = array<i32>} : memref<8x128xf32, #tpu.memory_space<vmem>>, vector<1x16xf32>,
    %swap3A_152 = vector.shape_cast %swap3A_151 : vector<1x16xf32> to vector<16xf32>
    %swap3A_153 = vector.shape_cast %broadcast_in_dim3A_46 : vector<16xf32> to vector<1x16xf32>
    tpu.vector_store %arg11[%swap3A_149, %swap3A_150], %swap3A_153 {strides = array<i32>} : memref<8x128xf32, #tpu.memory_space<vmem>>, vector<1x16xf32>,
    %swap3A_154 = arith.constant 2 : i32
    %swap3A_155 = arith.index_cast %swap3A_154 : i32 to index
    %swap3A_156 = arith.constant 32 : index
    %swap3A_157 = tpu.vector_load %arg11[%swap3A_155, %swap3A_156] {strides = array<i32>} : memref<8x128xf32, #tpu.memory_space<vmem>>, vector<1x16xf32>,
    %swap3A_158 = vector.shape_cast %swap3A_157 : vector<1x16xf32> to vector<16xf32>
    %swap3A_159 = vector.shape_cast %broadcast_in_dim3A_46 : vector<16xf32> to vector<1x16xf32>
    tpu.vector_store %arg11[%swap3A_155, %swap3A_156], %swap3A_159 {strides = array<i32>} : memref<8x128xf32, #tpu.memory_space<vmem>>, vector<1x16xf32>,
    %swap3A_160 = arith.constant 2 : i32
    %swap3A_161 = arith.index_cast %swap3A_160 : i32 to index
    %swap3A_162 = arith.constant 48 : index
    %swap3A_163 = tpu.vector_load %arg11[%swap3A_161, %swap3A_162] {strides = array<i32>} : memref<8x128xf32, #tpu.memory_space<vmem>>, vector<1x16xf32>,
    %swap3A_164 = vector.shape_cast %swap3A_163 : vector<1x16xf32> to vector<16xf32>
    %swap3A_165 = vector.shape_cast %broadcast_in_dim3A_46 : vector<16xf32> to vector<1x16xf32>
    tpu.vector_store %arg11[%swap3A_161, %swap3A_162], %swap3A_165 {strides = array<i32>} : memref<8x128xf32, #tpu.memory_space<vmem>>, vector<1x16xf32>,
    %swap3A_166 = arith.constant 2 : i32
    %swap3A_167 = arith.index_cast %swap3A_166 : i32 to index
    %swap3A_168 = arith.constant 64 : index
    %swap3A_169 = tpu.vector_load %arg11[%swap3A_167, %swap3A_168] {strides = array<i32>} : memref<8x128xf32, #tpu.memory_space<vmem>>, vector<1x16xf32>,
    %swap3A_170 = vector.shape_cast %swap3A_169 : vector<1x16xf32> to vector<16xf32>
    %swap3A_171 = vector.shape_cast %broadcast_in_dim3A_46 : vector<16xf32> to vector<1x16xf32>
    tpu.vector_store %arg11[%swap3A_167, %swap3A_168], %swap3A_171 {strides = array<i32>} : memref<8x128xf32, #tpu.memory_space<vmem>>, vector<1x16xf32>,
    %swap3A_172 = arith.constant 2 : i32
    %swap3A_173 = arith.index_cast %swap3A_172 : i32 to index
    %swap3A_174 = arith.constant 80 : index
    %swap3A_175 = tpu.vector_load %arg11[%swap3A_173, %swap3A_174] {strides = array<i32>} : memref<8x128xf32, #tpu.memory_space<vmem>>, vector<1x16xf32>,
    %swap3A_176 = vector.shape_cast %swap3A_175 : vector<1x16xf32> to vector<16xf32>
    %swap3A_177 = vector.shape_cast %broadcast_in_dim3A_46 : vector<16xf32> to vector<1x16xf32>
    tpu.vector_store %arg11[%swap3A_173, %swap3A_174], %swap3A_177 {strides = array<i32>} : memref<8x128xf32, #tpu.memory_space<vmem>>, vector<1x16xf32>,
    %swap3A_178 = arith.constant 2 : i32
    %swap3A_179 = arith.index_cast %swap3A_178 : i32 to index
    %swap3A_180 = arith.constant 96 : index
    %swap3A_181 = tpu.vector_load %arg11[%swap3A_179, %swap3A_180] {strides = array<i32>} : memref<8x128xf32, #tpu.memory_space<vmem>>, vector<1x16xf32>,
    %swap3A_182 = vector.shape_cast %swap3A_181 : vector<1x16xf32> to vector<16xf32>
    %swap3A_183 = vector.shape_cast %broadcast_in_dim3A_46 : vector<16xf32> to vector<1x16xf32>
    tpu.vector_store %arg11[%swap3A_179, %swap3A_180], %swap3A_183 {strides = array<i32>} : memref<8x128xf32, #tpu.memory_space<vmem>>, vector<1x16xf32>,
    %swap3A_184 = arith.constant 2 : i32
    %swap3A_185 = arith.index_cast %swap3A_184 : i32 to index
    %swap3A_186 = arith.constant 112 : index
    %swap3A_187 = tpu.vector_load %arg11[%swap3A_185, %swap3A_186] {strides = array<i32>} : memref<8x128xf32, #tpu.memory_space<vmem>>, vector<1x16xf32>,
    %swap3A_188 = vector.shape_cast %swap3A_187 : vector<1x16xf32> to vector<16xf32>
    %swap3A_189 = vector.shape_cast %broadcast_in_dim3A_46 : vector<16xf32> to vector<1x16xf32>
    tpu.vector_store %arg11[%swap3A_185, %swap3A_186], %swap3A_189 {strides = array<i32>} : memref<8x128xf32, #tpu.memory_space<vmem>>, vector<1x16xf32>,
    %swap3A_190 = arith.constant 3 : i32
    %swap3A_191 = arith.index_cast %swap3A_190 : i32 to index
    %swap3A_192 = arith.constant 0 : index
    %swap3A_193 = tpu.vector_load %arg11[%swap3A_191, %swap3A_192] {strides = array<i32>} : memref<8x128xf32, #tpu.memory_space<vmem>>, vector<1x16xf32>,
    %swap3A_194 = vector.shape_cast %swap3A_193 : vector<1x16xf32> to vector<16xf32>
    %swap3A_195 = vector.shape_cast %broadcast_in_dim3A_46 : vector<16xf32> to vector<1x16xf32>
    tpu.vector_store %arg11[%swap3A_191, %swap3A_192], %swap3A_195 {strides = array<i32>} : memref<8x128xf32, #tpu.memory_space<vmem>>, vector<1x16xf32>,
    %swap3A_196 = arith.constant 3 : i32
    %swap3A_197 = arith.index_cast %swap3A_196 : i32 to index
    %swap3A_198 = arith.constant 16 : index
    %swap3A_199 = tpu.vector_load %arg11[%swap3A_197, %swap3A_198] {strides = array<i32>} : memref<8x128xf32, #tpu.memory_space<vmem>>, vector<1x16xf32>,
    %swap3A_200 = vector.shape_cast %swap3A_199 : vector<1x16xf32> to vector<16xf32>
    %swap3A_201 = vector.shape_cast %broadcast_in_dim3A_46 : vector<16xf32> to vector<1x16xf32>
    tpu.vector_store %arg11[%swap3A_197, %swap3A_198], %swap3A_201 {strides = array<i32>} : memref<8x128xf32, #tpu.memory_space<vmem>>, vector<1x16xf32>,
    %swap3A_202 = arith.constant 3 : i32
    %swap3A_203 = arith.index_cast %swap3A_202 : i32 to index
    %swap3A_204 = arith.constant 32 : index
    %swap3A_205 = tpu.vector_load %arg11[%swap3A_203, %swap3A_204] {strides = array<i32>} : memref<8x128xf32, #tpu.memory_space<vmem>>, vector<1x16xf32>,
    %swap3A_206 = vector.shape_cast %swap3A_205 : vector<1x16xf32> to vector<16xf32>
    %swap3A_207 = vector.shape_cast %broadcast_in_dim3A_46 : vector<16xf32> to vector<1x16xf32>
    tpu.vector_store %arg11[%swap3A_203, %swap3A_204], %swap3A_207 {strides = array<i32>} : memref<8x128xf32, #tpu.memory_space<vmem>>, vector<1x16xf32>,
    %swap3A_208 = arith.constant 3 : i32
    %swap3A_209 = arith.index_cast %swap3A_208 : i32 to index
    %swap3A_210 = arith.constant 48 : index
    %swap3A_211 = tpu.vector_load %arg11[%swap3A_209, %swap3A_210] {strides = array<i32>} : memref<8x128xf32, #tpu.memory_space<vmem>>, vector<1x16xf32>,
    %swap3A_212 = vector.shape_cast %swap3A_211 : vector<1x16xf32> to vector<16xf32>
    %swap3A_213 = vector.shape_cast %broadcast_in_dim3A_46 : vector<16xf32> to vector<1x16xf32>
    tpu.vector_store %arg11[%swap3A_209, %swap3A_210], %swap3A_213 {strides = array<i32>} : memref<8x128xf32, #tpu.memory_space<vmem>>, vector<1x16xf32>,
    %swap3A_214 = arith.constant 3 : i32
    %swap3A_215 = arith.index_cast %swap3A_214 : i32 to index
    %swap3A_216 = arith.constant 64 : index
    %swap3A_217 = tpu.vector_load %arg11[%swap3A_215, %swap3A_216] {strides = array<i32>} : memref<8x128xf32, #tpu.memory_space<vmem>>, vector<1x16xf32>,
    %swap3A_218 = vector.shape_cast %swap3A_217 : vector<1x16xf32> to vector<16xf32>
    %swap3A_219 = vector.shape_cast %broadcast_in_dim3A_46 : vector<16xf32> to vector<1x16xf32>
    tpu.vector_store %arg11[%swap3A_215, %swap3A_216], %swap3A_219 {strides = array<i32>} : memref<8x128xf32, #tpu.memory_space<vmem>>, vector<1x16xf32>,
    %swap3A_220 = arith.constant 3 : i32
    %swap3A_221 = arith.index_cast %swap3A_220 : i32 to index
    %swap3A_222 = arith.constant 80 : index
    %swap3A_223 = tpu.vector_load %arg11[%swap3A_221, %swap3A_222] {strides = array<i32>} : memref<8x128xf32, #tpu.memory_space<vmem>>, vector<1x16xf32>,
    %swap3A_224 = vector.shape_cast %swap3A_223 : vector<1x16xf32> to vector<16xf32>
    %swap3A_225 = vector.shape_cast %broadcast_in_dim3A_46 : vector<16xf32> to vector<1x16xf32>
    tpu.vector_store %arg11[%swap3A_221, %swap3A_222], %swap3A_225 {strides = array<i32>} : memref<8x128xf32, #tpu.memory_space<vmem>>, vector<1x16xf32>,
    %swap3A_226 = arith.constant 3 : i32
    %swap3A_227 = arith.index_cast %swap3A_226 : i32 to index
    %swap3A_228 = arith.constant 96 : index
    %swap3A_229 = tpu.vector_load %arg11[%swap3A_227, %swap3A_228] {strides = array<i32>} : memref<8x128xf32, #tpu.memory_space<vmem>>, vector<1x16xf32>,
    %swap3A_230 = vector.shape_cast %swap3A_229 : vector<1x16xf32> to vector<16xf32>
    %swap3A_231 = vector.shape_cast %broadcast_in_dim3A_46 : vector<16xf32> to vector<1x16xf32>
    tpu.vector_store %arg11[%swap3A_227, %swap3A_228], %swap3A_231 {strides = array<i32>} : memref<8x128xf32, #tpu.memory_space<vmem>>, vector<1x16xf32>,
    %swap3A_232 = arith.constant 3 : i32
    %swap3A_233 = arith.index_cast %swap3A_232 : i32 to index
    %swap3A_234 = arith.constant 112 : index
    %swap3A_235 = tpu.vector_load %arg11[%swap3A_233, %swap3A_234] {strides = array<i32>} : memref<8x128xf32, #tpu.memory_space<vmem>>, vector<1x16xf32>,
    %swap3A_236 = vector.shape_cast %swap3A_235 : vector<1x16xf32> to vector<16xf32>
    %swap3A_237 = vector.shape_cast %broadcast_in_dim3A_46 : vector<16xf32> to vector<1x16xf32>
    tpu.vector_store %arg11[%swap3A_233, %swap3A_234], %swap3A_237 {strides = array<i32>} : memref<8x128xf32, #tpu.memory_space<vmem>>, vector<1x16xf32>,
    %swap3A_238 = arith.constant 4 : i32
    %swap3A_239 = arith.index_cast %swap3A_238 : i32 to index
    %swap3A_240 = arith.constant 0 : index
    %swap3A_241 = tpu.vector_load %arg11[%swap3A_239, %swap3A_240] {strides = array<i32>} : memref<8x128xf32, #tpu.memory_space<vmem>>, vector<1x16xf32>,
    %swap3A_242 = vector.shape_cast %swap3A_241 : vector<1x16xf32> to vector<16xf32>
    %swap3A_243 = vector.shape_cast %broadcast_in_dim3A_46 : vector<16xf32> to vector<1x16xf32>
    tpu.vector_store %arg11[%swap3A_239, %swap3A_240], %swap3A_243 {strides = array<i32>} : memref<8x128xf32, #tpu.memory_space<vmem>>, vector<1x16xf32>,
    %swap3A_244 = arith.constant 4 : i32
    %swap3A_245 = arith.index_cast %swap3A_244 : i32 to index
    %swap3A_246 = arith.constant 16 : index
    %swap3A_247 = tpu.vector_load %arg11[%swap3A_245, %swap3A_246] {strides = array<i32>} : memref<8x128xf32, #tpu.memory_space<vmem>>, vector<1x16xf32>,
    %swap3A_248 = vector.shape_cast %swap3A_247 : vector<1x16xf32> to vector<16xf32>
    %swap3A_249 = vector.shape_cast %broadcast_in_dim3A_46 : vector<16xf32> to vector<1x16xf32>
    tpu.vector_store %arg11[%swap3A_245, %swap3A_246], %swap3A_249 {strides = array<i32>} : memref<8x128xf32, #tpu.memory_space<vmem>>, vector<1x16xf32>,
    %swap3A_250 = arith.constant 4 : i32
    %swap3A_251 = arith.index_cast %swap3A_250 : i32 to index
    %swap3A_252 = arith.constant 32 : index
    %swap3A_253 = tpu.vector_load %arg11[%swap3A_251, %swap3A_252] {strides = array<i32>} : memref<8x128xf32, #tpu.memory_space<vmem>>, vector<1x16xf32>,
    %swap3A_254 = vector.shape_cast %swap3A_253 : vector<1x16xf32> to vector<16xf32>
    %swap3A_255 = vector.shape_cast %broadcast_in_dim3A_46 : vector<16xf32> to vector<1x16xf32>
    tpu.vector_store %arg11[%swap3A_251, %swap3A_252], %swap3A_255 {strides = array<i32>} : memref<8x128xf32, #tpu.memory_space<vmem>>, vector<1x16xf32>,
    %swap3A_256 = arith.constant 4 : i32
    %swap3A_257 = arith.index_cast %swap3A_256 : i32 to index
    %swap3A_258 = arith.constant 48 : index
    %swap3A_259 = tpu.vector_load %arg11[%swap3A_257, %swap3A_258] {strides = array<i32>} : memref<8x128xf32, #tpu.memory_space<vmem>>, vector<1x16xf32>,
    %swap3A_260 = vector.shape_cast %swap3A_259 : vector<1x16xf32> to vector<16xf32>
    %swap3A_261 = vector.shape_cast %broadcast_in_dim3A_46 : vector<16xf32> to vector<1x16xf32>
    tpu.vector_store %arg11[%swap3A_257, %swap3A_258], %swap3A_261 {strides = array<i32>} : memref<8x128xf32, #tpu.memory_space<vmem>>, vector<1x16xf32>,
    %swap3A_262 = arith.constant 4 : i32
    %swap3A_263 = arith.index_cast %swap3A_262 : i32 to index
    %swap3A_264 = arith.constant 64 : index
    %swap3A_265 = tpu.vector_load %arg11[%swap3A_263, %swap3A_264] {strides = array<i32>} : memref<8x128xf32, #tpu.memory_space<vmem>>, vector<1x16xf32>,
    %swap3A_266 = vector.shape_cast %swap3A_265 : vector<1x16xf32> to vector<16xf32>
    %swap3A_267 = vector.shape_cast %broadcast_in_dim3A_46 : vector<16xf32> to vector<1x16xf32>
    tpu.vector_store %arg11[%swap3A_263, %swap3A_264], %swap3A_267 {strides = array<i32>} : memref<8x128xf32, #tpu.memory_space<vmem>>, vector<1x16xf32>,
    %swap3A_268 = arith.constant 4 : i32
    %swap3A_269 = arith.index_cast %swap3A_268 : i32 to index
    %swap3A_270 = arith.constant 80 : index
    %swap3A_271 = tpu.vector_load %arg11[%swap3A_269, %swap3A_270] {strides = array<i32>} : memref<8x128xf32, #tpu.memory_space<vmem>>, vector<1x16xf32>,
    %swap3A_272 = vector.shape_cast %swap3A_271 : vector<1x16xf32> to vector<16xf32>
    %swap3A_273 = vector.shape_cast %broadcast_in_dim3A_46 : vector<16xf32> to vector<1x16xf32>
    tpu.vector_store %arg11[%swap3A_269, %swap3A_270], %swap3A_273 {strides = array<i32>} : memref<8x128xf32, #tpu.memory_space<vmem>>, vector<1x16xf32>,
    %swap3A_274 = arith.constant 4 : i32
    %swap3A_275 = arith.index_cast %swap3A_274 : i32 to index
    %swap3A_276 = arith.constant 96 : index
    %swap3A_277 = tpu.vector_load %arg11[%swap3A_275, %swap3A_276] {strides = array<i32>} : memref<8x128xf32, #tpu.memory_space<vmem>>, vector<1x16xf32>,
    %swap3A_278 = vector.shape_cast %swap3A_277 : vector<1x16xf32> to vector<16xf32>
    %swap3A_279 = vector.shape_cast %broadcast_in_dim3A_46 : vector<16xf32> to vector<1x16xf32>
    tpu.vector_store %arg11[%swap3A_275, %swap3A_276], %swap3A_279 {strides = array<i32>} : memref<8x128xf32, #tpu.memory_space<vmem>>, vector<1x16xf32>,
    %swap3A_280 = arith.constant 4 : i32
    %swap3A_281 = arith.index_cast %swap3A_280 : i32 to index
    %swap3A_282 = arith.constant 112 : index
    %swap3A_283 = tpu.vector_load %arg11[%swap3A_281, %swap3A_282] {strides = array<i32>} : memref<8x128xf32, #tpu.memory_space<vmem>>, vector<1x16xf32>,
    %swap3A_284 = vector.shape_cast %swap3A_283 : vector<1x16xf32> to vector<16xf32>
    %swap3A_285 = vector.shape_cast %broadcast_in_dim3A_46 : vector<16xf32> to vector<1x16xf32>
    tpu.vector_store %arg11[%swap3A_281, %swap3A_282], %swap3A_285 {strides = array<i32>} : memref<8x128xf32, #tpu.memory_space<vmem>>, vector<1x16xf32>,
    %swap3A_286 = arith.constant 5 : i32
    %swap3A_287 = arith.index_cast %swap3A_286 : i32 to index
    %swap3A_288 = arith.constant 0 : index
    %swap3A_289 = tpu.vector_load %arg11[%swap3A_287, %swap3A_288] {strides = array<i32>} : memref<8x128xf32, #tpu.memory_space<vmem>>, vector<1x16xf32>,
    %swap3A_290 = vector.shape_cast %swap3A_289 : vector<1x16xf32> to vector<16xf32>
    %swap3A_291 = vector.shape_cast %broadcast_in_dim3A_46 : vector<16xf32> to vector<1x16xf32>
    tpu.vector_store %arg11[%swap3A_287, %swap3A_288], %swap3A_291 {strides = array<i32>} : memref<8x128xf32, #tpu.memory_space<vmem>>, vector<1x16xf32>,
    %swap3A_292 = arith.constant 5 : i32
    %swap3A_293 = arith.index_cast %swap3A_292 : i32 to index
    %swap3A_294 = arith.constant 16 : index
    %swap3A_295 = tpu.vector_load %arg11[%swap3A_293, %swap3A_294] {strides = array<i32>} : memref<8x128xf32, #tpu.memory_space<vmem>>, vector<1x16xf32>,
    %swap3A_296 = vector.shape_cast %swap3A_295 : vector<1x16xf32> to vector<16xf32>
    %swap3A_297 = vector.shape_cast %broadcast_in_dim3A_46 : vector<16xf32> to vector<1x16xf32>
    tpu.vector_store %arg11[%swap3A_293, %swap3A_294], %swap3A_297 {strides = array<i32>} : memref<8x128xf32, #tpu.memory_space<vmem>>, vector<1x16xf32>,
    %swap3A_298 = arith.constant 5 : i32
    %swap3A_299 = arith.index_cast %swap3A_298 : i32 to index
    %swap3A_300 = arith.constant 32 : index
    %swap3A_301 = tpu.vector_load %arg11[%swap3A_299, %swap3A_300] {strides = array<i32>} : memref<8x128xf32, #tpu.memory_space<vmem>>, vector<1x16xf32>,
    %swap3A_302 = vector.shape_cast %swap3A_301 : vector<1x16xf32> to vector<16xf32>
    %swap3A_303 = vector.shape_cast %broadcast_in_dim3A_46 : vector<16xf32> to vector<1x16xf32>
    tpu.vector_store %arg11[%swap3A_299, %swap3A_300], %swap3A_303 {strides = array<i32>} : memref<8x128xf32, #tpu.memory_space<vmem>>, vector<1x16xf32>,
    %swap3A_304 = arith.constant 5 : i32
    %swap3A_305 = arith.index_cast %swap3A_304 : i32 to index
    %swap3A_306 = arith.constant 48 : index
    %swap3A_307 = tpu.vector_load %arg11[%swap3A_305, %swap3A_306] {strides = array<i32>} : memref<8x128xf32, #tpu.memory_space<vmem>>, vector<1x16xf32>,
    %swap3A_308 = vector.shape_cast %swap3A_307 : vector<1x16xf32> to vector<16xf32>
    %swap3A_309 = vector.shape_cast %broadcast_in_dim3A_46 : vector<16xf32> to vector<1x16xf32>
    tpu.vector_store %arg11[%swap3A_305, %swap3A_306], %swap3A_309 {strides = array<i32>} : memref<8x128xf32, #tpu.memory_space<vmem>>, vector<1x16xf32>,
    %swap3A_310 = arith.constant 5 : i32
    %swap3A_311 = arith.index_cast %swap3A_310 : i32 to index
    %swap3A_312 = arith.constant 64 : index
    %swap3A_313 = tpu.vector_load %arg11[%swap3A_311, %swap3A_312] {strides = array<i32>} : memref<8x128xf32, #tpu.memory_space<vmem>>, vector<1x16xf32>,
    %swap3A_314 = vector.shape_cast %swap3A_313 : vector<1x16xf32> to vector<16xf32>
    %swap3A_315 = vector.shape_cast %broadcast_in_dim3A_46 : vector<16xf32> to vector<1x16xf32>
    tpu.vector_store %arg11[%swap3A_311, %swap3A_312], %swap3A_315 {strides = array<i32>} : memref<8x128xf32, #tpu.memory_space<vmem>>, vector<1x16xf32>,
    %swap3A_316 = arith.constant 5 : i32
    %swap3A_317 = arith.index_cast %swap3A_316 : i32 to index
    %swap3A_318 = arith.constant 80 : index
    %swap3A_319 = tpu.vector_load %arg11[%swap3A_317, %swap3A_318] {strides = array<i32>} : memref<8x128xf32, #tpu.memory_space<vmem>>, vector<1x16xf32>,
    %swap3A_320 = vector.shape_cast %swap3A_319 : vector<1x16xf32> to vector<16xf32>
    %swap3A_321 = vector.shape_cast %broadcast_in_dim3A_46 : vector<16xf32> to vector<1x16xf32>
    tpu.vector_store %arg11[%swap3A_317, %swap3A_318], %swap3A_321 {strides = array<i32>} : memref<8x128xf32, #tpu.memory_space<vmem>>, vector<1x16xf32>,
    %swap3A_322 = arith.constant 5 : i32
    %swap3A_323 = arith.index_cast %swap3A_322 : i32 to index
    %swap3A_324 = arith.constant 96 : index
    %swap3A_325 = tpu.vector_load %arg11[%swap3A_323, %swap3A_324] {strides = array<i32>} : memref<8x128xf32, #tpu.memory_space<vmem>>, vector<1x16xf32>,
    %swap3A_326 = vector.shape_cast %swap3A_325 : vector<1x16xf32> to vector<16xf32>
    %swap3A_327 = vector.shape_cast %broadcast_in_dim3A_46 : vector<16xf32> to vector<1x16xf32>
    tpu.vector_store %arg11[%swap3A_323, %swap3A_324], %swap3A_327 {strides = array<i32>} : memref<8x128xf32, #tpu.memory_space<vmem>>, vector<1x16xf32>,
    %swap3A_328 = arith.constant 5 : i32
    %swap3A_329 = arith.index_cast %swap3A_328 : i32 to index
    %swap3A_330 = arith.constant 112 : index
    %swap3A_331 = tpu.vector_load %arg11[%swap3A_329, %swap3A_330] {strides = array<i32>} : memref<8x128xf32, #tpu.memory_space<vmem>>, vector<1x16xf32>,
    %swap3A_332 = vector.shape_cast %swap3A_331 : vector<1x16xf32> to vector<16xf32>
    %swap3A_333 = vector.shape_cast %broadcast_in_dim3A_46 : vector<16xf32> to vector<1x16xf32>
    tpu.vector_store %arg11[%swap3A_329, %swap3A_330], %swap3A_333 {strides = array<i32>} : memref<8x128xf32, #tpu.memory_space<vmem>>, vector<1x16xf32>,
    %swap3A_334 = arith.constant 6 : i32
    %swap3A_335 = arith.index_cast %swap3A_334 : i32 to index
    %swap3A_336 = arith.constant 0 : index
    %swap3A_337 = tpu.vector_load %arg11[%swap3A_335, %swap3A_336] {strides = array<i32>} : memref<8x128xf32, #tpu.memory_space<vmem>>, vector<1x16xf32>,
    %swap3A_338 = vector.shape_cast %swap3A_337 : vector<1x16xf32> to vector<16xf32>
    %swap3A_339 = vector.shape_cast %broadcast_in_dim3A_46 : vector<16xf32> to vector<1x16xf32>
    tpu.vector_store %arg11[%swap3A_335, %swap3A_336], %swap3A_339 {strides = array<i32>} : memref<8x128xf32, #tpu.memory_space<vmem>>, vector<1x16xf32>,
    %swap3A_340 = arith.constant 6 : i32
    %swap3A_341 = arith.index_cast %swap3A_340 : i32 to index
    %swap3A_342 = arith.constant 16 : index
    %swap3A_343 = tpu.vector_load %arg11[%swap3A_341, %swap3A_342] {strides = array<i32>} : memref<8x128xf32, #tpu.memory_space<vmem>>, vector<1x16xf32>,
    %swap3A_344 = vector.shape_cast %swap3A_343 : vector<1x16xf32> to vector<16xf32>
    %swap3A_345 = vector.shape_cast %broadcast_in_dim3A_46 : vector<16xf32> to vector<1x16xf32>
    tpu.vector_store %arg11[%swap3A_341, %swap3A_342], %swap3A_345 {strides = array<i32>} : memref<8x128xf32, #tpu.memory_space<vmem>>, vector<1x16xf32>,
    %swap3A_346 = arith.constant 6 : i32
    %swap3A_347 = arith.index_cast %swap3A_346 : i32 to index
    %swap3A_348 = arith.constant 32 : index
    %swap3A_349 = tpu.vector_load %arg11[%swap3A_347, %swap3A_348] {strides = array<i32>} : memref<8x128xf32, #tpu.memory_space<vmem>>, vector<1x16xf32>,
    %swap3A_350 = vector.shape_cast %swap3A_349 : vector<1x16xf32> to vector<16xf32>
    %swap3A_351 = vector.shape_cast %broadcast_in_dim3A_46 : vector<16xf32> to vector<1x16xf32>
    tpu.vector_store %arg11[%swap3A_347, %swap3A_348], %swap3A_351 {strides = array<i32>} : memref<8x128xf32, #tpu.memory_space<vmem>>, vector<1x16xf32>,
    %swap3A_352 = arith.constant 6 : i32
    %swap3A_353 = arith.index_cast %swap3A_352 : i32 to index
    %swap3A_354 = arith.constant 48 : index
    %swap3A_355 = tpu.vector_load %arg11[%swap3A_353, %swap3A_354] {strides = array<i32>} : memref<8x128xf32, #tpu.memory_space<vmem>>, vector<1x16xf32>,
    %swap3A_356 = vector.shape_cast %swap3A_355 : vector<1x16xf32> to vector<16xf32>
    %swap3A_357 = vector.shape_cast %broadcast_in_dim3A_46 : vector<16xf32> to vector<1x16xf32>
    tpu.vector_store %arg11[%swap3A_353, %swap3A_354], %swap3A_357 {strides = array<i32>} : memref<8x128xf32, #tpu.memory_space<vmem>>, vector<1x16xf32>,
    %swap3A_358 = arith.constant 6 : i32
    %swap3A_359 = arith.index_cast %swap3A_358 : i32 to index
    %swap3A_360 = arith.constant 64 : index
    %swap3A_361 = tpu.vector_load %arg11[%swap3A_359, %swap3A_360] {strides = array<i32>} : memref<8x128xf32, #tpu.memory_space<vmem>>, vector<1x16xf32>,
    %swap3A_362 = vector.shape_cast %swap3A_361 : vector<1x16xf32> to vector<16xf32>
    %swap3A_363 = vector.shape_cast %broadcast_in_dim3A_46 : vector<16xf32> to vector<1x16xf32>
    tpu.vector_store %arg11[%swap3A_359, %swap3A_360], %swap3A_363 {strides = array<i32>} : memref<8x128xf32, #tpu.memory_space<vmem>>, vector<1x16xf32>,
    %swap3A_364 = arith.constant 6 : i32
    %swap3A_365 = arith.index_cast %swap3A_364 : i32 to index
    %swap3A_366 = arith.constant 80 : index
    %swap3A_367 = tpu.vector_load %arg11[%swap3A_365, %swap3A_366] {strides = array<i32>} : memref<8x128xf32, #tpu.memory_space<vmem>>, vector<1x16xf32>,
    %swap3A_368 = vector.shape_cast %swap3A_367 : vector<1x16xf32> to vector<16xf32>
    %swap3A_369 = vector.shape_cast %broadcast_in_dim3A_46 : vector<16xf32> to vector<1x16xf32>
    tpu.vector_store %arg11[%swap3A_365, %swap3A_366], %swap3A_369 {strides = array<i32>} : memref<8x128xf32, #tpu.memory_space<vmem>>, vector<1x16xf32>,
    %swap3A_370 = arith.constant 6 : i32
    %swap3A_371 = arith.index_cast %swap3A_370 : i32 to index
    %swap3A_372 = arith.constant 96 : index
    %swap3A_373 = tpu.vector_load %arg11[%swap3A_371, %swap3A_372] {strides = array<i32>} : memref<8x128xf32, #tpu.memory_space<vmem>>, vector<1x16xf32>,
    %swap3A_374 = vector.shape_cast %swap3A_373 : vector<1x16xf32> to vector<16xf32>
    %swap3A_375 = vector.shape_cast %broadcast_in_dim3A_46 : vector<16xf32> to vector<1x16xf32>
    tpu.vector_store %arg11[%swap3A_371, %swap3A_372], %swap3A_375 {strides = array<i32>} : memref<8x128xf32, #tpu.memory_space<vmem>>, vector<1x16xf32>,
    %swap3A_376 = arith.constant 6 : i32
    %swap3A_377 = arith.index_cast %swap3A_376 : i32 to index
    %swap3A_378 = arith.constant 112 : index
    %swap3A_379 = tpu.vector_load %arg11[%swap3A_377, %swap3A_378] {strides = array<i32>} : memref<8x128xf32, #tpu.memory_space<vmem>>, vector<1x16xf32>,
    %swap3A_380 = vector.shape_cast %swap3A_379 : vector<1x16xf32> to vector<16xf32>
    %swap3A_381 = vector.shape_cast %broadcast_in_dim3A_46 : vector<16xf32> to vector<1x16xf32>
    tpu.vector_store %arg11[%swap3A_377, %swap3A_378], %swap3A_381 {strides = array<i32>} : memref<8x128xf32, #tpu.memory_space<vmem>>, vector<1x16xf32>,
    %swap3A_382 = arith.constant 7 : i32
    %swap3A_383 = arith.index_cast %swap3A_382 : i32 to index
    %swap3A_384 = arith.constant 0 : index
    %swap3A_385 = tpu.vector_load %arg11[%swap3A_383, %swap3A_384] {strides = array<i32>} : memref<8x128xf32, #tpu.memory_space<vmem>>, vector<1x16xf32>,
    %swap3A_386 = vector.shape_cast %swap3A_385 : vector<1x16xf32> to vector<16xf32>
    %swap3A_387 = vector.shape_cast %broadcast_in_dim3A_46 : vector<16xf32> to vector<1x16xf32>
    tpu.vector_store %arg11[%swap3A_383, %swap3A_384], %swap3A_387 {strides = array<i32>} : memref<8x128xf32, #tpu.memory_space<vmem>>, vector<1x16xf32>,
    %swap3A_388 = arith.constant 7 : i32
    %swap3A_389 = arith.index_cast %swap3A_388 : i32 to index
    %swap3A_390 = arith.constant 16 : index
    %swap3A_391 = tpu.vector_load %arg11[%swap3A_389, %swap3A_390] {strides = array<i32>} : memref<8x128xf32, #tpu.memory_space<vmem>>, vector<1x16xf32>,
    %swap3A_392 = vector.shape_cast %swap3A_391 : vector<1x16xf32> to vector<16xf32>
    %swap3A_393 = vector.shape_cast %broadcast_in_dim3A_46 : vector<16xf32> to vector<1x16xf32>
    tpu.vector_store %arg11[%swap3A_389, %swap3A_390], %swap3A_393 {strides = array<i32>} : memref<8x128xf32, #tpu.memory_space<vmem>>, vector<1x16xf32>,
    %swap3A_394 = arith.constant 7 : i32
    %swap3A_395 = arith.index_cast %swap3A_394 : i32 to index
    %swap3A_396 = arith.constant 32 : index
    %swap3A_397 = tpu.vector_load %arg11[%swap3A_395, %swap3A_396] {strides = array<i32>} : memref<8x128xf32, #tpu.memory_space<vmem>>, vector<1x16xf32>,
    %swap3A_398 = vector.shape_cast %swap3A_397 : vector<1x16xf32> to vector<16xf32>
    %swap3A_399 = vector.shape_cast %broadcast_in_dim3A_46 : vector<16xf32> to vector<1x16xf32>
    tpu.vector_store %arg11[%swap3A_395, %swap3A_396], %swap3A_399 {strides = array<i32>} : memref<8x128xf32, #tpu.memory_space<vmem>>, vector<1x16xf32>,
    %swap3A_400 = arith.constant 7 : i32
    %swap3A_401 = arith.index_cast %swap3A_400 : i32 to index
    %swap3A_402 = arith.constant 48 : index
    %swap3A_403 = tpu.vector_load %arg11[%swap3A_401, %swap3A_402] {strides = array<i32>} : memref<8x128xf32, #tpu.memory_space<vmem>>, vector<1x16xf32>,
    %swap3A_404 = vector.shape_cast %swap3A_403 : vector<1x16xf32> to vector<16xf32>
    %swap3A_405 = vector.shape_cast %broadcast_in_dim3A_46 : vector<16xf32> to vector<1x16xf32>
    tpu.vector_store %arg11[%swap3A_401, %swap3A_402], %swap3A_405 {strides = array<i32>} : memref<8x128xf32, #tpu.memory_space<vmem>>, vector<1x16xf32>,
    %swap3A_406 = arith.constant 7 : i32
    %swap3A_407 = arith.index_cast %swap3A_406 : i32 to index
    %swap3A_408 = arith.constant 64 : index
    %swap3A_409 = tpu.vector_load %arg11[%swap3A_407, %swap3A_408] {strides = array<i32>} : memref<8x128xf32, #tpu.memory_space<vmem>>, vector<1x16xf32>,
    %swap3A_410 = vector.shape_cast %swap3A_409 : vector<1x16xf32> to vector<16xf32>
    %swap3A_411 = vector.shape_cast %broadcast_in_dim3A_46 : vector<16xf32> to vector<1x16xf32>
    tpu.vector_store %arg11[%swap3A_407, %swap3A_408], %swap3A_411 {strides = array<i32>} : memref<8x128xf32, #tpu.memory_space<vmem>>, vector<1x16xf32>,
    %swap3A_412 = arith.constant 7 : i32
    %swap3A_413 = arith.index_cast %swap3A_412 : i32 to index
    %swap3A_414 = arith.constant 80 : index
    %swap3A_415 = tpu.vector_load %arg11[%swap3A_413, %swap3A_414] {strides = array<i32>} : memref<8x128xf32, #tpu.memory_space<vmem>>, vector<1x16xf32>,
    %swap3A_416 = vector.shape_cast %swap3A_415 : vector<1x16xf32> to vector<16xf32>
    %swap3A_417 = vector.shape_cast %broadcast_in_dim3A_46 : vector<16xf32> to vector<1x16xf32>
    tpu.vector_store %arg11[%swap3A_413, %swap3A_414], %swap3A_417 {strides = array<i32>} : memref<8x128xf32, #tpu.memory_space<vmem>>, vector<1x16xf32>,
    %swap3A_418 = arith.constant 7 : i32
    %swap3A_419 = arith.index_cast %swap3A_418 : i32 to index
    %swap3A_420 = arith.constant 96 : index
    %swap3A_421 = tpu.vector_load %arg11[%swap3A_419, %swap3A_420] {strides = array<i32>} : memref<8x128xf32, #tpu.memory_space<vmem>>, vector<1x16xf32>,
    %swap3A_422 = vector.shape_cast %swap3A_421 : vector<1x16xf32> to vector<16xf32>
    %swap3A_423 = vector.shape_cast %broadcast_in_dim3A_46 : vector<16xf32> to vector<1x16xf32>
    tpu.vector_store %arg11[%swap3A_419, %swap3A_420], %swap3A_423 {strides = array<i32>} : memref<8x128xf32, #tpu.memory_space<vmem>>, vector<1x16xf32>,
    %swap3A_424 = arith.constant 7 : i32
    %swap3A_425 = arith.index_cast %swap3A_424 : i32 to index
    %swap3A_426 = arith.constant 112 : index
    %swap3A_427 = tpu.vector_load %arg11[%swap3A_425, %swap3A_426] {strides = array<i32>} : memref<8x128xf32, #tpu.memory_space<vmem>>, vector<1x16xf32>,
    %swap3A_428 = vector.shape_cast %swap3A_427 : vector<1x16xf32> to vector<16xf32>
    %swap3A_429 = vector.shape_cast %broadcast_in_dim3A_46 : vector<16xf32> to vector<1x16xf32>
    tpu.vector_store %arg11[%swap3A_425, %swap3A_426], %swap3A_429 {strides = array<i32>} : memref<8x128xf32, #tpu.memory_space<vmem>>, vector<1x16xf32>,
    "tpu.region"() ({
      %run_scoped3A_452 = tpu.sem_alloc : memref<!tpu.dma_semaphore, #tpu.memory_space<semaphore_mem>>
      %dma_start3A_453 = arith.constant 0 : i32
      %dma_start3A_454 = arith.constant 0 : i32
      %dma_start3A_455 = tpu.memref_slice %arg12[%arg1, %dma_start3A_453, %dma_start3A_454] : memref<16x128x128xf32, #tpu.memory_space<vmem_shared>> -> memref<1x8x128xf32, #tpu.memory_space<vmem_shared>>
      %dma_start3A_456 = tpu.memref_squeeze %dma_start3A_455 : memref<1x8x128xf32, #tpu.memory_space<vmem_shared>> -> memref<8x128xf32, #tpu.memory_space<vmem_shared>>
      %dma_start3A_457 = arith.constant 0 : i32
      %dma_start3A_458 = arith.constant 0 : i32
      %dma_start3A_459 = tpu.memref_slice %arg12[%arg1, %dma_start3A_457, %dma_start3A_458] : memref<16x128x128xf32, #tpu.memory_space<vmem_shared>> -> memref<1x8x128xf32, #tpu.memory_space<vmem_shared>>
      %dma_start3A_460 = tpu.memref_squeeze %dma_start3A_459 : memref<1x8x128xf32, #tpu.memory_space<vmem_shared>> -> memref<8x128xf32, #tpu.memory_space<vmem_shared>>
      tpu.enqueue_dma source(%arg11 : memref<8x128xf32, #tpu.memory_space<vmem>>) target(%dma_start3A_460 : memref<8x128xf32, #tpu.memory_space<vmem_shared>>) target_semaphore(%run_scoped3A_452 : memref<!tpu.dma_semaphore, #tpu.memory_space<semaphore_mem>>)
      %dma_wait3A = arith.constant 0 : i32
      %dma_wait3A_461 = arith.constant 0 : i32
      %dma_wait3A_462 = tpu.memref_slice %arg12[%arg1, %dma_wait3A, %dma_wait3A_461] : memref<16x128x128xf32, #tpu.memory_space<vmem_shared>> -> memref<1x8x128xf32, #tpu.memory_space<vmem_shared>>
      %dma_wait3A_463 = tpu.memref_squeeze %dma_wait3A_462 : memref<1x8x128xf32, #tpu.memory_space<vmem_shared>> -> memref<8x128xf32, #tpu.memory_space<vmem_shared>>
      %dma_wait3A_464 = arith.constant 0 : i32
      %dma_wait3A_465 = arith.constant 0 : i32
      %dma_wait3A_466 = tpu.memref_slice %arg12[%arg1, %dma_wait3A_464, %dma_wait3A_465] : memref<16x128x128xf32, #tpu.memory_space<vmem_shared>> -> memref<1x8x128xf32, #tpu.memory_space<vmem_shared>>
      %dma_wait3A_467 = tpu.memref_squeeze %dma_wait3A_466 : memref<1x8x128xf32, #tpu.memory_space<vmem_shared>> -> memref<8x128xf32, #tpu.memory_space<vmem_shared>>
      tpu.wait_dma2 semaphore(%run_scoped3A_452 : memref<!tpu.dma_semaphore, #tpu.memory_space<semaphore_mem>>) src(%arg11 : memref<8x128xf32, #tpu.memory_space<vmem>>) dst(%dma_wait3A_467 : memref<8x128xf32, #tpu.memory_space<vmem_shared>>)
      tpu.yield
    }) : () -> ()
    "tpu.region"() ({
      %run_scoped3A_452 = tpu.sem_alloc : memref<!tpu.dma_semaphore, #tpu.memory_space<semaphore_mem>>
      %dma_start3A_453 = arith.constant 8 : i32
      %dma_start3A_454 = arith.constant 0 : i32
      %dma_start3A_455 = tpu.memref_slice %arg12[%arg1, %dma_start3A_453, %dma_start3A_454] : memref<16x128x128xf32, #tpu.memory_space<vmem_shared>> -> memref<1x8x128xf32, #tpu.memory_space<vmem_shared>>
      %dma_start3A_456 = tpu.memref_squeeze %dma_start3A_455 : memref<1x8x128xf32, #tpu.memory_space<vmem_shared>> -> memref<8x128xf32, #tpu.memory_space<vmem_shared>>
      %dma_start3A_457 = arith.constant 8 : i32
      %dma_start3A_458 = arith.constant 0 : i32
      %dma_start3A_459 = tpu.memref_slice %arg12[%arg1, %dma_start3A_457, %dma_start3A_458] : memref<16x128x128xf32, #tpu.memory_space<vmem_shared>> -> memref<1x8x128xf32, #tpu.memory_space<vmem_shared>>
      %dma_start3A_460 = tpu.memref_squeeze %dma_start3A_459 : memref<1x8x128xf32, #tpu.memory_space<vmem_shared>> -> memref<8x128xf32, #tpu.memory_space<vmem_shared>>
      tpu.enqueue_dma source(%arg11 : memref<8x128xf32, #tpu.memory_space<vmem>>) target(%dma_start3A_460 : memref<8x128xf32, #tpu.memory_space<vmem_shared>>) target_semaphore(%run_scoped3A_452 : memref<!tpu.dma_semaphore, #tpu.memory_space<semaphore_mem>>)
      %dma_wait3A = arith.constant 8 : i32
      %dma_wait3A_461 = arith.constant 0 : i32
      %dma_wait3A_462 = tpu.memref_slice %arg12[%arg1, %dma_wait3A, %dma_wait3A_461] : memref<16x128x128xf32, #tpu.memory_space<vmem_shared>> -> memref<1x8x128xf32, #tpu.memory_space<vmem_shared>>
      %dma_wait3A_463 = tpu.memref_squeeze %dma_wait3A_462 : memref<1x8x128xf32, #tpu.memory_space<vmem_shared>> -> memref<8x128xf32, #tpu.memory_space<vmem_shared>>
      %dma_wait3A_464 = arith.constant 8 : i32
      %dma_wait3A_465 = arith.constant 0 : i32
      %dma_wait3A_466 = tpu.memref_slice %arg12[%arg1, %dma_wait3A_464, %dma_wait3A_465] : memref<16x128x128xf32, #tpu.memory_space<vmem_shared>> -> memref<1x8x128xf32, #tpu.memory_space<vmem_shared>>
      %dma_wait3A_467 = tpu.memref_squeeze %dma_wait3A_466 : memref<1x8x128xf32, #tpu.memory_space<vmem_shared>> -> memref<8x128xf32, #tpu.memory_space<vmem_shared>>
      tpu.wait_dma2 semaphore(%run_scoped3A_452 : memref<!tpu.dma_semaphore, #tpu.memory_space<semaphore_mem>>) src(%arg11 : memref<8x128xf32, #tpu.memory_space<vmem>>) dst(%dma_wait3A_467 : memref<8x128xf32, #tpu.memory_space<vmem_shared>>)
      tpu.yield
    }) : () -> ()
    "tpu.region"() ({
      %run_scoped3A_452 = tpu.sem_alloc : memref<!tpu.dma_semaphore, #tpu.memory_space<semaphore_mem>>
      %dma_start3A_453 = arith.constant 16 : i32
      %dma_start3A_454 = arith.constant 0 : i32
      %dma_start3A_455 = tpu.memref_slice %arg12[%arg1, %dma_start3A_453, %dma_start3A_454] : memref<16x128x128xf32, #tpu.memory_space<vmem_shared>> -> memref<1x8x128xf32, #tpu.memory_space<vmem_shared>>
      %dma_start3A_456 = tpu.memref_squeeze %dma_start3A_455 : memref<1x8x128xf32, #tpu.memory_space<vmem_shared>> -> memref<8x128xf32, #tpu.memory_space<vmem_shared>>
      %dma_start3A_457 = arith.constant 16 : i32
      %dma_start3A_458 = arith.constant 0 : i32
      %dma_start3A_459 = tpu.memref_slice %arg12[%arg1, %dma_start3A_457, %dma_start3A_458] : memref<16x128x128xf32, #tpu.memory_space<vmem_shared>> -> memref<1x8x128xf32, #tpu.memory_space<vmem_shared>>
      %dma_start3A_460 = tpu.memref_squeeze %dma_start3A_459 : memref<1x8x128xf32, #tpu.memory_space<vmem_shared>> -> memref<8x128xf32, #tpu.memory_space<vmem_shared>>
      tpu.enqueue_dma source(%arg11 : memref<8x128xf32, #tpu.memory_space<vmem>>) target(%dma_start3A_460 : memref<8x128xf32, #tpu.memory_space<vmem_shared>>) target_semaphore(%run_scoped3A_452 : memref<!tpu.dma_semaphore, #tpu.memory_space<semaphore_mem>>)
      %dma_wait3A = arith.constant 16 : i32
      %dma_wait3A_461 = arith.constant 0 : i32
      %dma_wait3A_462 = tpu.memref_slice %arg12[%arg1, %dma_wait3A, %dma_wait3A_461] : memref<16x128x128xf32, #tpu.memory_space<vmem_shared>> -> memref<1x8x128xf32, #tpu.memory_space<vmem_shared>>
      %dma_wait3A_463 = tpu.memref_squeeze %dma_wait3A_462 : memref<1x8x128xf32, #tpu.memory_space<vmem_shared>> -> memref<8x128xf32, #tpu.memory_space<vmem_shared>>
      %dma_wait3A_464 = arith.constant 16 : i32
      %dma_wait3A_465 = arith.constant 0 : i32
      %dma_wait3A_466 = tpu.memref_slice %arg12[%arg1, %dma_wait3A_464, %dma_wait3A_465] : memref<16x128x128xf32, #tpu.memory_space<vmem_shared>> -> memref<1x8x128xf32, #tpu.memory_space<vmem_shared>>
      %dma_wait3A_467 = tpu.memref_squeeze %dma_wait3A_466 : memref<1x8x128xf32, #tpu.memory_space<vmem_shared>> -> memref<8x128xf32, #tpu.memory_space<vmem_shared>>
      tpu.wait_dma2 semaphore(%run_scoped3A_452 : memref<!tpu.dma_semaphore, #tpu.memory_space<semaphore_mem>>) src(%arg11 : memref<8x128xf32, #tpu.memory_space<vmem>>) dst(%dma_wait3A_467 : memref<8x128xf32, #tpu.memory_space<vmem_shared>>)
      tpu.yield
    }) : () -> ()
    "tpu.region"() ({
      %run_scoped3A_452 = tpu.sem_alloc : memref<!tpu.dma_semaphore, #tpu.memory_space<semaphore_mem>>
      %dma_start3A_453 = arith.constant 24 : i32
      %dma_start3A_454 = arith.constant 0 : i32
      %dma_start3A_455 = tpu.memref_slice %arg12[%arg1, %dma_start3A_453, %dma_start3A_454] : memref<16x128x128xf32, #tpu.memory_space<vmem_shared>> -> memref<1x8x128xf32, #tpu.memory_space<vmem_shared>>
      %dma_start3A_456 = tpu.memref_squeeze %dma_start3A_455 : memref<1x8x128xf32, #tpu.memory_space<vmem_shared>> -> memref<8x128xf32, #tpu.memory_space<vmem_shared>>
      %dma_start3A_457 = arith.constant 24 : i32
      %dma_start3A_458 = arith.constant 0 : i32
      %dma_start3A_459 = tpu.memref_slice %arg12[%arg1, %dma_start3A_457, %dma_start3A_458] : memref<16x128x128xf32, #tpu.memory_space<vmem_shared>> -> memref<1x8x128xf32, #tpu.memory_space<vmem_shared>>
      %dma_start3A_460 = tpu.memref_squeeze %dma_start3A_459 : memref<1x8x128xf32, #tpu.memory_space<vmem_shared>> -> memref<8x128xf32, #tpu.memory_space<vmem_shared>>
      tpu.enqueue_dma source(%arg11 : memref<8x128xf32, #tpu.memory_space<vmem>>) target(%dma_start3A_460 : memref<8x128xf32, #tpu.memory_space<vmem_shared>>) target_semaphore(%run_scoped3A_452 : memref<!tpu.dma_semaphore, #tpu.memory_space<semaphore_mem>>)
      %dma_wait3A = arith.constant 24 : i32
      %dma_wait3A_461 = arith.constant 0 : i32
      %dma_wait3A_462 = tpu.memref_slice %arg12[%arg1, %dma_wait3A, %dma_wait3A_461] : memref<16x128x128xf32, #tpu.memory_space<vmem_shared>> -> memref<1x8x128xf32, #tpu.memory_space<vmem_shared>>
      %dma_wait3A_463 = tpu.memref_squeeze %dma_wait3A_462 : memref<1x8x128xf32, #tpu.memory_space<vmem_shared>> -> memref<8x128xf32, #tpu.memory_space<vmem_shared>>
      %dma_wait3A_464 = arith.constant 24 : i32
      %dma_wait3A_465 = arith.constant 0 : i32
      %dma_wait3A_466 = tpu.memref_slice %arg12[%arg1, %dma_wait3A_464, %dma_wait3A_465] : memref<16x128x128xf32, #tpu.memory_space<vmem_shared>> -> memref<1x8x128xf32, #tpu.memory_space<vmem_shared>>
      %dma_wait3A_467 = tpu.memref_squeeze %dma_wait3A_466 : memref<1x8x128xf32, #tpu.memory_space<vmem_shared>> -> memref<8x128xf32, #tpu.memory_space<vmem_shared>>
      tpu.wait_dma2 semaphore(%run_scoped3A_452 : memref<!tpu.dma_semaphore, #tpu.memory_space<semaphore_mem>>) src(%arg11 : memref<8x128xf32, #tpu.memory_space<vmem>>) dst(%dma_wait3A_467 : memref<8x128xf32, #tpu.memory_space<vmem_shared>>)
      tpu.yield
    }) : () -> ()
    "tpu.region"() ({
      %run_scoped3A_452 = tpu.sem_alloc : memref<!tpu.dma_semaphore, #tpu.memory_space<semaphore_mem>>
      %dma_start3A_453 = arith.constant 32 : i32
      %dma_start3A_454 = arith.constant 0 : i32
      %dma_start3A_455 = tpu.memref_slice %arg12[%arg1, %dma_start3A_453, %dma_start3A_454] : memref<16x128x128xf32, #tpu.memory_space<vmem_shared>> -> memref<1x8x128xf32, #tpu.memory_space<vmem_shared>>
      %dma_start3A_456 = tpu.memref_squeeze %dma_start3A_455 : memref<1x8x128xf32, #tpu.memory_space<vmem_shared>> -> memref<8x128xf32, #tpu.memory_space<vmem_shared>>
      %dma_start3A_457 = arith.constant 32 : i32
      %dma_start3A_458 = arith.constant 0 : i32
      %dma_start3A_459 = tpu.memref_slice %arg12[%arg1, %dma_start3A_457, %dma_start3A_458] : memref<16x128x128xf32, #tpu.memory_space<vmem_shared>> -> memref<1x8x128xf32, #tpu.memory_space<vmem_shared>>
      %dma_start3A_460 = tpu.memref_squeeze %dma_start3A_459 : memref<1x8x128xf32, #tpu.memory_space<vmem_shared>> -> memref<8x128xf32, #tpu.memory_space<vmem_shared>>
      tpu.enqueue_dma source(%arg11 : memref<8x128xf32, #tpu.memory_space<vmem>>) target(%dma_start3A_460 : memref<8x128xf32, #tpu.memory_space<vmem_shared>>) target_semaphore(%run_scoped3A_452 : memref<!tpu.dma_semaphore, #tpu.memory_space<semaphore_mem>>)
      %dma_wait3A = arith.constant 32 : i32
      %dma_wait3A_461 = arith.constant 0 : i32
      %dma_wait3A_462 = tpu.memref_slice %arg12[%arg1, %dma_wait3A, %dma_wait3A_461] : memref<16x128x128xf32, #tpu.memory_space<vmem_shared>> -> memref<1x8x128xf32, #tpu.memory_space<vmem_shared>>
      %dma_wait3A_463 = tpu.memref_squeeze %dma_wait3A_462 : memref<1x8x128xf32, #tpu.memory_space<vmem_shared>> -> memref<8x128xf32, #tpu.memory_space<vmem_shared>>
      %dma_wait3A_464 = arith.constant 32 : i32
      %dma_wait3A_465 = arith.constant 0 : i32
      %dma_wait3A_466 = tpu.memref_slice %arg12[%arg1, %dma_wait3A_464, %dma_wait3A_465] : memref<16x128x128xf32, #tpu.memory_space<vmem_shared>> -> memref<1x8x128xf32, #tpu.memory_space<vmem_shared>>
      %dma_wait3A_467 = tpu.memref_squeeze %dma_wait3A_466 : memref<1x8x128xf32, #tpu.memory_space<vmem_shared>> -> memref<8x128xf32, #tpu.memory_space<vmem_shared>>
      tpu.wait_dma2 semaphore(%run_scoped3A_452 : memref<!tpu.dma_semaphore, #tpu.memory_space<semaphore_mem>>) src(%arg11 : memref<8x128xf32, #tpu.memory_space<vmem>>) dst(%dma_wait3A_467 : memref<8x128xf32, #tpu.memory_space<vmem_shared>>)
      tpu.yield
    }) : () -> ()
    "tpu.region"() ({
      %run_scoped3A_452 = tpu.sem_alloc : memref<!tpu.dma_semaphore, #tpu.memory_space<semaphore_mem>>
      %dma_start3A_453 = arith.constant 40 : i32
      %dma_start3A_454 = arith.constant 0 : i32
      %dma_start3A_455 = tpu.memref_slice %arg12[%arg1, %dma_start3A_453, %dma_start3A_454] : memref<16x128x128xf32, #tpu.memory_space<vmem_shared>> -> memref<1x8x128xf32, #tpu.memory_space<vmem_shared>>
      %dma_start3A_456 = tpu.memref_squeeze %dma_start3A_455 : memref<1x8x128xf32, #tpu.memory_space<vmem_shared>> -> memref<8x128xf32, #tpu.memory_space<vmem_shared>>
      %dma_start3A_457 = arith.constant 40 : i32
      %dma_start3A_458 = arith.constant 0 : i32
      %dma_start3A_459 = tpu.memref_slice %arg12[%arg1, %dma_start3A_457, %dma_start3A_458] : memref<16x128x128xf32, #tpu.memory_space<vmem_shared>> -> memref<1x8x128xf32, #tpu.memory_space<vmem_shared>>
      %dma_start3A_460 = tpu.memref_squeeze %dma_start3A_459 : memref<1x8x128xf32, #tpu.memory_space<vmem_shared>> -> memref<8x128xf32, #tpu.memory_space<vmem_shared>>
      tpu.enqueue_dma source(%arg11 : memref<8x128xf32, #tpu.memory_space<vmem>>) target(%dma_start3A_460 : memref<8x128xf32, #tpu.memory_space<vmem_shared>>) target_semaphore(%run_scoped3A_452 : memref<!tpu.dma_semaphore, #tpu.memory_space<semaphore_mem>>)
      %dma_wait3A = arith.constant 40 : i32
      %dma_wait3A_461 = arith.constant 0 : i32
      %dma_wait3A_462 = tpu.memref_slice %arg12[%arg1, %dma_wait3A, %dma_wait3A_461] : memref<16x128x128xf32, #tpu.memory_space<vmem_shared>> -> memref<1x8x128xf32, #tpu.memory_space<vmem_shared>>
      %dma_wait3A_463 = tpu.memref_squeeze %dma_wait3A_462 : memref<1x8x128xf32, #tpu.memory_space<vmem_shared>> -> memref<8x128xf32, #tpu.memory_space<vmem_shared>>
      %dma_wait3A_464 = arith.constant 40 : i32
      %dma_wait3A_465 = arith.constant 0 : i32
      %dma_wait3A_466 = tpu.memref_slice %arg12[%arg1, %dma_wait3A_464, %dma_wait3A_465] : memref<16x128x128xf32, #tpu.memory_space<vmem_shared>> -> memref<1x8x128xf32, #tpu.memory_space<vmem_shared>>
      %dma_wait3A_467 = tpu.memref_squeeze %dma_wait3A_466 : memref<1x8x128xf32, #tpu.memory_space<vmem_shared>> -> memref<8x128xf32, #tpu.memory_space<vmem_shared>>
      tpu.wait_dma2 semaphore(%run_scoped3A_452 : memref<!tpu.dma_semaphore, #tpu.memory_space<semaphore_mem>>) src(%arg11 : memref<8x128xf32, #tpu.memory_space<vmem>>) dst(%dma_wait3A_467 : memref<8x128xf32, #tpu.memory_space<vmem_shared>>)
      tpu.yield
    }) : () -> ()
    "tpu.region"() ({
      %run_scoped3A_452 = tpu.sem_alloc : memref<!tpu.dma_semaphore, #tpu.memory_space<semaphore_mem>>
      %dma_start3A_453 = arith.constant 48 : i32
      %dma_start3A_454 = arith.constant 0 : i32
      %dma_start3A_455 = tpu.memref_slice %arg12[%arg1, %dma_start3A_453, %dma_start3A_454] : memref<16x128x128xf32, #tpu.memory_space<vmem_shared>> -> memref<1x8x128xf32, #tpu.memory_space<vmem_shared>>
      %dma_start3A_456 = tpu.memref_squeeze %dma_start3A_455 : memref<1x8x128xf32, #tpu.memory_space<vmem_shared>> -> memref<8x128xf32, #tpu.memory_space<vmem_shared>>
      %dma_start3A_457 = arith.constant 48 : i32
      %dma_start3A_458 = arith.constant 0 : i32
      %dma_start3A_459 = tpu.memref_slice %arg12[%arg1, %dma_start3A_457, %dma_start3A_458] : memref<16x128x128xf32, #tpu.memory_space<vmem_shared>> -> memref<1x8x128xf32, #tpu.memory_space<vmem_shared>>
      %dma_start3A_460 = tpu.memref_squeeze %dma_start3A_459 : memref<1x8x128xf32, #tpu.memory_space<vmem_shared>> -> memref<8x128xf32, #tpu.memory_space<vmem_shared>>
      tpu.enqueue_dma source(%arg11 : memref<8x128xf32, #tpu.memory_space<vmem>>) target(%dma_start3A_460 : memref<8x128xf32, #tpu.memory_space<vmem_shared>>) target_semaphore(%run_scoped3A_452 : memref<!tpu.dma_semaphore, #tpu.memory_space<semaphore_mem>>)
      %dma_wait3A = arith.constant 48 : i32
      %dma_wait3A_461 = arith.constant 0 : i32
      %dma_wait3A_462 = tpu.memref_slice %arg12[%arg1, %dma_wait3A, %dma_wait3A_461] : memref<16x128x128xf32, #tpu.memory_space<vmem_shared>> -> memref<1x8x128xf32, #tpu.memory_space<vmem_shared>>
      %dma_wait3A_463 = tpu.memref_squeeze %dma_wait3A_462 : memref<1x8x128xf32, #tpu.memory_space<vmem_shared>> -> memref<8x128xf32, #tpu.memory_space<vmem_shared>>
      %dma_wait3A_464 = arith.constant 48 : i32
      %dma_wait3A_465 = arith.constant 0 : i32
      %dma_wait3A_466 = tpu.memref_slice %arg12[%arg1, %dma_wait3A_464, %dma_wait3A_465] : memref<16x128x128xf32, #tpu.memory_space<vmem_shared>> -> memref<1x8x128xf32, #tpu.memory_space<vmem_shared>>
      %dma_wait3A_467 = tpu.memref_squeeze %dma_wait3A_466 : memref<1x8x128xf32, #tpu.memory_space<vmem_shared>> -> memref<8x128xf32, #tpu.memory_space<vmem_shared>>
      tpu.wait_dma2 semaphore(%run_scoped3A_452 : memref<!tpu.dma_semaphore, #tpu.memory_space<semaphore_mem>>) src(%arg11 : memref<8x128xf32, #tpu.memory_space<vmem>>) dst(%dma_wait3A_467 : memref<8x128xf32, #tpu.memory_space<vmem_shared>>)
      tpu.yield
    }) : () -> ()
    "tpu.region"() ({
      %run_scoped3A_452 = tpu.sem_alloc : memref<!tpu.dma_semaphore, #tpu.memory_space<semaphore_mem>>
      %dma_start3A_453 = arith.constant 56 : i32
      %dma_start3A_454 = arith.constant 0 : i32
      %dma_start3A_455 = tpu.memref_slice %arg12[%arg1, %dma_start3A_453, %dma_start3A_454] : memref<16x128x128xf32, #tpu.memory_space<vmem_shared>> -> memref<1x8x128xf32, #tpu.memory_space<vmem_shared>>
      %dma_start3A_456 = tpu.memref_squeeze %dma_start3A_455 : memref<1x8x128xf32, #tpu.memory_space<vmem_shared>> -> memref<8x128xf32, #tpu.memory_space<vmem_shared>>
      %dma_start3A_457 = arith.constant 56 : i32
      %dma_start3A_458 = arith.constant 0 : i32
      %dma_start3A_459 = tpu.memref_slice %arg12[%arg1, %dma_start3A_457, %dma_start3A_458] : memref<16x128x128xf32, #tpu.memory_space<vmem_shared>> -> memref<1x8x128xf32, #tpu.memory_space<vmem_shared>>
      %dma_start3A_460 = tpu.memref_squeeze %dma_start3A_459 : memref<1x8x128xf32, #tpu.memory_space<vmem_shared>> -> memref<8x128xf32, #tpu.memory_space<vmem_shared>>
      tpu.enqueue_dma source(%arg11 : memref<8x128xf32, #tpu.memory_space<vmem>>) target(%dma_start3A_460 : memref<8x128xf32, #tpu.memory_space<vmem_shared>>) target_semaphore(%run_scoped3A_452 : memref<!tpu.dma_semaphore, #tpu.memory_space<semaphore_mem>>)
      %dma_wait3A = arith.constant 56 : i32
      %dma_wait3A_461 = arith.constant 0 : i32
      %dma_wait3A_462 = tpu.memref_slice %arg12[%arg1, %dma_wait3A, %dma_wait3A_461] : memref<16x128x128xf32, #tpu.memory_space<vmem_shared>> -> memref<1x8x128xf32, #tpu.memory_space<vmem_shared>>
      %dma_wait3A_463 = tpu.memref_squeeze %dma_wait3A_462 : memref<1x8x128xf32, #tpu.memory_space<vmem_shared>> -> memref<8x128xf32, #tpu.memory_space<vmem_shared>>
      %dma_wait3A_464 = arith.constant 56 : i32
      %dma_wait3A_465 = arith.constant 0 : i32
      %dma_wait3A_466 = tpu.memref_slice %arg12[%arg1, %dma_wait3A_464, %dma_wait3A_465] : memref<16x128x128xf32, #tpu.memory_space<vmem_shared>> -> memref<1x8x128xf32, #tpu.memory_space<vmem_shared>>
      %dma_wait3A_467 = tpu.memref_squeeze %dma_wait3A_466 : memref<1x8x128xf32, #tpu.memory_space<vmem_shared>> -> memref<8x128xf32, #tpu.memory_space<vmem_shared>>
      tpu.wait_dma2 semaphore(%run_scoped3A_452 : memref<!tpu.dma_semaphore, #tpu.memory_space<semaphore_mem>>) src(%arg11 : memref<8x128xf32, #tpu.memory_space<vmem>>) dst(%dma_wait3A_467 : memref<8x128xf32, #tpu.memory_space<vmem_shared>>)
      tpu.yield
    }) : () -> ()
    "tpu.region"() ({
      %run_scoped3A_452 = tpu.sem_alloc : memref<!tpu.dma_semaphore, #tpu.memory_space<semaphore_mem>>
      %dma_start3A_453 = arith.constant 64 : i32
      %dma_start3A_454 = arith.constant 0 : i32
      %dma_start3A_455 = tpu.memref_slice %arg12[%arg1, %dma_start3A_453, %dma_start3A_454] : memref<16x128x128xf32, #tpu.memory_space<vmem_shared>> -> memref<1x8x128xf32, #tpu.memory_space<vmem_shared>>
      %dma_start3A_456 = tpu.memref_squeeze %dma_start3A_455 : memref<1x8x128xf32, #tpu.memory_space<vmem_shared>> -> memref<8x128xf32, #tpu.memory_space<vmem_shared>>
      %dma_start3A_457 = arith.constant 64 : i32
      %dma_start3A_458 = arith.constant 0 : i32
      %dma_start3A_459 = tpu.memref_slice %arg12[%arg1, %dma_start3A_457, %dma_start3A_458] : memref<16x128x128xf32, #tpu.memory_space<vmem_shared>> -> memref<1x8x128xf32, #tpu.memory_space<vmem_shared>>
      %dma_start3A_460 = tpu.memref_squeeze %dma_start3A_459 : memref<1x8x128xf32, #tpu.memory_space<vmem_shared>> -> memref<8x128xf32, #tpu.memory_space<vmem_shared>>
      tpu.enqueue_dma source(%arg11 : memref<8x128xf32, #tpu.memory_space<vmem>>) target(%dma_start3A_460 : memref<8x128xf32, #tpu.memory_space<vmem_shared>>) target_semaphore(%run_scoped3A_452 : memref<!tpu.dma_semaphore, #tpu.memory_space<semaphore_mem>>)
      %dma_wait3A = arith.constant 64 : i32
      %dma_wait3A_461 = arith.constant 0 : i32
      %dma_wait3A_462 = tpu.memref_slice %arg12[%arg1, %dma_wait3A, %dma_wait3A_461] : memref<16x128x128xf32, #tpu.memory_space<vmem_shared>> -> memref<1x8x128xf32, #tpu.memory_space<vmem_shared>>
      %dma_wait3A_463 = tpu.memref_squeeze %dma_wait3A_462 : memref<1x8x128xf32, #tpu.memory_space<vmem_shared>> -> memref<8x128xf32, #tpu.memory_space<vmem_shared>>
      %dma_wait3A_464 = arith.constant 64 : i32
      %dma_wait3A_465 = arith.constant 0 : i32
      %dma_wait3A_466 = tpu.memref_slice %arg12[%arg1, %dma_wait3A_464, %dma_wait3A_465] : memref<16x128x128xf32, #tpu.memory_space<vmem_shared>> -> memref<1x8x128xf32, #tpu.memory_space<vmem_shared>>
      %dma_wait3A_467 = tpu.memref_squeeze %dma_wait3A_466 : memref<1x8x128xf32, #tpu.memory_space<vmem_shared>> -> memref<8x128xf32, #tpu.memory_space<vmem_shared>>
      tpu.wait_dma2 semaphore(%run_scoped3A_452 : memref<!tpu.dma_semaphore, #tpu.memory_space<semaphore_mem>>) src(%arg11 : memref<8x128xf32, #tpu.memory_space<vmem>>) dst(%dma_wait3A_467 : memref<8x128xf32, #tpu.memory_space<vmem_shared>>)
      tpu.yield
    }) : () -> ()
    %sub3A = arith.constant 0 : i32
    %sub3A_430 = arith.subi %select_n3A_8, %sub3A : i32
    %sub3A_431 = arith.constant 4 : i32
    %sub3A_432 = arith.constant 1 : i32
    %sub3A_433 = arith.subi %sub3A_431, %sub3A_432 : i32
    %add3A_434 = arith.addi %sub3A_430, %sub3A_433 : i32
    %div3A = arith.constant 4 : i32
    %div3A_435 = arith.divsi %add3A_434, %div3A : i32
    %while3A = arith.constant 4 : i32
    %while3A_436 = arith.constant 0 : i32
    %while3A_437 = arith.constant 0 : i32
    %while3A_438 = arith.subi %div3A_435, %while3A_437 : i32
    %while3A_439 = arith.addi %while3A_437, %while3A_438 : i32
    %while3A_440 = arith.constant 1 : i32
    %while3A_441 = arith.divsi %while3A_438, %while3A_440 : i32
    %while3A_442 = arith.muli %while3A_441, %while3A_440 : i32
    %while3A_443 = arith.addi %while3A_437, %while3A_442 : i32
    %while3A_444 = arith.constant 1 : i32
    scf.for %while3A_452 = %while3A_437 to %while3A_443 step %while3A_444  : i32 {
      %mul3A_453 = arith.muli %while3A_452, %while3A : i32
      %add3A_454 = arith.addi %while3A_436, %mul3A_453 : i32
      %add3A_455 = arith.constant 0 : i32
      %add3A_456 = arith.addi %add3A_454, %add3A_455 : i32
      %dma_wait3A = arith.constant 0 : i32
      %dma_wait3A_457 = arith.constant 0 : i32
      %dma_wait3A_458 = arith.constant 0 : i32
      %dma_wait3A_459 = arith.constant 0 : i32
      %dma_wait3A_460 = tpu.memref_slice %arg8[%dma_wait3A, %dma_wait3A_458, %dma_wait3A_459] : memref<4x128x128xf32, #tpu.memory_space<vmem>> -> memref<1x128x128xf32, #tpu.memory_space<vmem>>
      %dma_wait3A_461 = tpu.memref_squeeze %dma_wait3A_460 : memref<1x128x128xf32, #tpu.memory_space<vmem>> -> memref<128x128xf32, #tpu.memory_space<vmem>>
      %dma_wait3A_462 = arith.constant 0 : i32
      %dma_wait3A_463 = tpu.memref_slice %arg6[%add3A_456, %dma_wait3A_462] : memref<72x128xi32, #tpu.memory_space<vmem>> -> memref<1x128xi32, #tpu.memory_space<vmem>>
      %dma_wait3A_464 = tpu.memref_squeeze %dma_wait3A_463 : memref<1x128xi32, #tpu.memory_space<vmem>> -> memref<128xi32, #tpu.memory_space<vmem>>
      %dma_wait3A_465 = arith.constant 0 : i32
      %dma_wait3A_466 = arith.constant 0 : i32
      %dma_wait3A_467 = tpu.memref_slice %arg2[%dma_wait3A_465, %dma_wait3A_466] : memref<100000x128xf32, #tpu.memory_space<hbm>> -> memref<100000x128xf32, #tpu.memory_space<hbm>>
      %dma_wait3A_468 = tpu.memref_slice %arg13[%dma_wait3A_457] : memref<4x!tpu.dma_semaphore, #tpu.memory_space<semaphore_mem>> -> memref<1x!tpu.dma_semaphore, #tpu.memory_space<semaphore_mem>>
      %dma_wait3A_469 = tpu.memref_squeeze %dma_wait3A_468 : memref<1x!tpu.dma_semaphore, #tpu.memory_space<semaphore_mem>> -> memref<!tpu.dma_semaphore, #tpu.memory_space<semaphore_mem>>
      tpu.wait_indirect_dma semaphore(%dma_wait3A_469 : memref<!tpu.dma_semaphore, #tpu.memory_space<semaphore_mem>>) src(%dma_wait3A_467 : memref<100000x128xf32, #tpu.memory_space<hbm>>) dst(%dma_wait3A_461 : memref<128x128xf32, #tpu.memory_space<vmem>>)
      %add3A_470 = arith.constant 2 : i32
      %add3A_471 = arith.addi %add3A_456, %add3A_470 : i32
      %lt3A = arith.cmpi slt, %add3A_471, %select_n3A_8 : i32
      %convert_element_type3A_472 = arith.extui %lt3A : i1 to i32
      %cond3A_473 = arith.constant 0 : i32
      %cond3A_474 = arith.cmpi ne, %convert_element_type3A_472, %cond3A_473 : i32
      scf.if %cond3A_474 {
        %add3A_545 = arith.constant 2 : i32
        %add3A_546 = arith.addi %add3A_456, %add3A_545 : i32
        %dma_start3A_547 = arith.constant 2 : i32
        %dma_start3A_548 = arith.constant 2 : i32
        %dma_start3A_549 = arith.constant 0 : i32
        %dma_start3A_550 = arith.constant 0 : i32
        %dma_start3A_551 = tpu.memref_slice %arg8[%dma_start3A_547, %dma_start3A_549, %dma_start3A_550] : memref<4x128x128xf32, #tpu.memory_space<vmem>> -> memref<1x128x128xf32, #tpu.memory_space<vmem>>
        %dma_start3A_552 = tpu.memref_squeeze %dma_start3A_551 : memref<1x128x128xf32, #tpu.memory_space<vmem>> -> memref<128x128xf32, #tpu.memory_space<vmem>>
        %dma_start3A_553 = arith.constant 0 : i32
        %dma_start3A_554 = tpu.memref_slice %arg6[%add3A_546, %dma_start3A_553] : memref<72x128xi32, #tpu.memory_space<vmem>> -> memref<1x128xi32, #tpu.memory_space<vmem>>
        %dma_start3A_555 = tpu.memref_squeeze %dma_start3A_554 : memref<1x128xi32, #tpu.memory_space<vmem>> -> memref<128xi32, #tpu.memory_space<vmem>>
        %dma_start3A_556 = arith.constant 0 : i32
        %dma_start3A_557 = arith.constant 0 : i32
        %dma_start3A_558 = tpu.memref_slice %arg2[%dma_start3A_556, %dma_start3A_557] : memref<100000x128xf32, #tpu.memory_space<hbm>> -> memref<100000x128xf32, #tpu.memory_space<hbm>>
        %dma_start3A_559 = tpu.memref_slice %arg13[%dma_start3A_548] : memref<4x!tpu.dma_semaphore, #tpu.memory_space<semaphore_mem>> -> memref<1x!tpu.dma_semaphore, #tpu.memory_space<semaphore_mem>>
        %dma_start3A_560 = tpu.memref_squeeze %dma_start3A_559 : memref<1x!tpu.dma_semaphore, #tpu.memory_space<semaphore_mem>> -> memref<!tpu.dma_semaphore, #tpu.memory_space<semaphore_mem>>
        tpu.enqueue_indirect_dma source(%dma_start3A_558 : memref<100000x128xf32, #tpu.memory_space<hbm>>) target(%dma_start3A_552 : memref<128x128xf32, #tpu.memory_space<vmem>>) offsets(%dma_start3A_555 : memref<128xi32, #tpu.memory_space<vmem>>) semaphore(%dma_start3A_560 : memref<!tpu.dma_semaphore, #tpu.memory_space<semaphore_mem>>)
      } else {
      }
      %run_scoped3A_475 = arith.constant 0 : i32
      "tpu.region"() ({
        %run_scoped3A_545 = tpu.sem_alloc : memref<!tpu.dma_semaphore, #tpu.memory_space<semaphore_mem>>
        %dma_start3A_546 = arith.constant 0 : i32
        %dma_start3A_547 = arith.constant 0 : i32
        %dma_start3A_548 = tpu.memref_slice %arg8[%run_scoped3A_475, %dma_start3A_546, %dma_start3A_547] : memref<4x128x128xf32, #tpu.memory_space<vmem>> -> memref<1x128x128xf32, #tpu.memory_space<vmem>>
        %dma_start3A_549 = tpu.memref_squeeze %dma_start3A_548 : memref<1x128x128xf32, #tpu.memory_space<vmem>> -> memref<128x128xf32, #tpu.memory_space<vmem>>
        %dma_start3A_550 = arith.constant 0 : i32
        %dma_start3A_551 = tpu.memref_slice %arg7[%add3A_456, %dma_start3A_550] : memref<72x128xi32, #tpu.memory_space<vmem>> -> memref<1x128xi32, #tpu.memory_space<vmem>>
        %dma_start3A_552 = tpu.memref_squeeze %dma_start3A_551 : memref<1x128xi32, #tpu.memory_space<vmem>> -> memref<128xi32, #tpu.memory_space<vmem>>
        %dma_start3A_553 = arith.constant 0 : i32
        %dma_start3A_554 = arith.constant 0 : i32
        %dma_start3A_555 = tpu.memref_slice %arg12[%arg1, %dma_start3A_553, %dma_start3A_554] : memref<16x128x128xf32, #tpu.memory_space<vmem_shared>> -> memref<1x128x128xf32, #tpu.memory_space<vmem_shared>>
        %dma_start3A_556 = tpu.memref_squeeze %dma_start3A_555 : memref<1x128x128xf32, #tpu.memory_space<vmem_shared>> -> memref<128x128xf32, #tpu.memory_space<vmem_shared>>
        %dma_start3A_557 = arith.constant 0 : i32
        %dma_start3A_558 = arith.constant 0 : i32
        %dma_start3A_559 = tpu.memref_slice %dma_start3A_556[%dma_start3A_557, %dma_start3A_558] : memref<128x128xf32, #tpu.memory_space<vmem_shared>> -> memref<128x128xf32, #tpu.memory_space<vmem_shared>>
        tpu.enqueue_indirect_dma source(%dma_start3A_549 : memref<128x128xf32, #tpu.memory_space<vmem>>) target(%dma_start3A_559 : memref<128x128xf32, #tpu.memory_space<vmem_shared>>) offsets(%dma_start3A_552 : memref<128xi32, #tpu.memory_space<vmem>>) semaphore(%run_scoped3A_545 : memref<!tpu.dma_semaphore, #tpu.memory_space<semaphore_mem>>) {add = true}
        %dma_wait3A_560 = arith.constant 0 : i32
        %dma_wait3A_561 = arith.constant 0 : i32
        %dma_wait3A_562 = tpu.memref_slice %arg8[%run_scoped3A_475, %dma_wait3A_560, %dma_wait3A_561] : memref<4x128x128xf32, #tpu.memory_space<vmem>> -> memref<1x128x128xf32, #tpu.memory_space<vmem>>
        %dma_wait3A_563 = tpu.memref_squeeze %dma_wait3A_562 : memref<1x128x128xf32, #tpu.memory_space<vmem>> -> memref<128x128xf32, #tpu.memory_space<vmem>>
        %dma_wait3A_564 = arith.constant 0 : i32
        %dma_wait3A_565 = tpu.memref_slice %arg7[%add3A_456, %dma_wait3A_564] : memref<72x128xi32, #tpu.memory_space<vmem>> -> memref<1x128xi32, #tpu.memory_space<vmem>>
        %dma_wait3A_566 = tpu.memref_squeeze %dma_wait3A_565 : memref<1x128xi32, #tpu.memory_space<vmem>> -> memref<128xi32, #tpu.memory_space<vmem>>
        %dma_wait3A_567 = arith.constant 0 : i32
        %dma_wait3A_568 = arith.constant 0 : i32
        %dma_wait3A_569 = tpu.memref_slice %arg12[%arg1, %dma_wait3A_567, %dma_wait3A_568] : memref<16x128x128xf32, #tpu.memory_space<vmem_shared>> -> memref<1x128x128xf32, #tpu.memory_space<vmem_shared>>
        %dma_wait3A_570 = tpu.memref_squeeze %dma_wait3A_569 : memref<1x128x128xf32, #tpu.memory_space<vmem_shared>> -> memref<128x128xf32, #tpu.memory_space<vmem_shared>>
        %dma_wait3A_571 = arith.constant 0 : i32
        %dma_wait3A_572 = arith.constant 0 : i32
        %dma_wait3A_573 = tpu.memref_slice %dma_wait3A_570[%dma_wait3A_571, %dma_wait3A_572] : memref<128x128xf32, #tpu.memory_space<vmem_shared>> -> memref<128x128xf32, #tpu.memory_space<vmem_shared>>
        tpu.wait_indirect_dma semaphore(%run_scoped3A_545 : memref<!tpu.dma_semaphore, #tpu.memory_space<semaphore_mem>>) src(%dma_wait3A_563 : memref<128x128xf32, #tpu.memory_space<vmem>>) dst(%dma_wait3A_573 : memref<128x128xf32, #tpu.memory_space<vmem_shared>>)
        tpu.yield
      }) : () -> ()
      %add3A_476 = arith.constant 1 : i32
      %add3A_477 = arith.addi %add3A_454, %add3A_476 : i32
      %dma_wait3A_478 = arith.constant 1 : i32
      %dma_wait3A_479 = arith.constant 1 : i32
      %dma_wait3A_480 = arith.constant 0 : i32
      %dma_wait3A_481 = arith.constant 0 : i32
      %dma_wait3A_482 = tpu.memref_slice %arg8[%dma_wait3A_478, %dma_wait3A_480, %dma_wait3A_481] : memref<4x128x128xf32, #tpu.memory_space<vmem>> -> memref<1x128x128xf32, #tpu.memory_space<vmem>>
      %dma_wait3A_483 = tpu.memref_squeeze %dma_wait3A_482 : memref<1x128x128xf32, #tpu.memory_space<vmem>> -> memref<128x128xf32, #tpu.memory_space<vmem>>
      %dma_wait3A_484 = arith.constant 0 : i32
      %dma_wait3A_485 = tpu.memref_slice %arg6[%add3A_477, %dma_wait3A_484] : memref<72x128xi32, #tpu.memory_space<vmem>> -> memref<1x128xi32, #tpu.memory_space<vmem>>
      %dma_wait3A_486 = tpu.memref_squeeze %dma_wait3A_485 : memref<1x128xi32, #tpu.memory_space<vmem>> -> memref<128xi32, #tpu.memory_space<vmem>>
      %dma_wait3A_487 = arith.constant 0 : i32
      %dma_wait3A_488 = arith.constant 0 : i32
      %dma_wait3A_489 = tpu.memref_slice %arg2[%dma_wait3A_487, %dma_wait3A_488] : memref<100000x128xf32, #tpu.memory_space<hbm>> -> memref<100000x128xf32, #tpu.memory_space<hbm>>
      %dma_wait3A_490 = tpu.memref_slice %arg13[%dma_wait3A_479] : memref<4x!tpu.dma_semaphore, #tpu.memory_space<semaphore_mem>> -> memref<1x!tpu.dma_semaphore, #tpu.memory_space<semaphore_mem>>
      %dma_wait3A_491 = tpu.memref_squeeze %dma_wait3A_490 : memref<1x!tpu.dma_semaphore, #tpu.memory_space<semaphore_mem>> -> memref<!tpu.dma_semaphore, #tpu.memory_space<semaphore_mem>>
      tpu.wait_indirect_dma semaphore(%dma_wait3A_491 : memref<!tpu.dma_semaphore, #tpu.memory_space<semaphore_mem>>) src(%dma_wait3A_489 : memref<100000x128xf32, #tpu.memory_space<hbm>>) dst(%dma_wait3A_483 : memref<128x128xf32, #tpu.memory_space<vmem>>)
      %add3A_492 = arith.constant 2 : i32
      %add3A_493 = arith.addi %add3A_477, %add3A_492 : i32
      %lt3A_494 = arith.cmpi slt, %add3A_493, %select_n3A_8 : i32
      %convert_element_type3A_495 = arith.extui %lt3A_494 : i1 to i32
      %cond3A_496 = arith.constant 0 : i32
      %cond3A_497 = arith.cmpi ne, %convert_element_type3A_495, %cond3A_496 : i32
      scf.if %cond3A_497 {
        %add3A_545 = arith.constant 2 : i32
        %add3A_546 = arith.addi %add3A_477, %add3A_545 : i32
        %dma_start3A_547 = arith.constant 3 : i32
        %dma_start3A_548 = arith.constant 3 : i32
        %dma_start3A_549 = arith.constant 0 : i32
        %dma_start3A_550 = arith.constant 0 : i32
        %dma_start3A_551 = tpu.memref_slice %arg8[%dma_start3A_547, %dma_start3A_549, %dma_start3A_550] : memref<4x128x128xf32, #tpu.memory_space<vmem>> -> memref<1x128x128xf32, #tpu.memory_space<vmem>>
        %dma_start3A_552 = tpu.memref_squeeze %dma_start3A_551 : memref<1x128x128xf32, #tpu.memory_space<vmem>> -> memref<128x128xf32, #tpu.memory_space<vmem>>
        %dma_start3A_553 = arith.constant 0 : i32
        %dma_start3A_554 = tpu.memref_slice %arg6[%add3A_546, %dma_start3A_553] : memref<72x128xi32, #tpu.memory_space<vmem>> -> memref<1x128xi32, #tpu.memory_space<vmem>>
        %dma_start3A_555 = tpu.memref_squeeze %dma_start3A_554 : memref<1x128xi32, #tpu.memory_space<vmem>> -> memref<128xi32, #tpu.memory_space<vmem>>
        %dma_start3A_556 = arith.constant 0 : i32
        %dma_start3A_557 = arith.constant 0 : i32
        %dma_start3A_558 = tpu.memref_slice %arg2[%dma_start3A_556, %dma_start3A_557] : memref<100000x128xf32, #tpu.memory_space<hbm>> -> memref<100000x128xf32, #tpu.memory_space<hbm>>
        %dma_start3A_559 = tpu.memref_slice %arg13[%dma_start3A_548] : memref<4x!tpu.dma_semaphore, #tpu.memory_space<semaphore_mem>> -> memref<1x!tpu.dma_semaphore, #tpu.memory_space<semaphore_mem>>
        %dma_start3A_560 = tpu.memref_squeeze %dma_start3A_559 : memref<1x!tpu.dma_semaphore, #tpu.memory_space<semaphore_mem>> -> memref<!tpu.dma_semaphore, #tpu.memory_space<semaphore_mem>>
        tpu.enqueue_indirect_dma source(%dma_start3A_558 : memref<100000x128xf32, #tpu.memory_space<hbm>>) target(%dma_start3A_552 : memref<128x128xf32, #tpu.memory_space<vmem>>) offsets(%dma_start3A_555 : memref<128xi32, #tpu.memory_space<vmem>>) semaphore(%dma_start3A_560 : memref<!tpu.dma_semaphore, #tpu.memory_space<semaphore_mem>>)
      } else {
      }
      %run_scoped3A_498 = arith.constant 1 : i32
      "tpu.region"() ({
        %run_scoped3A_545 = tpu.sem_alloc : memref<!tpu.dma_semaphore, #tpu.memory_space<semaphore_mem>>
        %dma_start3A_546 = arith.constant 0 : i32
        %dma_start3A_547 = arith.constant 0 : i32
        %dma_start3A_548 = tpu.memref_slice %arg8[%run_scoped3A_498, %dma_start3A_546, %dma_start3A_547] : memref<4x128x128xf32, #tpu.memory_space<vmem>> -> memref<1x128x128xf32, #tpu.memory_space<vmem>>
        %dma_start3A_549 = tpu.memref_squeeze %dma_start3A_548 : memref<1x128x128xf32, #tpu.memory_space<vmem>> -> memref<128x128xf32, #tpu.memory_space<vmem>>
        %dma_start3A_550 = arith.constant 0 : i32
        %dma_start3A_551 = tpu.memref_slice %arg7[%add3A_477, %dma_start3A_550] : memref<72x128xi32, #tpu.memory_space<vmem>> -> memref<1x128xi32, #tpu.memory_space<vmem>>
        %dma_start3A_552 = tpu.memref_squeeze %dma_start3A_551 : memref<1x128xi32, #tpu.memory_space<vmem>> -> memref<128xi32, #tpu.memory_space<vmem>>
        %dma_start3A_553 = arith.constant 0 : i32
        %dma_start3A_554 = arith.constant 0 : i32
        %dma_start3A_555 = tpu.memref_slice %arg12[%arg1, %dma_start3A_553, %dma_start3A_554] : memref<16x128x128xf32, #tpu.memory_space<vmem_shared>> -> memref<1x128x128xf32, #tpu.memory_space<vmem_shared>>
        %dma_start3A_556 = tpu.memref_squeeze %dma_start3A_555 : memref<1x128x128xf32, #tpu.memory_space<vmem_shared>> -> memref<128x128xf32, #tpu.memory_space<vmem_shared>>
        %dma_start3A_557 = arith.constant 0 : i32
        %dma_start3A_558 = arith.constant 0 : i32
        %dma_start3A_559 = tpu.memref_slice %dma_start3A_556[%dma_start3A_557, %dma_start3A_558] : memref<128x128xf32, #tpu.memory_space<vmem_shared>> -> memref<128x128xf32, #tpu.memory_space<vmem_shared>>
        tpu.enqueue_indirect_dma source(%dma_start3A_549 : memref<128x128xf32, #tpu.memory_space<vmem>>) target(%dma_start3A_559 : memref<128x128xf32, #tpu.memory_space<vmem_shared>>) offsets(%dma_start3A_552 : memref<128xi32, #tpu.memory_space<vmem>>) semaphore(%run_scoped3A_545 : memref<!tpu.dma_semaphore, #tpu.memory_space<semaphore_mem>>) {add = true}
        %dma_wait3A_560 = arith.constant 0 : i32
        %dma_wait3A_561 = arith.constant 0 : i32
        %dma_wait3A_562 = tpu.memref_slice %arg8[%run_scoped3A_498, %dma_wait3A_560, %dma_wait3A_561] : memref<4x128x128xf32, #tpu.memory_space<vmem>> -> memref<1x128x128xf32, #tpu.memory_space<vmem>>
        %dma_wait3A_563 = tpu.memref_squeeze %dma_wait3A_562 : memref<1x128x128xf32, #tpu.memory_space<vmem>> -> memref<128x128xf32, #tpu.memory_space<vmem>>
        %dma_wait3A_564 = arith.constant 0 : i32
        %dma_wait3A_565 = tpu.memref_slice %arg7[%add3A_477, %dma_wait3A_564] : memref<72x128xi32, #tpu.memory_space<vmem>> -> memref<1x128xi32, #tpu.memory_space<vmem>>
        %dma_wait3A_566 = tpu.memref_squeeze %dma_wait3A_565 : memref<1x128xi32, #tpu.memory_space<vmem>> -> memref<128xi32, #tpu.memory_space<vmem>>
        %dma_wait3A_567 = arith.constant 0 : i32
        %dma_wait3A_568 = arith.constant 0 : i32
        %dma_wait3A_569 = tpu.memref_slice %arg12[%arg1, %dma_wait3A_567, %dma_wait3A_568] : memref<16x128x128xf32, #tpu.memory_space<vmem_shared>> -> memref<1x128x128xf32, #tpu.memory_space<vmem_shared>>
        %dma_wait3A_570 = tpu.memref_squeeze %dma_wait3A_569 : memref<1x128x128xf32, #tpu.memory_space<vmem_shared>> -> memref<128x128xf32, #tpu.memory_space<vmem_shared>>
        %dma_wait3A_571 = arith.constant 0 : i32
        %dma_wait3A_572 = arith.constant 0 : i32
        %dma_wait3A_573 = tpu.memref_slice %dma_wait3A_570[%dma_wait3A_571, %dma_wait3A_572] : memref<128x128xf32, #tpu.memory_space<vmem_shared>> -> memref<128x128xf32, #tpu.memory_space<vmem_shared>>
        tpu.wait_indirect_dma semaphore(%run_scoped3A_545 : memref<!tpu.dma_semaphore, #tpu.memory_space<semaphore_mem>>) src(%dma_wait3A_563 : memref<128x128xf32, #tpu.memory_space<vmem>>) dst(%dma_wait3A_573 : memref<128x128xf32, #tpu.memory_space<vmem_shared>>)
        tpu.yield
      }) : () -> ()
      %add3A_499 = arith.constant 2 : i32
      %add3A_500 = arith.addi %add3A_454, %add3A_499 : i32
      %dma_wait3A_501 = arith.constant 2 : i32
      %dma_wait3A_502 = arith.constant 2 : i32
      %dma_wait3A_503 = arith.constant 0 : i32
      %dma_wait3A_504 = arith.constant 0 : i32
      %dma_wait3A_505 = tpu.memref_slice %arg8[%dma_wait3A_501, %dma_wait3A_503, %dma_wait3A_504] : memref<4x128x128xf32, #tpu.memory_space<vmem>> -> memref<1x128x128xf32, #tpu.memory_space<vmem>>
      %dma_wait3A_506 = tpu.memref_squeeze %dma_wait3A_505 : memref<1x128x128xf32, #tpu.memory_space<vmem>> -> memref<128x128xf32, #tpu.memory_space<vmem>>
      %dma_wait3A_507 = arith.constant 0 : i32
      %dma_wait3A_508 = tpu.memref_slice %arg6[%add3A_500, %dma_wait3A_507] : memref<72x128xi32, #tpu.memory_space<vmem>> -> memref<1x128xi32, #tpu.memory_space<vmem>>
      %dma_wait3A_509 = tpu.memref_squeeze %dma_wait3A_508 : memref<1x128xi32, #tpu.memory_space<vmem>> -> memref<128xi32, #tpu.memory_space<vmem>>
      %dma_wait3A_510 = arith.constant 0 : i32
      %dma_wait3A_511 = arith.constant 0 : i32
      %dma_wait3A_512 = tpu.memref_slice %arg2[%dma_wait3A_510, %dma_wait3A_511] : memref<100000x128xf32, #tpu.memory_space<hbm>> -> memref<100000x128xf32, #tpu.memory_space<hbm>>
      %dma_wait3A_513 = tpu.memref_slice %arg13[%dma_wait3A_502] : memref<4x!tpu.dma_semaphore, #tpu.memory_space<semaphore_mem>> -> memref<1x!tpu.dma_semaphore, #tpu.memory_space<semaphore_mem>>
      %dma_wait3A_514 = tpu.memref_squeeze %dma_wait3A_513 : memref<1x!tpu.dma_semaphore, #tpu.memory_space<semaphore_mem>> -> memref<!tpu.dma_semaphore, #tpu.memory_space<semaphore_mem>>
      tpu.wait_indirect_dma semaphore(%dma_wait3A_514 : memref<!tpu.dma_semaphore, #tpu.memory_space<semaphore_mem>>) src(%dma_wait3A_512 : memref<100000x128xf32, #tpu.memory_space<hbm>>) dst(%dma_wait3A_506 : memref<128x128xf32, #tpu.memory_space<vmem>>)
      %add3A_515 = arith.constant 2 : i32
      %add3A_516 = arith.addi %add3A_500, %add3A_515 : i32
      %lt3A_517 = arith.cmpi slt, %add3A_516, %select_n3A_8 : i32
      %convert_element_type3A_518 = arith.extui %lt3A_517 : i1 to i32
      %cond3A_519 = arith.constant 0 : i32
      %cond3A_520 = arith.cmpi ne, %convert_element_type3A_518, %cond3A_519 : i32
      scf.if %cond3A_520 {
        %add3A_545 = arith.constant 2 : i32
        %add3A_546 = arith.addi %add3A_500, %add3A_545 : i32
        %dma_start3A_547 = arith.constant 0 : i32
        %dma_start3A_548 = arith.constant 0 : i32
        %dma_start3A_549 = arith.constant 0 : i32
        %dma_start3A_550 = arith.constant 0 : i32
        %dma_start3A_551 = tpu.memref_slice %arg8[%dma_start3A_547, %dma_start3A_549, %dma_start3A_550] : memref<4x128x128xf32, #tpu.memory_space<vmem>> -> memref<1x128x128xf32, #tpu.memory_space<vmem>>
        %dma_start3A_552 = tpu.memref_squeeze %dma_start3A_551 : memref<1x128x128xf32, #tpu.memory_space<vmem>> -> memref<128x128xf32, #tpu.memory_space<vmem>>
        %dma_start3A_553 = arith.constant 0 : i32
        %dma_start3A_554 = tpu.memref_slice %arg6[%add3A_546, %dma_start3A_553] : memref<72x128xi32, #tpu.memory_space<vmem>> -> memref<1x128xi32, #tpu.memory_space<vmem>>
        %dma_start3A_555 = tpu.memref_squeeze %dma_start3A_554 : memref<1x128xi32, #tpu.memory_space<vmem>> -> memref<128xi32, #tpu.memory_space<vmem>>
        %dma_start3A_556 = arith.constant 0 : i32
        %dma_start3A_557 = arith.constant 0 : i32
        %dma_start3A_558 = tpu.memref_slice %arg2[%dma_start3A_556, %dma_start3A_557] : memref<100000x128xf32, #tpu.memory_space<hbm>> -> memref<100000x128xf32, #tpu.memory_space<hbm>>
        %dma_start3A_559 = tpu.memref_slice %arg13[%dma_start3A_548] : memref<4x!tpu.dma_semaphore, #tpu.memory_space<semaphore_mem>> -> memref<1x!tpu.dma_semaphore, #tpu.memory_space<semaphore_mem>>
        %dma_start3A_560 = tpu.memref_squeeze %dma_start3A_559 : memref<1x!tpu.dma_semaphore, #tpu.memory_space<semaphore_mem>> -> memref<!tpu.dma_semaphore, #tpu.memory_space<semaphore_mem>>
        tpu.enqueue_indirect_dma source(%dma_start3A_558 : memref<100000x128xf32, #tpu.memory_space<hbm>>) target(%dma_start3A_552 : memref<128x128xf32, #tpu.memory_space<vmem>>) offsets(%dma_start3A_555 : memref<128xi32, #tpu.memory_space<vmem>>) semaphore(%dma_start3A_560 : memref<!tpu.dma_semaphore, #tpu.memory_space<semaphore_mem>>)
      } else {
      }
      %run_scoped3A_521 = arith.constant 2 : i32
      "tpu.region"() ({
        %run_scoped3A_545 = tpu.sem_alloc : memref<!tpu.dma_semaphore, #tpu.memory_space<semaphore_mem>>
        %dma_start3A_546 = arith.constant 0 : i32
        %dma_start3A_547 = arith.constant 0 : i32
        %dma_start3A_548 = tpu.memref_slice %arg8[%run_scoped3A_521, %dma_start3A_546, %dma_start3A_547] : memref<4x128x128xf32, #tpu.memory_space<vmem>> -> memref<1x128x128xf32, #tpu.memory_space<vmem>>
        %dma_start3A_549 = tpu.memref_squeeze %dma_start3A_548 : memref<1x128x128xf32, #tpu.memory_space<vmem>> -> memref<128x128xf32, #tpu.memory_space<vmem>>
        %dma_start3A_550 = arith.constant 0 : i32
        %dma_start3A_551 = tpu.memref_slice %arg7[%add3A_500, %dma_start3A_550] : memref<72x128xi32, #tpu.memory_space<vmem>> -> memref<1x128xi32, #tpu.memory_space<vmem>>
        %dma_start3A_552 = tpu.memref_squeeze %dma_start3A_551 : memref<1x128xi32, #tpu.memory_space<vmem>> -> memref<128xi32, #tpu.memory_space<vmem>>
        %dma_start3A_553 = arith.constant 0 : i32
        %dma_start3A_554 = arith.constant 0 : i32
        %dma_start3A_555 = tpu.memref_slice %arg12[%arg1, %dma_start3A_553, %dma_start3A_554] : memref<16x128x128xf32, #tpu.memory_space<vmem_shared>> -> memref<1x128x128xf32, #tpu.memory_space<vmem_shared>>
        %dma_start3A_556 = tpu.memref_squeeze %dma_start3A_555 : memref<1x128x128xf32, #tpu.memory_space<vmem_shared>> -> memref<128x128xf32, #tpu.memory_space<vmem_shared>>
        %dma_start3A_557 = arith.constant 0 : i32
        %dma_start3A_558 = arith.constant 0 : i32
        %dma_start3A_559 = tpu.memref_slice %dma_start3A_556[%dma_start3A_557, %dma_start3A_558] : memref<128x128xf32, #tpu.memory_space<vmem_shared>> -> memref<128x128xf32, #tpu.memory_space<vmem_shared>>
        tpu.enqueue_indirect_dma source(%dma_start3A_549 : memref<128x128xf32, #tpu.memory_space<vmem>>) target(%dma_start3A_559 : memref<128x128xf32, #tpu.memory_space<vmem_shared>>) offsets(%dma_start3A_552 : memref<128xi32, #tpu.memory_space<vmem>>) semaphore(%run_scoped3A_545 : memref<!tpu.dma_semaphore, #tpu.memory_space<semaphore_mem>>) {add = true}
        %dma_wait3A_560 = arith.constant 0 : i32
        %dma_wait3A_561 = arith.constant 0 : i32
        %dma_wait3A_562 = tpu.memref_slice %arg8[%run_scoped3A_521, %dma_wait3A_560, %dma_wait3A_561] : memref<4x128x128xf32, #tpu.memory_space<vmem>> -> memref<1x128x128xf32, #tpu.memory_space<vmem>>
        %dma_wait3A_563 = tpu.memref_squeeze %dma_wait3A_562 : memref<1x128x128xf32, #tpu.memory_space<vmem>> -> memref<128x128xf32, #tpu.memory_space<vmem>>
        %dma_wait3A_564 = arith.constant 0 : i32
        %dma_wait3A_565 = tpu.memref_slice %arg7[%add3A_500, %dma_wait3A_564] : memref<72x128xi32, #tpu.memory_space<vmem>> -> memref<1x128xi32, #tpu.memory_space<vmem>>
        %dma_wait3A_566 = tpu.memref_squeeze %dma_wait3A_565 : memref<1x128xi32, #tpu.memory_space<vmem>> -> memref<128xi32, #tpu.memory_space<vmem>>
        %dma_wait3A_567 = arith.constant 0 : i32
        %dma_wait3A_568 = arith.constant 0 : i32
        %dma_wait3A_569 = tpu.memref_slice %arg12[%arg1, %dma_wait3A_567, %dma_wait3A_568] : memref<16x128x128xf32, #tpu.memory_space<vmem_shared>> -> memref<1x128x128xf32, #tpu.memory_space<vmem_shared>>
        %dma_wait3A_570 = tpu.memref_squeeze %dma_wait3A_569 : memref<1x128x128xf32, #tpu.memory_space<vmem_shared>> -> memref<128x128xf32, #tpu.memory_space<vmem_shared>>
        %dma_wait3A_571 = arith.constant 0 : i32
        %dma_wait3A_572 = arith.constant 0 : i32
        %dma_wait3A_573 = tpu.memref_slice %dma_wait3A_570[%dma_wait3A_571, %dma_wait3A_572] : memref<128x128xf32, #tpu.memory_space<vmem_shared>> -> memref<128x128xf32, #tpu.memory_space<vmem_shared>>
        tpu.wait_indirect_dma semaphore(%run_scoped3A_545 : memref<!tpu.dma_semaphore, #tpu.memory_space<semaphore_mem>>) src(%dma_wait3A_563 : memref<128x128xf32, #tpu.memory_space<vmem>>) dst(%dma_wait3A_573 : memref<128x128xf32, #tpu.memory_space<vmem_shared>>)
        tpu.yield
      }) : () -> ()
      %add3A_522 = arith.constant 3 : i32
      %add3A_523 = arith.addi %add3A_454, %add3A_522 : i32
      %dma_wait3A_524 = arith.constant 3 : i32
      %dma_wait3A_525 = arith.constant 3 : i32
      %dma_wait3A_526 = arith.constant 0 : i32
      %dma_wait3A_527 = arith.constant 0 : i32
      %dma_wait3A_528 = tpu.memref_slice %arg8[%dma_wait3A_524, %dma_wait3A_526, %dma_wait3A_527] : memref<4x128x128xf32, #tpu.memory_space<vmem>> -> memref<1x128x128xf32, #tpu.memory_space<vmem>>
      %dma_wait3A_529 = tpu.memref_squeeze %dma_wait3A_528 : memref<1x128x128xf32, #tpu.memory_space<vmem>> -> memref<128x128xf32, #tpu.memory_space<vmem>>
      %dma_wait3A_530 = arith.constant 0 : i32
      %dma_wait3A_531 = tpu.memref_slice %arg6[%add3A_523, %dma_wait3A_530] : memref<72x128xi32, #tpu.memory_space<vmem>> -> memref<1x128xi32, #tpu.memory_space<vmem>>
      %dma_wait3A_532 = tpu.memref_squeeze %dma_wait3A_531 : memref<1x128xi32, #tpu.memory_space<vmem>> -> memref<128xi32, #tpu.memory_space<vmem>>
      %dma_wait3A_533 = arith.constant 0 : i32
      %dma_wait3A_534 = arith.constant 0 : i32
      %dma_wait3A_535 = tpu.memref_slice %arg2[%dma_wait3A_533, %dma_wait3A_534] : memref<100000x128xf32, #tpu.memory_space<hbm>> -> memref<100000x128xf32, #tpu.memory_space<hbm>>
      %dma_wait3A_536 = tpu.memref_slice %arg13[%dma_wait3A_525] : memref<4x!tpu.dma_semaphore, #tpu.memory_space<semaphore_mem>> -> memref<1x!tpu.dma_semaphore, #tpu.memory_space<semaphore_mem>>
      %dma_wait3A_537 = tpu.memref_squeeze %dma_wait3A_536 : memref<1x!tpu.dma_semaphore, #tpu.memory_space<semaphore_mem>> -> memref<!tpu.dma_semaphore, #tpu.memory_space<semaphore_mem>>
      tpu.wait_indirect_dma semaphore(%dma_wait3A_537 : memref<!tpu.dma_semaphore, #tpu.memory_space<semaphore_mem>>) src(%dma_wait3A_535 : memref<100000x128xf32, #tpu.memory_space<hbm>>) dst(%dma_wait3A_529 : memref<128x128xf32, #tpu.memory_space<vmem>>)
      %add3A_538 = arith.constant 2 : i32
      %add3A_539 = arith.addi %add3A_523, %add3A_538 : i32
      %lt3A_540 = arith.cmpi slt, %add3A_539, %select_n3A_8 : i32
      %convert_element_type3A_541 = arith.extui %lt3A_540 : i1 to i32
      %cond3A_542 = arith.constant 0 : i32
      %cond3A_543 = arith.cmpi ne, %convert_element_type3A_541, %cond3A_542 : i32
      scf.if %cond3A_543 {
        %add3A_545 = arith.constant 2 : i32
        %add3A_546 = arith.addi %add3A_523, %add3A_545 : i32
        %dma_start3A_547 = arith.constant 1 : i32
        %dma_start3A_548 = arith.constant 1 : i32
        %dma_start3A_549 = arith.constant 0 : i32
        %dma_start3A_550 = arith.constant 0 : i32
        %dma_start3A_551 = tpu.memref_slice %arg8[%dma_start3A_547, %dma_start3A_549, %dma_start3A_550] : memref<4x128x128xf32, #tpu.memory_space<vmem>> -> memref<1x128x128xf32, #tpu.memory_space<vmem>>
        %dma_start3A_552 = tpu.memref_squeeze %dma_start3A_551 : memref<1x128x128xf32, #tpu.memory_space<vmem>> -> memref<128x128xf32, #tpu.memory_space<vmem>>
        %dma_start3A_553 = arith.constant 0 : i32
        %dma_start3A_554 = tpu.memref_slice %arg6[%add3A_546, %dma_start3A_553] : memref<72x128xi32, #tpu.memory_space<vmem>> -> memref<1x128xi32, #tpu.memory_space<vmem>>
        %dma_start3A_555 = tpu.memref_squeeze %dma_start3A_554 : memref<1x128xi32, #tpu.memory_space<vmem>> -> memref<128xi32, #tpu.memory_space<vmem>>
        %dma_start3A_556 = arith.constant 0 : i32
        %dma_start3A_557 = arith.constant 0 : i32
        %dma_start3A_558 = tpu.memref_slice %arg2[%dma_start3A_556, %dma_start3A_557] : memref<100000x128xf32, #tpu.memory_space<hbm>> -> memref<100000x128xf32, #tpu.memory_space<hbm>>
        %dma_start3A_559 = tpu.memref_slice %arg13[%dma_start3A_548] : memref<4x!tpu.dma_semaphore, #tpu.memory_space<semaphore_mem>> -> memref<1x!tpu.dma_semaphore, #tpu.memory_space<semaphore_mem>>
        %dma_start3A_560 = tpu.memref_squeeze %dma_start3A_559 : memref<1x!tpu.dma_semaphore, #tpu.memory_space<semaphore_mem>> -> memref<!tpu.dma_semaphore, #tpu.memory_space<semaphore_mem>>
        tpu.enqueue_indirect_dma source(%dma_start3A_558 : memref<100000x128xf32, #tpu.memory_space<hbm>>) target(%dma_start3A_552 : memref<128x128xf32, #tpu.memory_space<vmem>>) offsets(%dma_start3A_555 : memref<128xi32, #tpu.memory_space<vmem>>) semaphore(%dma_start3A_560 : memref<!tpu.dma_semaphore, #tpu.memory_space<semaphore_mem>>)
      } else {
      }
      %run_scoped3A_544 = arith.constant 3 : i32
      "tpu.region"() ({
        %run_scoped3A_545 = tpu.sem_alloc : memref<!tpu.dma_semaphore, #tpu.memory_space<semaphore_mem>>
        %dma_start3A_546 = arith.constant 0 : i32
        %dma_start3A_547 = arith.constant 0 : i32
        %dma_start3A_548 = tpu.memref_slice %arg8[%run_scoped3A_544, %dma_start3A_546, %dma_start3A_547] : memref<4x128x128xf32, #tpu.memory_space<vmem>> -> memref<1x128x128xf32, #tpu.memory_space<vmem>>
        %dma_start3A_549 = tpu.memref_squeeze %dma_start3A_548 : memref<1x128x128xf32, #tpu.memory_space<vmem>> -> memref<128x128xf32, #tpu.memory_space<vmem>>
        %dma_start3A_550 = arith.constant 0 : i32
        %dma_start3A_551 = tpu.memref_slice %arg7[%add3A_523, %dma_start3A_550] : memref<72x128xi32, #tpu.memory_space<vmem>> -> memref<1x128xi32, #tpu.memory_space<vmem>>
        %dma_start3A_552 = tpu.memref_squeeze %dma_start3A_551 : memref<1x128xi32, #tpu.memory_space<vmem>> -> memref<128xi32, #tpu.memory_space<vmem>>
        %dma_start3A_553 = arith.constant 0 : i32
        %dma_start3A_554 = arith.constant 0 : i32
        %dma_start3A_555 = tpu.memref_slice %arg12[%arg1, %dma_start3A_553, %dma_start3A_554] : memref<16x128x128xf32, #tpu.memory_space<vmem_shared>> -> memref<1x128x128xf32, #tpu.memory_space<vmem_shared>>
        %dma_start3A_556 = tpu.memref_squeeze %dma_start3A_555 : memref<1x128x128xf32, #tpu.memory_space<vmem_shared>> -> memref<128x128xf32, #tpu.memory_space<vmem_shared>>
        %dma_start3A_557 = arith.constant 0 : i32
        %dma_start3A_558 = arith.constant 0 : i32
        %dma_start3A_559 = tpu.memref_slice %dma_start3A_556[%dma_start3A_557, %dma_start3A_558] : memref<128x128xf32, #tpu.memory_space<vmem_shared>> -> memref<128x128xf32, #tpu.memory_space<vmem_shared>>
        tpu.enqueue_indirect_dma source(%dma_start3A_549 : memref<128x128xf32, #tpu.memory_space<vmem>>) target(%dma_start3A_559 : memref<128x128xf32, #tpu.memory_space<vmem_shared>>) offsets(%dma_start3A_552 : memref<128xi32, #tpu.memory_space<vmem>>) semaphore(%run_scoped3A_545 : memref<!tpu.dma_semaphore, #tpu.memory_space<semaphore_mem>>) {add = true}
        %dma_wait3A_560 = arith.constant 0 : i32
        %dma_wait3A_561 = arith.constant 0 : i32
        %dma_wait3A_562 = tpu.memref_slice %arg8[%run_scoped3A_544, %dma_wait3A_560, %dma_wait3A_561] : memref<4x128x128xf32, #tpu.memory_space<vmem>> -> memref<1x128x128xf32, #tpu.memory_space<vmem>>
        %dma_wait3A_563 = tpu.memref_squeeze %dma_wait3A_562 : memref<1x128x128xf32, #tpu.memory_space<vmem>> -> memref<128x128xf32, #tpu.memory_space<vmem>>
        %dma_wait3A_564 = arith.constant 0 : i32
        %dma_wait3A_565 = tpu.memref_slice %arg7[%add3A_523, %dma_wait3A_564] : memref<72x128xi32, #tpu.memory_space<vmem>> -> memref<1x128xi32, #tpu.memory_space<vmem>>
        %dma_wait3A_566 = tpu.memref_squeeze %dma_wait3A_565 : memref<1x128xi32, #tpu.memory_space<vmem>> -> memref<128xi32, #tpu.memory_space<vmem>>
        %dma_wait3A_567 = arith.constant 0 : i32
        %dma_wait3A_568 = arith.constant 0 : i32
        %dma_wait3A_569 = tpu.memref_slice %arg12[%arg1, %dma_wait3A_567, %dma_wait3A_568] : memref<16x128x128xf32, #tpu.memory_space<vmem_shared>> -> memref<1x128x128xf32, #tpu.memory_space<vmem_shared>>
        %dma_wait3A_570 = tpu.memref_squeeze %dma_wait3A_569 : memref<1x128x128xf32, #tpu.memory_space<vmem_shared>> -> memref<128x128xf32, #tpu.memory_space<vmem_shared>>
        %dma_wait3A_571 = arith.constant 0 : i32
        %dma_wait3A_572 = arith.constant 0 : i32
        %dma_wait3A_573 = tpu.memref_slice %dma_wait3A_570[%dma_wait3A_571, %dma_wait3A_572] : memref<128x128xf32, #tpu.memory_space<vmem_shared>> -> memref<128x128xf32, #tpu.memory_space<vmem_shared>>
        tpu.wait_indirect_dma semaphore(%run_scoped3A_545 : memref<!tpu.dma_semaphore, #tpu.memory_space<semaphore_mem>>) src(%dma_wait3A_563 : memref<128x128xf32, #tpu.memory_space<vmem>>) dst(%dma_wait3A_573 : memref<128x128xf32, #tpu.memory_space<vmem_shared>>)
        tpu.yield
      }) : () -> ()
    }
    %while3A_445 = arith.constant 1 : i32
    scf.for %while3A_452 = %while3A_443 to %while3A_439 step %while3A_445  : i32 {
      %mul3A_453 = arith.muli %while3A_452, %while3A : i32
      %add3A_454 = arith.addi %while3A_436, %mul3A_453 : i32
      %add3A_455 = arith.constant 0 : i32
      %add3A_456 = arith.addi %add3A_454, %add3A_455 : i32
      %dma_wait3A = arith.constant 0 : i32
      %dma_wait3A_457 = arith.constant 0 : i32
      %dma_wait3A_458 = arith.constant 0 : i32
      %dma_wait3A_459 = arith.constant 0 : i32
      %dma_wait3A_460 = tpu.memref_slice %arg8[%dma_wait3A, %dma_wait3A_458, %dma_wait3A_459] : memref<4x128x128xf32, #tpu.memory_space<vmem>> -> memref<1x128x128xf32, #tpu.memory_space<vmem>>
      %dma_wait3A_461 = tpu.memref_squeeze %dma_wait3A_460 : memref<1x128x128xf32, #tpu.memory_space<vmem>> -> memref<128x128xf32, #tpu.memory_space<vmem>>
      %dma_wait3A_462 = arith.constant 0 : i32
      %dma_wait3A_463 = tpu.memref_slice %arg6[%add3A_456, %dma_wait3A_462] : memref<72x128xi32, #tpu.memory_space<vmem>> -> memref<1x128xi32, #tpu.memory_space<vmem>>
      %dma_wait3A_464 = tpu.memref_squeeze %dma_wait3A_463 : memref<1x128xi32, #tpu.memory_space<vmem>> -> memref<128xi32, #tpu.memory_space<vmem>>
      %dma_wait3A_465 = arith.constant 0 : i32
      %dma_wait3A_466 = arith.constant 0 : i32
      %dma_wait3A_467 = tpu.memref_slice %arg2[%dma_wait3A_465, %dma_wait3A_466] : memref<100000x128xf32, #tpu.memory_space<hbm>> -> memref<100000x128xf32, #tpu.memory_space<hbm>>
      %dma_wait3A_468 = tpu.memref_slice %arg13[%dma_wait3A_457] : memref<4x!tpu.dma_semaphore, #tpu.memory_space<semaphore_mem>> -> memref<1x!tpu.dma_semaphore, #tpu.memory_space<semaphore_mem>>
      %dma_wait3A_469 = tpu.memref_squeeze %dma_wait3A_468 : memref<1x!tpu.dma_semaphore, #tpu.memory_space<semaphore_mem>> -> memref<!tpu.dma_semaphore, #tpu.memory_space<semaphore_mem>>
      tpu.wait_indirect_dma semaphore(%dma_wait3A_469 : memref<!tpu.dma_semaphore, #tpu.memory_space<semaphore_mem>>) src(%dma_wait3A_467 : memref<100000x128xf32, #tpu.memory_space<hbm>>) dst(%dma_wait3A_461 : memref<128x128xf32, #tpu.memory_space<vmem>>)
      %add3A_470 = arith.constant 2 : i32
      %add3A_471 = arith.addi %add3A_456, %add3A_470 : i32
      %lt3A = arith.cmpi slt, %add3A_471, %select_n3A_8 : i32
      %convert_element_type3A_472 = arith.extui %lt3A : i1 to i32
      %cond3A_473 = arith.constant 0 : i32
      %cond3A_474 = arith.cmpi ne, %convert_element_type3A_472, %cond3A_473 : i32
      scf.if %cond3A_474 {
        %add3A_545 = arith.constant 2 : i32
        %add3A_546 = arith.addi %add3A_456, %add3A_545 : i32
        %dma_start3A_547 = arith.constant 2 : i32
        %dma_start3A_548 = arith.constant 2 : i32
        %dma_start3A_549 = arith.constant 0 : i32
        %dma_start3A_550 = arith.constant 0 : i32
        %dma_start3A_551 = tpu.memref_slice %arg8[%dma_start3A_547, %dma_start3A_549, %dma_start3A_550] : memref<4x128x128xf32, #tpu.memory_space<vmem>> -> memref<1x128x128xf32, #tpu.memory_space<vmem>>
        %dma_start3A_552 = tpu.memref_squeeze %dma_start3A_551 : memref<1x128x128xf32, #tpu.memory_space<vmem>> -> memref<128x128xf32, #tpu.memory_space<vmem>>
        %dma_start3A_553 = arith.constant 0 : i32
        %dma_start3A_554 = tpu.memref_slice %arg6[%add3A_546, %dma_start3A_553] : memref<72x128xi32, #tpu.memory_space<vmem>> -> memref<1x128xi32, #tpu.memory_space<vmem>>
        %dma_start3A_555 = tpu.memref_squeeze %dma_start3A_554 : memref<1x128xi32, #tpu.memory_space<vmem>> -> memref<128xi32, #tpu.memory_space<vmem>>
        %dma_start3A_556 = arith.constant 0 : i32
        %dma_start3A_557 = arith.constant 0 : i32
        %dma_start3A_558 = tpu.memref_slice %arg2[%dma_start3A_556, %dma_start3A_557] : memref<100000x128xf32, #tpu.memory_space<hbm>> -> memref<100000x128xf32, #tpu.memory_space<hbm>>
        %dma_start3A_559 = tpu.memref_slice %arg13[%dma_start3A_548] : memref<4x!tpu.dma_semaphore, #tpu.memory_space<semaphore_mem>> -> memref<1x!tpu.dma_semaphore, #tpu.memory_space<semaphore_mem>>
        %dma_start3A_560 = tpu.memref_squeeze %dma_start3A_559 : memref<1x!tpu.dma_semaphore, #tpu.memory_space<semaphore_mem>> -> memref<!tpu.dma_semaphore, #tpu.memory_space<semaphore_mem>>
        tpu.enqueue_indirect_dma source(%dma_start3A_558 : memref<100000x128xf32, #tpu.memory_space<hbm>>) target(%dma_start3A_552 : memref<128x128xf32, #tpu.memory_space<vmem>>) offsets(%dma_start3A_555 : memref<128xi32, #tpu.memory_space<vmem>>) semaphore(%dma_start3A_560 : memref<!tpu.dma_semaphore, #tpu.memory_space<semaphore_mem>>)
      } else {
      }
      %run_scoped3A_475 = arith.constant 0 : i32
      "tpu.region"() ({
        %run_scoped3A_545 = tpu.sem_alloc : memref<!tpu.dma_semaphore, #tpu.memory_space<semaphore_mem>>
        %dma_start3A_546 = arith.constant 0 : i32
        %dma_start3A_547 = arith.constant 0 : i32
        %dma_start3A_548 = tpu.memref_slice %arg8[%run_scoped3A_475, %dma_start3A_546, %dma_start3A_547] : memref<4x128x128xf32, #tpu.memory_space<vmem>> -> memref<1x128x128xf32, #tpu.memory_space<vmem>>
        %dma_start3A_549 = tpu.memref_squeeze %dma_start3A_548 : memref<1x128x128xf32, #tpu.memory_space<vmem>> -> memref<128x128xf32, #tpu.memory_space<vmem>>
        %dma_start3A_550 = arith.constant 0 : i32
        %dma_start3A_551 = tpu.memref_slice %arg7[%add3A_456, %dma_start3A_550] : memref<72x128xi32, #tpu.memory_space<vmem>> -> memref<1x128xi32, #tpu.memory_space<vmem>>
        %dma_start3A_552 = tpu.memref_squeeze %dma_start3A_551 : memref<1x128xi32, #tpu.memory_space<vmem>> -> memref<128xi32, #tpu.memory_space<vmem>>
        %dma_start3A_553 = arith.constant 0 : i32
        %dma_start3A_554 = arith.constant 0 : i32
        %dma_start3A_555 = tpu.memref_slice %arg12[%arg1, %dma_start3A_553, %dma_start3A_554] : memref<16x128x128xf32, #tpu.memory_space<vmem_shared>> -> memref<1x128x128xf32, #tpu.memory_space<vmem_shared>>
        %dma_start3A_556 = tpu.memref_squeeze %dma_start3A_555 : memref<1x128x128xf32, #tpu.memory_space<vmem_shared>> -> memref<128x128xf32, #tpu.memory_space<vmem_shared>>
        %dma_start3A_557 = arith.constant 0 : i32
        %dma_start3A_558 = arith.constant 0 : i32
        %dma_start3A_559 = tpu.memref_slice %dma_start3A_556[%dma_start3A_557, %dma_start3A_558] : memref<128x128xf32, #tpu.memory_space<vmem_shared>> -> memref<128x128xf32, #tpu.memory_space<vmem_shared>>
        tpu.enqueue_indirect_dma source(%dma_start3A_549 : memref<128x128xf32, #tpu.memory_space<vmem>>) target(%dma_start3A_559 : memref<128x128xf32, #tpu.memory_space<vmem_shared>>) offsets(%dma_start3A_552 : memref<128xi32, #tpu.memory_space<vmem>>) semaphore(%run_scoped3A_545 : memref<!tpu.dma_semaphore, #tpu.memory_space<semaphore_mem>>) {add = true}
        %dma_wait3A_560 = arith.constant 0 : i32
        %dma_wait3A_561 = arith.constant 0 : i32
        %dma_wait3A_562 = tpu.memref_slice %arg8[%run_scoped3A_475, %dma_wait3A_560, %dma_wait3A_561] : memref<4x128x128xf32, #tpu.memory_space<vmem>> -> memref<1x128x128xf32, #tpu.memory_space<vmem>>
        %dma_wait3A_563 = tpu.memref_squeeze %dma_wait3A_562 : memref<1x128x128xf32, #tpu.memory_space<vmem>> -> memref<128x128xf32, #tpu.memory_space<vmem>>
        %dma_wait3A_564 = arith.constant 0 : i32
        %dma_wait3A_565 = tpu.memref_slice %arg7[%add3A_456, %dma_wait3A_564] : memref<72x128xi32, #tpu.memory_space<vmem>> -> memref<1x128xi32, #tpu.memory_space<vmem>>
        %dma_wait3A_566 = tpu.memref_squeeze %dma_wait3A_565 : memref<1x128xi32, #tpu.memory_space<vmem>> -> memref<128xi32, #tpu.memory_space<vmem>>
        %dma_wait3A_567 = arith.constant 0 : i32
        %dma_wait3A_568 = arith.constant 0 : i32
        %dma_wait3A_569 = tpu.memref_slice %arg12[%arg1, %dma_wait3A_567, %dma_wait3A_568] : memref<16x128x128xf32, #tpu.memory_space<vmem_shared>> -> memref<1x128x128xf32, #tpu.memory_space<vmem_shared>>
        %dma_wait3A_570 = tpu.memref_squeeze %dma_wait3A_569 : memref<1x128x128xf32, #tpu.memory_space<vmem_shared>> -> memref<128x128xf32, #tpu.memory_space<vmem_shared>>
        %dma_wait3A_571 = arith.constant 0 : i32
        %dma_wait3A_572 = arith.constant 0 : i32
        %dma_wait3A_573 = tpu.memref_slice %dma_wait3A_570[%dma_wait3A_571, %dma_wait3A_572] : memref<128x128xf32, #tpu.memory_space<vmem_shared>> -> memref<128x128xf32, #tpu.memory_space<vmem_shared>>
        tpu.wait_indirect_dma semaphore(%run_scoped3A_545 : memref<!tpu.dma_semaphore, #tpu.memory_space<semaphore_mem>>) src(%dma_wait3A_563 : memref<128x128xf32, #tpu.memory_space<vmem>>) dst(%dma_wait3A_573 : memref<128x128xf32, #tpu.memory_space<vmem_shared>>)
        tpu.yield
      }) : () -> ()
      %add3A_476 = arith.constant 1 : i32
      %add3A_477 = arith.addi %add3A_454, %add3A_476 : i32
      %dma_wait3A_478 = arith.constant 1 : i32
      %dma_wait3A_479 = arith.constant 1 : i32
      %dma_wait3A_480 = arith.constant 0 : i32
      %dma_wait3A_481 = arith.constant 0 : i32
      %dma_wait3A_482 = tpu.memref_slice %arg8[%dma_wait3A_478, %dma_wait3A_480, %dma_wait3A_481] : memref<4x128x128xf32, #tpu.memory_space<vmem>> -> memref<1x128x128xf32, #tpu.memory_space<vmem>>
      %dma_wait3A_483 = tpu.memref_squeeze %dma_wait3A_482 : memref<1x128x128xf32, #tpu.memory_space<vmem>> -> memref<128x128xf32, #tpu.memory_space<vmem>>
      %dma_wait3A_484 = arith.constant 0 : i32
      %dma_wait3A_485 = tpu.memref_slice %arg6[%add3A_477, %dma_wait3A_484] : memref<72x128xi32, #tpu.memory_space<vmem>> -> memref<1x128xi32, #tpu.memory_space<vmem>>
      %dma_wait3A_486 = tpu.memref_squeeze %dma_wait3A_485 : memref<1x128xi32, #tpu.memory_space<vmem>> -> memref<128xi32, #tpu.memory_space<vmem>>
      %dma_wait3A_487 = arith.constant 0 : i32
      %dma_wait3A_488 = arith.constant 0 : i32
      %dma_wait3A_489 = tpu.memref_slice %arg2[%dma_wait3A_487, %dma_wait3A_488] : memref<100000x128xf32, #tpu.memory_space<hbm>> -> memref<100000x128xf32, #tpu.memory_space<hbm>>
      %dma_wait3A_490 = tpu.memref_slice %arg13[%dma_wait3A_479] : memref<4x!tpu.dma_semaphore, #tpu.memory_space<semaphore_mem>> -> memref<1x!tpu.dma_semaphore, #tpu.memory_space<semaphore_mem>>
      %dma_wait3A_491 = tpu.memref_squeeze %dma_wait3A_490 : memref<1x!tpu.dma_semaphore, #tpu.memory_space<semaphore_mem>> -> memref<!tpu.dma_semaphore, #tpu.memory_space<semaphore_mem>>
      tpu.wait_indirect_dma semaphore(%dma_wait3A_491 : memref<!tpu.dma_semaphore, #tpu.memory_space<semaphore_mem>>) src(%dma_wait3A_489 : memref<100000x128xf32, #tpu.memory_space<hbm>>) dst(%dma_wait3A_483 : memref<128x128xf32, #tpu.memory_space<vmem>>)
      %add3A_492 = arith.constant 2 : i32
      %add3A_493 = arith.addi %add3A_477, %add3A_492 : i32
      %lt3A_494 = arith.cmpi slt, %add3A_493, %select_n3A_8 : i32
      %convert_element_type3A_495 = arith.extui %lt3A_494 : i1 to i32
      %cond3A_496 = arith.constant 0 : i32
      %cond3A_497 = arith.cmpi ne, %convert_element_type3A_495, %cond3A_496 : i32
      scf.if %cond3A_497 {
        %add3A_545 = arith.constant 2 : i32
        %add3A_546 = arith.addi %add3A_477, %add3A_545 : i32
        %dma_start3A_547 = arith.constant 3 : i32
        %dma_start3A_548 = arith.constant 3 : i32
        %dma_start3A_549 = arith.constant 0 : i32
        %dma_start3A_550 = arith.constant 0 : i32
        %dma_start3A_551 = tpu.memref_slice %arg8[%dma_start3A_547, %dma_start3A_549, %dma_start3A_550] : memref<4x128x128xf32, #tpu.memory_space<vmem>> -> memref<1x128x128xf32, #tpu.memory_space<vmem>>
        %dma_start3A_552 = tpu.memref_squeeze %dma_start3A_551 : memref<1x128x128xf32, #tpu.memory_space<vmem>> -> memref<128x128xf32, #tpu.memory_space<vmem>>
        %dma_start3A_553 = arith.constant 0 : i32
        %dma_start3A_554 = tpu.memref_slice %arg6[%add3A_546, %dma_start3A_553] : memref<72x128xi32, #tpu.memory_space<vmem>> -> memref<1x128xi32, #tpu.memory_space<vmem>>
        %dma_start3A_555 = tpu.memref_squeeze %dma_start3A_554 : memref<1x128xi32, #tpu.memory_space<vmem>> -> memref<128xi32, #tpu.memory_space<vmem>>
        %dma_start3A_556 = arith.constant 0 : i32
        %dma_start3A_557 = arith.constant 0 : i32
        %dma_start3A_558 = tpu.memref_slice %arg2[%dma_start3A_556, %dma_start3A_557] : memref<100000x128xf32, #tpu.memory_space<hbm>> -> memref<100000x128xf32, #tpu.memory_space<hbm>>
        %dma_start3A_559 = tpu.memref_slice %arg13[%dma_start3A_548] : memref<4x!tpu.dma_semaphore, #tpu.memory_space<semaphore_mem>> -> memref<1x!tpu.dma_semaphore, #tpu.memory_space<semaphore_mem>>
        %dma_start3A_560 = tpu.memref_squeeze %dma_start3A_559 : memref<1x!tpu.dma_semaphore, #tpu.memory_space<semaphore_mem>> -> memref<!tpu.dma_semaphore, #tpu.memory_space<semaphore_mem>>
        tpu.enqueue_indirect_dma source(%dma_start3A_558 : memref<100000x128xf32, #tpu.memory_space<hbm>>) target(%dma_start3A_552 : memref<128x128xf32, #tpu.memory_space<vmem>>) offsets(%dma_start3A_555 : memref<128xi32, #tpu.memory_space<vmem>>) semaphore(%dma_start3A_560 : memref<!tpu.dma_semaphore, #tpu.memory_space<semaphore_mem>>)
      } else {
      }
      %run_scoped3A_498 = arith.constant 1 : i32
      "tpu.region"() ({
        %run_scoped3A_545 = tpu.sem_alloc : memref<!tpu.dma_semaphore, #tpu.memory_space<semaphore_mem>>
        %dma_start3A_546 = arith.constant 0 : i32
        %dma_start3A_547 = arith.constant 0 : i32
        %dma_start3A_548 = tpu.memref_slice %arg8[%run_scoped3A_498, %dma_start3A_546, %dma_start3A_547] : memref<4x128x128xf32, #tpu.memory_space<vmem>> -> memref<1x128x128xf32, #tpu.memory_space<vmem>>
        %dma_start3A_549 = tpu.memref_squeeze %dma_start3A_548 : memref<1x128x128xf32, #tpu.memory_space<vmem>> -> memref<128x128xf32, #tpu.memory_space<vmem>>
        %dma_start3A_550 = arith.constant 0 : i32
        %dma_start3A_551 = tpu.memref_slice %arg7[%add3A_477, %dma_start3A_550] : memref<72x128xi32, #tpu.memory_space<vmem>> -> memref<1x128xi32, #tpu.memory_space<vmem>>
        %dma_start3A_552 = tpu.memref_squeeze %dma_start3A_551 : memref<1x128xi32, #tpu.memory_space<vmem>> -> memref<128xi32, #tpu.memory_space<vmem>>
        %dma_start3A_553 = arith.constant 0 : i32
        %dma_start3A_554 = arith.constant 0 : i32
        %dma_start3A_555 = tpu.memref_slice %arg12[%arg1, %dma_start3A_553, %dma_start3A_554] : memref<16x128x128xf32, #tpu.memory_space<vmem_shared>> -> memref<1x128x128xf32, #tpu.memory_space<vmem_shared>>
        %dma_start3A_556 = tpu.memref_squeeze %dma_start3A_555 : memref<1x128x128xf32, #tpu.memory_space<vmem_shared>> -> memref<128x128xf32, #tpu.memory_space<vmem_shared>>
        %dma_start3A_557 = arith.constant 0 : i32
        %dma_start3A_558 = arith.constant 0 : i32
        %dma_start3A_559 = tpu.memref_slice %dma_start3A_556[%dma_start3A_557, %dma_start3A_558] : memref<128x128xf32, #tpu.memory_space<vmem_shared>> -> memref<128x128xf32, #tpu.memory_space<vmem_shared>>
        tpu.enqueue_indirect_dma source(%dma_start3A_549 : memref<128x128xf32, #tpu.memory_space<vmem>>) target(%dma_start3A_559 : memref<128x128xf32, #tpu.memory_space<vmem_shared>>) offsets(%dma_start3A_552 : memref<128xi32, #tpu.memory_space<vmem>>) semaphore(%run_scoped3A_545 : memref<!tpu.dma_semaphore, #tpu.memory_space<semaphore_mem>>) {add = true}
        %dma_wait3A_560 = arith.constant 0 : i32
        %dma_wait3A_561 = arith.constant 0 : i32
        %dma_wait3A_562 = tpu.memref_slice %arg8[%run_scoped3A_498, %dma_wait3A_560, %dma_wait3A_561] : memref<4x128x128xf32, #tpu.memory_space<vmem>> -> memref<1x128x128xf32, #tpu.memory_space<vmem>>
        %dma_wait3A_563 = tpu.memref_squeeze %dma_wait3A_562 : memref<1x128x128xf32, #tpu.memory_space<vmem>> -> memref<128x128xf32, #tpu.memory_space<vmem>>
        %dma_wait3A_564 = arith.constant 0 : i32
        %dma_wait3A_565 = tpu.memref_slice %arg7[%add3A_477, %dma_wait3A_564] : memref<72x128xi32, #tpu.memory_space<vmem>> -> memref<1x128xi32, #tpu.memory_space<vmem>>
        %dma_wait3A_566 = tpu.memref_squeeze %dma_wait3A_565 : memref<1x128xi32, #tpu.memory_space<vmem>> -> memref<128xi32, #tpu.memory_space<vmem>>
        %dma_wait3A_567 = arith.constant 0 : i32
        %dma_wait3A_568 = arith.constant 0 : i32
        %dma_wait3A_569 = tpu.memref_slice %arg12[%arg1, %dma_wait3A_567, %dma_wait3A_568] : memref<16x128x128xf32, #tpu.memory_space<vmem_shared>> -> memref<1x128x128xf32, #tpu.memory_space<vmem_shared>>
        %dma_wait3A_570 = tpu.memref_squeeze %dma_wait3A_569 : memref<1x128x128xf32, #tpu.memory_space<vmem_shared>> -> memref<128x128xf32, #tpu.memory_space<vmem_shared>>
        %dma_wait3A_571 = arith.constant 0 : i32
        %dma_wait3A_572 = arith.constant 0 : i32
        %dma_wait3A_573 = tpu.memref_slice %dma_wait3A_570[%dma_wait3A_571, %dma_wait3A_572] : memref<128x128xf32, #tpu.memory_space<vmem_shared>> -> memref<128x128xf32, #tpu.memory_space<vmem_shared>>
        tpu.wait_indirect_dma semaphore(%run_scoped3A_545 : memref<!tpu.dma_semaphore, #tpu.memory_space<semaphore_mem>>) src(%dma_wait3A_563 : memref<128x128xf32, #tpu.memory_space<vmem>>) dst(%dma_wait3A_573 : memref<128x128xf32, #tpu.memory_space<vmem_shared>>)
        tpu.yield
      }) : () -> ()
      %add3A_499 = arith.constant 2 : i32
      %add3A_500 = arith.addi %add3A_454, %add3A_499 : i32
      %dma_wait3A_501 = arith.constant 2 : i32
      %dma_wait3A_502 = arith.constant 2 : i32
      %dma_wait3A_503 = arith.constant 0 : i32
      %dma_wait3A_504 = arith.constant 0 : i32
      %dma_wait3A_505 = tpu.memref_slice %arg8[%dma_wait3A_501, %dma_wait3A_503, %dma_wait3A_504] : memref<4x128x128xf32, #tpu.memory_space<vmem>> -> memref<1x128x128xf32, #tpu.memory_space<vmem>>
      %dma_wait3A_506 = tpu.memref_squeeze %dma_wait3A_505 : memref<1x128x128xf32, #tpu.memory_space<vmem>> -> memref<128x128xf32, #tpu.memory_space<vmem>>
      %dma_wait3A_507 = arith.constant 0 : i32
      %dma_wait3A_508 = tpu.memref_slice %arg6[%add3A_500, %dma_wait3A_507] : memref<72x128xi32, #tpu.memory_space<vmem>> -> memref<1x128xi32, #tpu.memory_space<vmem>>
      %dma_wait3A_509 = tpu.memref_squeeze %dma_wait3A_508 : memref<1x128xi32, #tpu.memory_space<vmem>> -> memref<128xi32, #tpu.memory_space<vmem>>
      %dma_wait3A_510 = arith.constant 0 : i32
      %dma_wait3A_511 = arith.constant 0 : i32
      %dma_wait3A_512 = tpu.memref_slice %arg2[%dma_wait3A_510, %dma_wait3A_511] : memref<100000x128xf32, #tpu.memory_space<hbm>> -> memref<100000x128xf32, #tpu.memory_space<hbm>>
      %dma_wait3A_513 = tpu.memref_slice %arg13[%dma_wait3A_502] : memref<4x!tpu.dma_semaphore, #tpu.memory_space<semaphore_mem>> -> memref<1x!tpu.dma_semaphore, #tpu.memory_space<semaphore_mem>>
      %dma_wait3A_514 = tpu.memref_squeeze %dma_wait3A_513 : memref<1x!tpu.dma_semaphore, #tpu.memory_space<semaphore_mem>> -> memref<!tpu.dma_semaphore, #tpu.memory_space<semaphore_mem>>
      tpu.wait_indirect_dma semaphore(%dma_wait3A_514 : memref<!tpu.dma_semaphore, #tpu.memory_space<semaphore_mem>>) src(%dma_wait3A_512 : memref<100000x128xf32, #tpu.memory_space<hbm>>) dst(%dma_wait3A_506 : memref<128x128xf32, #tpu.memory_space<vmem>>)
      %add3A_515 = arith.constant 2 : i32
      %add3A_516 = arith.addi %add3A_500, %add3A_515 : i32
      %lt3A_517 = arith.cmpi slt, %add3A_516, %select_n3A_8 : i32
      %convert_element_type3A_518 = arith.extui %lt3A_517 : i1 to i32
      %cond3A_519 = arith.constant 0 : i32
      %cond3A_520 = arith.cmpi ne, %convert_element_type3A_518, %cond3A_519 : i32
      scf.if %cond3A_520 {
        %add3A_545 = arith.constant 2 : i32
        %add3A_546 = arith.addi %add3A_500, %add3A_545 : i32
        %dma_start3A_547 = arith.constant 0 : i32
        %dma_start3A_548 = arith.constant 0 : i32
        %dma_start3A_549 = arith.constant 0 : i32
        %dma_start3A_550 = arith.constant 0 : i32
        %dma_start3A_551 = tpu.memref_slice %arg8[%dma_start3A_547, %dma_start3A_549, %dma_start3A_550] : memref<4x128x128xf32, #tpu.memory_space<vmem>> -> memref<1x128x128xf32, #tpu.memory_space<vmem>>
        %dma_start3A_552 = tpu.memref_squeeze %dma_start3A_551 : memref<1x128x128xf32, #tpu.memory_space<vmem>> -> memref<128x128xf32, #tpu.memory_space<vmem>>
        %dma_start3A_553 = arith.constant 0 : i32
        %dma_start3A_554 = tpu.memref_slice %arg6[%add3A_546, %dma_start3A_553] : memref<72x128xi32, #tpu.memory_space<vmem>> -> memref<1x128xi32, #tpu.memory_space<vmem>>
        %dma_start3A_555 = tpu.memref_squeeze %dma_start3A_554 : memref<1x128xi32, #tpu.memory_space<vmem>> -> memref<128xi32, #tpu.memory_space<vmem>>
        %dma_start3A_556 = arith.constant 0 : i32
        %dma_start3A_557 = arith.constant 0 : i32
        %dma_start3A_558 = tpu.memref_slice %arg2[%dma_start3A_556, %dma_start3A_557] : memref<100000x128xf32, #tpu.memory_space<hbm>> -> memref<100000x128xf32, #tpu.memory_space<hbm>>
        %dma_start3A_559 = tpu.memref_slice %arg13[%dma_start3A_548] : memref<4x!tpu.dma_semaphore, #tpu.memory_space<semaphore_mem>> -> memref<1x!tpu.dma_semaphore, #tpu.memory_space<semaphore_mem>>
        %dma_start3A_560 = tpu.memref_squeeze %dma_start3A_559 : memref<1x!tpu.dma_semaphore, #tpu.memory_space<semaphore_mem>> -> memref<!tpu.dma_semaphore, #tpu.memory_space<semaphore_mem>>
        tpu.enqueue_indirect_dma source(%dma_start3A_558 : memref<100000x128xf32, #tpu.memory_space<hbm>>) target(%dma_start3A_552 : memref<128x128xf32, #tpu.memory_space<vmem>>) offsets(%dma_start3A_555 : memref<128xi32, #tpu.memory_space<vmem>>) semaphore(%dma_start3A_560 : memref<!tpu.dma_semaphore, #tpu.memory_space<semaphore_mem>>)
      } else {
      }
      %run_scoped3A_521 = arith.constant 2 : i32
      "tpu.region"() ({
        %run_scoped3A_545 = tpu.sem_alloc : memref<!tpu.dma_semaphore, #tpu.memory_space<semaphore_mem>>
        %dma_start3A_546 = arith.constant 0 : i32
        %dma_start3A_547 = arith.constant 0 : i32
        %dma_start3A_548 = tpu.memref_slice %arg8[%run_scoped3A_521, %dma_start3A_546, %dma_start3A_547] : memref<4x128x128xf32, #tpu.memory_space<vmem>> -> memref<1x128x128xf32, #tpu.memory_space<vmem>>
        %dma_start3A_549 = tpu.memref_squeeze %dma_start3A_548 : memref<1x128x128xf32, #tpu.memory_space<vmem>> -> memref<128x128xf32, #tpu.memory_space<vmem>>
        %dma_start3A_550 = arith.constant 0 : i32
        %dma_start3A_551 = tpu.memref_slice %arg7[%add3A_500, %dma_start3A_550] : memref<72x128xi32, #tpu.memory_space<vmem>> -> memref<1x128xi32, #tpu.memory_space<vmem>>
        %dma_start3A_552 = tpu.memref_squeeze %dma_start3A_551 : memref<1x128xi32, #tpu.memory_space<vmem>> -> memref<128xi32, #tpu.memory_space<vmem>>
        %dma_start3A_553 = arith.constant 0 : i32
        %dma_start3A_554 = arith.constant 0 : i32
        %dma_start3A_555 = tpu.memref_slice %arg12[%arg1, %dma_start3A_553, %dma_start3A_554] : memref<16x128x128xf32, #tpu.memory_space<vmem_shared>> -> memref<1x128x128xf32, #tpu.memory_space<vmem_shared>>
        %dma_start3A_556 = tpu.memref_squeeze %dma_start3A_555 : memref<1x128x128xf32, #tpu.memory_space<vmem_shared>> -> memref<128x128xf32, #tpu.memory_space<vmem_shared>>
        %dma_start3A_557 = arith.constant 0 : i32
        %dma_start3A_558 = arith.constant 0 : i32
        %dma_start3A_559 = tpu.memref_slice %dma_start3A_556[%dma_start3A_557, %dma_start3A_558] : memref<128x128xf32, #tpu.memory_space<vmem_shared>> -> memref<128x128xf32, #tpu.memory_space<vmem_shared>>
        tpu.enqueue_indirect_dma source(%dma_start3A_549 : memref<128x128xf32, #tpu.memory_space<vmem>>) target(%dma_start3A_559 : memref<128x128xf32, #tpu.memory_space<vmem_shared>>) offsets(%dma_start3A_552 : memref<128xi32, #tpu.memory_space<vmem>>) semaphore(%run_scoped3A_545 : memref<!tpu.dma_semaphore, #tpu.memory_space<semaphore_mem>>) {add = true}
        %dma_wait3A_560 = arith.constant 0 : i32
        %dma_wait3A_561 = arith.constant 0 : i32
        %dma_wait3A_562 = tpu.memref_slice %arg8[%run_scoped3A_521, %dma_wait3A_560, %dma_wait3A_561] : memref<4x128x128xf32, #tpu.memory_space<vmem>> -> memref<1x128x128xf32, #tpu.memory_space<vmem>>
        %dma_wait3A_563 = tpu.memref_squeeze %dma_wait3A_562 : memref<1x128x128xf32, #tpu.memory_space<vmem>> -> memref<128x128xf32, #tpu.memory_space<vmem>>
        %dma_wait3A_564 = arith.constant 0 : i32
        %dma_wait3A_565 = tpu.memref_slice %arg7[%add3A_500, %dma_wait3A_564] : memref<72x128xi32, #tpu.memory_space<vmem>> -> memref<1x128xi32, #tpu.memory_space<vmem>>
        %dma_wait3A_566 = tpu.memref_squeeze %dma_wait3A_565 : memref<1x128xi32, #tpu.memory_space<vmem>> -> memref<128xi32, #tpu.memory_space<vmem>>
        %dma_wait3A_567 = arith.constant 0 : i32
        %dma_wait3A_568 = arith.constant 0 : i32
        %dma_wait3A_569 = tpu.memref_slice %arg12[%arg1, %dma_wait3A_567, %dma_wait3A_568] : memref<16x128x128xf32, #tpu.memory_space<vmem_shared>> -> memref<1x128x128xf32, #tpu.memory_space<vmem_shared>>
        %dma_wait3A_570 = tpu.memref_squeeze %dma_wait3A_569 : memref<1x128x128xf32, #tpu.memory_space<vmem_shared>> -> memref<128x128xf32, #tpu.memory_space<vmem_shared>>
        %dma_wait3A_571 = arith.constant 0 : i32
        %dma_wait3A_572 = arith.constant 0 : i32
        %dma_wait3A_573 = tpu.memref_slice %dma_wait3A_570[%dma_wait3A_571, %dma_wait3A_572] : memref<128x128xf32, #tpu.memory_space<vmem_shared>> -> memref<128x128xf32, #tpu.memory_space<vmem_shared>>
        tpu.wait_indirect_dma semaphore(%run_scoped3A_545 : memref<!tpu.dma_semaphore, #tpu.memory_space<semaphore_mem>>) src(%dma_wait3A_563 : memref<128x128xf32, #tpu.memory_space<vmem>>) dst(%dma_wait3A_573 : memref<128x128xf32, #tpu.memory_space<vmem_shared>>)
        tpu.yield
      }) : () -> ()
      %add3A_522 = arith.constant 3 : i32
      %add3A_523 = arith.addi %add3A_454, %add3A_522 : i32
      %dma_wait3A_524 = arith.constant 3 : i32
      %dma_wait3A_525 = arith.constant 3 : i32
      %dma_wait3A_526 = arith.constant 0 : i32
      %dma_wait3A_527 = arith.constant 0 : i32
      %dma_wait3A_528 = tpu.memref_slice %arg8[%dma_wait3A_524, %dma_wait3A_526, %dma_wait3A_527] : memref<4x128x128xf32, #tpu.memory_space<vmem>> -> memref<1x128x128xf32, #tpu.memory_space<vmem>>
      %dma_wait3A_529 = tpu.memref_squeeze %dma_wait3A_528 : memref<1x128x128xf32, #tpu.memory_space<vmem>> -> memref<128x128xf32, #tpu.memory_space<vmem>>
      %dma_wait3A_530 = arith.constant 0 : i32
      %dma_wait3A_531 = tpu.memref_slice %arg6[%add3A_523, %dma_wait3A_530] : memref<72x128xi32, #tpu.memory_space<vmem>> -> memref<1x128xi32, #tpu.memory_space<vmem>>
      %dma_wait3A_532 = tpu.memref_squeeze %dma_wait3A_531 : memref<1x128xi32, #tpu.memory_space<vmem>> -> memref<128xi32, #tpu.memory_space<vmem>>
      %dma_wait3A_533 = arith.constant 0 : i32
      %dma_wait3A_534 = arith.constant 0 : i32
      %dma_wait3A_535 = tpu.memref_slice %arg2[%dma_wait3A_533, %dma_wait3A_534] : memref<100000x128xf32, #tpu.memory_space<hbm>> -> memref<100000x128xf32, #tpu.memory_space<hbm>>
      %dma_wait3A_536 = tpu.memref_slice %arg13[%dma_wait3A_525] : memref<4x!tpu.dma_semaphore, #tpu.memory_space<semaphore_mem>> -> memref<1x!tpu.dma_semaphore, #tpu.memory_space<semaphore_mem>>
      %dma_wait3A_537 = tpu.memref_squeeze %dma_wait3A_536 : memref<1x!tpu.dma_semaphore, #tpu.memory_space<semaphore_mem>> -> memref<!tpu.dma_semaphore, #tpu.memory_space<semaphore_mem>>
      tpu.wait_indirect_dma semaphore(%dma_wait3A_537 : memref<!tpu.dma_semaphore, #tpu.memory_space<semaphore_mem>>) src(%dma_wait3A_535 : memref<100000x128xf32, #tpu.memory_space<hbm>>) dst(%dma_wait3A_529 : memref<128x128xf32, #tpu.memory_space<vmem>>)
      %add3A_538 = arith.constant 2 : i32
      %add3A_539 = arith.addi %add3A_523, %add3A_538 : i32
      %lt3A_540 = arith.cmpi slt, %add3A_539, %select_n3A_8 : i32
      %convert_element_type3A_541 = arith.extui %lt3A_540 : i1 to i32
      %cond3A_542 = arith.constant 0 : i32
      %cond3A_543 = arith.cmpi ne, %convert_element_type3A_541, %cond3A_542 : i32
      scf.if %cond3A_543 {
        %add3A_545 = arith.constant 2 : i32
        %add3A_546 = arith.addi %add3A_523, %add3A_545 : i32
        %dma_start3A_547 = arith.constant 1 : i32
        %dma_start3A_548 = arith.constant 1 : i32
        %dma_start3A_549 = arith.constant 0 : i32
        %dma_start3A_550 = arith.constant 0 : i32
        %dma_start3A_551 = tpu.memref_slice %arg8[%dma_start3A_547, %dma_start3A_549, %dma_start3A_550] : memref<4x128x128xf32, #tpu.memory_space<vmem>> -> memref<1x128x128xf32, #tpu.memory_space<vmem>>
        %dma_start3A_552 = tpu.memref_squeeze %dma_start3A_551 : memref<1x128x128xf32, #tpu.memory_space<vmem>> -> memref<128x128xf32, #tpu.memory_space<vmem>>
        %dma_start3A_553 = arith.constant 0 : i32
        %dma_start3A_554 = tpu.memref_slice %arg6[%add3A_546, %dma_start3A_553] : memref<72x128xi32, #tpu.memory_space<vmem>> -> memref<1x128xi32, #tpu.memory_space<vmem>>
        %dma_start3A_555 = tpu.memref_squeeze %dma_start3A_554 : memref<1x128xi32, #tpu.memory_space<vmem>> -> memref<128xi32, #tpu.memory_space<vmem>>
        %dma_start3A_556 = arith.constant 0 : i32
        %dma_start3A_557 = arith.constant 0 : i32
        %dma_start3A_558 = tpu.memref_slice %arg2[%dma_start3A_556, %dma_start3A_557] : memref<100000x128xf32, #tpu.memory_space<hbm>> -> memref<100000x128xf32, #tpu.memory_space<hbm>>
        %dma_start3A_559 = tpu.memref_slice %arg13[%dma_start3A_548] : memref<4x!tpu.dma_semaphore, #tpu.memory_space<semaphore_mem>> -> memref<1x!tpu.dma_semaphore, #tpu.memory_space<semaphore_mem>>
        %dma_start3A_560 = tpu.memref_squeeze %dma_start3A_559 : memref<1x!tpu.dma_semaphore, #tpu.memory_space<semaphore_mem>> -> memref<!tpu.dma_semaphore, #tpu.memory_space<semaphore_mem>>
        tpu.enqueue_indirect_dma source(%dma_start3A_558 : memref<100000x128xf32, #tpu.memory_space<hbm>>) target(%dma_start3A_552 : memref<128x128xf32, #tpu.memory_space<vmem>>) offsets(%dma_start3A_555 : memref<128xi32, #tpu.memory_space<vmem>>) semaphore(%dma_start3A_560 : memref<!tpu.dma_semaphore, #tpu.memory_space<semaphore_mem>>)
      } else {
      }
      %run_scoped3A_544 = arith.constant 3 : i32
      "tpu.region"() ({
        %run_scoped3A_545 = tpu.sem_alloc : memref<!tpu.dma_semaphore, #tpu.memory_space<semaphore_mem>>
        %dma_start3A_546 = arith.constant 0 : i32
        %dma_start3A_547 = arith.constant 0 : i32
        %dma_start3A_548 = tpu.memref_slice %arg8[%run_scoped3A_544, %dma_start3A_546, %dma_start3A_547] : memref<4x128x128xf32, #tpu.memory_space<vmem>> -> memref<1x128x128xf32, #tpu.memory_space<vmem>>
        %dma_start3A_549 = tpu.memref_squeeze %dma_start3A_548 : memref<1x128x128xf32, #tpu.memory_space<vmem>> -> memref<128x128xf32, #tpu.memory_space<vmem>>
        %dma_start3A_550 = arith.constant 0 : i32
        %dma_start3A_551 = tpu.memref_slice %arg7[%add3A_523, %dma_start3A_550] : memref<72x128xi32, #tpu.memory_space<vmem>> -> memref<1x128xi32, #tpu.memory_space<vmem>>
        %dma_start3A_552 = tpu.memref_squeeze %dma_start3A_551 : memref<1x128xi32, #tpu.memory_space<vmem>> -> memref<128xi32, #tpu.memory_space<vmem>>
        %dma_start3A_553 = arith.constant 0 : i32
        %dma_start3A_554 = arith.constant 0 : i32
        %dma_start3A_555 = tpu.memref_slice %arg12[%arg1, %dma_start3A_553, %dma_start3A_554] : memref<16x128x128xf32, #tpu.memory_space<vmem_shared>> -> memref<1x128x128xf32, #tpu.memory_space<vmem_shared>>
        %dma_start3A_556 = tpu.memref_squeeze %dma_start3A_555 : memref<1x128x128xf32, #tpu.memory_space<vmem_shared>> -> memref<128x128xf32, #tpu.memory_space<vmem_shared>>
        %dma_start3A_557 = arith.constant 0 : i32
        %dma_start3A_558 = arith.constant 0 : i32
        %dma_start3A_559 = tpu.memref_slice %dma_start3A_556[%dma_start3A_557, %dma_start3A_558] : memref<128x128xf32, #tpu.memory_space<vmem_shared>> -> memref<128x128xf32, #tpu.memory_space<vmem_shared>>
        tpu.enqueue_indirect_dma source(%dma_start3A_549 : memref<128x128xf32, #tpu.memory_space<vmem>>) target(%dma_start3A_559 : memref<128x128xf32, #tpu.memory_space<vmem_shared>>) offsets(%dma_start3A_552 : memref<128xi32, #tpu.memory_space<vmem>>) semaphore(%run_scoped3A_545 : memref<!tpu.dma_semaphore, #tpu.memory_space<semaphore_mem>>) {add = true}
        %dma_wait3A_560 = arith.constant 0 : i32
        %dma_wait3A_561 = arith.constant 0 : i32
        %dma_wait3A_562 = tpu.memref_slice %arg8[%run_scoped3A_544, %dma_wait3A_560, %dma_wait3A_561] : memref<4x128x128xf32, #tpu.memory_space<vmem>> -> memref<1x128x128xf32, #tpu.memory_space<vmem>>
        %dma_wait3A_563 = tpu.memref_squeeze %dma_wait3A_562 : memref<1x128x128xf32, #tpu.memory_space<vmem>> -> memref<128x128xf32, #tpu.memory_space<vmem>>
        %dma_wait3A_564 = arith.constant 0 : i32
        %dma_wait3A_565 = tpu.memref_slice %arg7[%add3A_523, %dma_wait3A_564] : memref<72x128xi32, #tpu.memory_space<vmem>> -> memref<1x128xi32, #tpu.memory_space<vmem>>
        %dma_wait3A_566 = tpu.memref_squeeze %dma_wait3A_565 : memref<1x128xi32, #tpu.memory_space<vmem>> -> memref<128xi32, #tpu.memory_space<vmem>>
        %dma_wait3A_567 = arith.constant 0 : i32
        %dma_wait3A_568 = arith.constant 0 : i32
        %dma_wait3A_569 = tpu.memref_slice %arg12[%arg1, %dma_wait3A_567, %dma_wait3A_568] : memref<16x128x128xf32, #tpu.memory_space<vmem_shared>> -> memref<1x128x128xf32, #tpu.memory_space<vmem_shared>>
        %dma_wait3A_570 = tpu.memref_squeeze %dma_wait3A_569 : memref<1x128x128xf32, #tpu.memory_space<vmem_shared>> -> memref<128x128xf32, #tpu.memory_space<vmem_shared>>
        %dma_wait3A_571 = arith.constant 0 : i32
        %dma_wait3A_572 = arith.constant 0 : i32
        %dma_wait3A_573 = tpu.memref_slice %dma_wait3A_570[%dma_wait3A_571, %dma_wait3A_572] : memref<128x128xf32, #tpu.memory_space<vmem_shared>> -> memref<128x128xf32, #tpu.memory_space<vmem_shared>>
        tpu.wait_indirect_dma semaphore(%run_scoped3A_545 : memref<!tpu.dma_semaphore, #tpu.memory_space<semaphore_mem>>) src(%dma_wait3A_563 : memref<128x128xf32, #tpu.memory_space<vmem>>) dst(%dma_wait3A_573 : memref<128x128xf32, #tpu.memory_space<vmem_shared>>)
        tpu.yield
      }) : () -> ()
    }
    %barrier3A = arith.constant 0 : index
    tpu.barrier barrier_id(%barrier3A)
    %mul3A_446 = arith.constant 4 : i32
    %mul3A_447 = arith.muli %arg1, %mul3A_446 : i32
    %run_scoped3A = arith.constant 0 : i32
    "tpu.region"() ({
      %run_scoped3A_452 = tpu.sem_alloc : memref<!tpu.dma_semaphore, #tpu.memory_space<semaphore_mem>>
      %dma_start3A_453 = arith.constant 0 : i32
      %dma_start3A_454 = tpu.memref_slice %arg12[%run_scoped3A, %mul3A_447, %dma_start3A_453] : memref<16x128x128xf32, #tpu.memory_space<vmem_shared>> -> memref<1x4x128xf32, #tpu.memory_space<vmem_shared>>
      %dma_start3A_455 = tpu.memref_squeeze %dma_start3A_454 : memref<1x4x128xf32, #tpu.memory_space<vmem_shared>> -> memref<4x128xf32, #tpu.memory_space<vmem_shared>>
      %dma_start3A_456 = arith.constant 0 : i32
      %dma_start3A_457 = tpu.memref_slice %arg12[%run_scoped3A, %mul3A_447, %dma_start3A_456] : memref<16x128x128xf32, #tpu.memory_space<vmem_shared>> -> memref<1x4x128xf32, #tpu.memory_space<vmem_shared>>
      %dma_start3A_458 = tpu.memref_squeeze %dma_start3A_457 : memref<1x4x128xf32, #tpu.memory_space<vmem_shared>> -> memref<4x128xf32, #tpu.memory_space<vmem_shared>>
      tpu.enqueue_dma source(%dma_start3A_458 : memref<4x128xf32, #tpu.memory_space<vmem_shared>>) target(%arg9 : memref<4x128xf32, #tpu.memory_space<vmem>>) target_semaphore(%run_scoped3A_452 : memref<!tpu.dma_semaphore, #tpu.memory_space<semaphore_mem>>)
      %dma_wait3A = arith.constant 0 : i32
      %dma_wait3A_459 = tpu.memref_slice %arg12[%run_scoped3A, %mul3A_447, %dma_wait3A] : memref<16x128x128xf32, #tpu.memory_space<vmem_shared>> -> memref<1x4x128xf32, #tpu.memory_space<vmem_shared>>
      %dma_wait3A_460 = tpu.memref_squeeze %dma_wait3A_459 : memref<1x4x128xf32, #tpu.memory_space<vmem_shared>> -> memref<4x128xf32, #tpu.memory_space<vmem_shared>>
      %dma_wait3A_461 = arith.constant 0 : i32
      %dma_wait3A_462 = tpu.memref_slice %arg12[%run_scoped3A, %mul3A_447, %dma_wait3A_461] : memref<16x128x128xf32, #tpu.memory_space<vmem_shared>> -> memref<1x4x128xf32, #tpu.memory_space<vmem_shared>>
      %dma_wait3A_463 = tpu.memref_squeeze %dma_wait3A_462 : memref<1x4x128xf32, #tpu.memory_space<vmem_shared>> -> memref<4x128xf32, #tpu.memory_space<vmem_shared>>
      tpu.wait_dma2 semaphore(%run_scoped3A_452 : memref<!tpu.dma_semaphore, #tpu.memory_space<semaphore_mem>>) src(%dma_wait3A_463 : memref<4x128xf32, #tpu.memory_space<vmem_shared>>) dst(%arg9 : memref<4x128xf32, #tpu.memory_space<vmem>>)
      tpu.yield
    }) : () -> ()
    %scan3A = arith.constant 0 : i32
    %scan3A_448 = arith.constant 15 : i32
    %scan3A_449 = arith.addi %scan3A, %scan3A_448 : i32
    %scan3A_450 = arith.constant 1 : i32
    scf.for %scan3A_452 = %scan3A to %scan3A_449 step %scan3A_450  : i32 {
      %mul3A_453 = arith.constant 1 : i32
      %mul3A_454 = arith.muli %scan3A_452, %mul3A_453 : i32
      %add3A_455 = arith.constant 1 : i32
      %add3A_456 = arith.addi %add3A_455, %mul3A_454 : i32
      "tpu.region"() ({
        %run_scoped3A_1000 = tpu.sem_alloc : memref<!tpu.dma_semaphore, #tpu.memory_space<semaphore_mem>>
        %dma_start3A_1001 = arith.constant 0 : i32
        %dma_start3A_1002 = tpu.memref_slice %arg12[%add3A_456, %mul3A_447, %dma_start3A_1001] : memref<16x128x128xf32, #tpu.memory_space<vmem_shared>> -> memref<1x4x128xf32, #tpu.memory_space<vmem_shared>>
        %dma_start3A_1003 = tpu.memref_squeeze %dma_start3A_1002 : memref<1x4x128xf32, #tpu.memory_space<vmem_shared>> -> memref<4x128xf32, #tpu.memory_space<vmem_shared>>
        %dma_start3A_1004 = arith.constant 0 : i32
        %dma_start3A_1005 = tpu.memref_slice %arg12[%add3A_456, %mul3A_447, %dma_start3A_1004] : memref<16x128x128xf32, #tpu.memory_space<vmem_shared>> -> memref<1x4x128xf32, #tpu.memory_space<vmem_shared>>
        %dma_start3A_1006 = tpu.memref_squeeze %dma_start3A_1005 : memref<1x4x128xf32, #tpu.memory_space<vmem_shared>> -> memref<4x128xf32, #tpu.memory_space<vmem_shared>>
        tpu.enqueue_dma source(%dma_start3A_1006 : memref<4x128xf32, #tpu.memory_space<vmem_shared>>) target(%arg10 : memref<4x128xf32, #tpu.memory_space<vmem>>) target_semaphore(%run_scoped3A_1000 : memref<!tpu.dma_semaphore, #tpu.memory_space<semaphore_mem>>)
        %dma_wait3A = arith.constant 0 : i32
        %dma_wait3A_1007 = tpu.memref_slice %arg12[%add3A_456, %mul3A_447, %dma_wait3A] : memref<16x128x128xf32, #tpu.memory_space<vmem_shared>> -> memref<1x4x128xf32, #tpu.memory_space<vmem_shared>>
        %dma_wait3A_1008 = tpu.memref_squeeze %dma_wait3A_1007 : memref<1x4x128xf32, #tpu.memory_space<vmem_shared>> -> memref<4x128xf32, #tpu.memory_space<vmem_shared>>
        %dma_wait3A_1009 = arith.constant 0 : i32
        %dma_wait3A_1010 = tpu.memref_slice %arg12[%add3A_456, %mul3A_447, %dma_wait3A_1009] : memref<16x128x128xf32, #tpu.memory_space<vmem_shared>> -> memref<1x4x128xf32, #tpu.memory_space<vmem_shared>>
        %dma_wait3A_1011 = tpu.memref_squeeze %dma_wait3A_1010 : memref<1x4x128xf32, #tpu.memory_space<vmem_shared>> -> memref<4x128xf32, #tpu.memory_space<vmem_shared>>
        tpu.wait_dma2 semaphore(%run_scoped3A_1000 : memref<!tpu.dma_semaphore, #tpu.memory_space<semaphore_mem>>) src(%dma_wait3A_1011 : memref<4x128xf32, #tpu.memory_space<vmem_shared>>) dst(%arg10 : memref<4x128xf32, #tpu.memory_space<vmem>>)
        tpu.yield
      }) : () -> ()
      %get3A = arith.constant 0 : i32
      %get3A_457 = arith.index_cast %get3A : i32 to index
      %get3A_458 = arith.constant 0 : index
      %get3A_459 = tpu.vector_load %arg9[%get3A_457, %get3A_458] {strides = array<i32>} : memref<4x128xf32, #tpu.memory_space<vmem>>, vector<1x16xf32>,
      %get3A_460 = vector.shape_cast %get3A_459 : vector<1x16xf32> to vector<16xf32>
      %get3A_461 = arith.constant 0 : i32
      %get3A_462 = arith.index_cast %get3A_461 : i32 to index
      %get3A_463 = arith.constant 0 : index
      %get3A_464 = tpu.vector_load %arg10[%get3A_462, %get3A_463] {strides = array<i32>} : memref<4x128xf32, #tpu.memory_space<vmem>>, vector<1x16xf32>,
      %get3A_465 = vector.shape_cast %get3A_464 : vector<1x16xf32> to vector<16xf32>
      %add3A_466 = arith.addf %get3A_460, %get3A_465 : vector<16xf32>
      %swap3A_467 = arith.constant 0 : i32
      %swap3A_468 = arith.index_cast %swap3A_467 : i32 to index
      %swap3A_469 = arith.constant 0 : index
      %swap3A_470 = tpu.vector_load %arg9[%swap3A_468, %swap3A_469] {strides = array<i32>} : memref<4x128xf32, #tpu.memory_space<vmem>>, vector<1x16xf32>,
      %swap3A_471 = vector.shape_cast %swap3A_470 : vector<1x16xf32> to vector<16xf32>
      %swap3A_472 = vector.shape_cast %add3A_466 : vector<16xf32> to vector<1x16xf32>
      tpu.vector_store %arg9[%swap3A_468, %swap3A_469], %swap3A_472 {strides = array<i32>} : memref<4x128xf32, #tpu.memory_space<vmem>>, vector<1x16xf32>,
      %get3A_473 = arith.constant 0 : i32
      %get3A_474 = arith.index_cast %get3A_473 : i32 to index
      %get3A_475 = arith.constant 16 : index
      %get3A_476 = tpu.vector_load %arg9[%get3A_474, %get3A_475] {strides = array<i32>} : memref<4x128xf32, #tpu.memory_space<vmem>>, vector<1x16xf32>,
      %get3A_477 = vector.shape_cast %get3A_476 : vector<1x16xf32> to vector<16xf32>
      %get3A_478 = arith.constant 0 : i32
      %get3A_479 = arith.index_cast %get3A_478 : i32 to index
      %get3A_480 = arith.constant 16 : index
      %get3A_481 = tpu.vector_load %arg10[%get3A_479, %get3A_480] {strides = array<i32>} : memref<4x128xf32, #tpu.memory_space<vmem>>, vector<1x16xf32>,
      %get3A_482 = vector.shape_cast %get3A_481 : vector<1x16xf32> to vector<16xf32>
      %add3A_483 = arith.addf %get3A_477, %get3A_482 : vector<16xf32>
      %swap3A_484 = arith.constant 0 : i32
      %swap3A_485 = arith.index_cast %swap3A_484 : i32 to index
      %swap3A_486 = arith.constant 16 : index
      %swap3A_487 = tpu.vector_load %arg9[%swap3A_485, %swap3A_486] {strides = array<i32>} : memref<4x128xf32, #tpu.memory_space<vmem>>, vector<1x16xf32>,
      %swap3A_488 = vector.shape_cast %swap3A_487 : vector<1x16xf32> to vector<16xf32>
      %swap3A_489 = vector.shape_cast %add3A_483 : vector<16xf32> to vector<1x16xf32>
      tpu.vector_store %arg9[%swap3A_485, %swap3A_486], %swap3A_489 {strides = array<i32>} : memref<4x128xf32, #tpu.memory_space<vmem>>, vector<1x16xf32>,
      %get3A_490 = arith.constant 0 : i32
      %get3A_491 = arith.index_cast %get3A_490 : i32 to index
      %get3A_492 = arith.constant 32 : index
      %get3A_493 = tpu.vector_load %arg9[%get3A_491, %get3A_492] {strides = array<i32>} : memref<4x128xf32, #tpu.memory_space<vmem>>, vector<1x16xf32>,
      %get3A_494 = vector.shape_cast %get3A_493 : vector<1x16xf32> to vector<16xf32>
      %get3A_495 = arith.constant 0 : i32
      %get3A_496 = arith.index_cast %get3A_495 : i32 to index
      %get3A_497 = arith.constant 32 : index
      %get3A_498 = tpu.vector_load %arg10[%get3A_496, %get3A_497] {strides = array<i32>} : memref<4x128xf32, #tpu.memory_space<vmem>>, vector<1x16xf32>,
      %get3A_499 = vector.shape_cast %get3A_498 : vector<1x16xf32> to vector<16xf32>
      %add3A_500 = arith.addf %get3A_494, %get3A_499 : vector<16xf32>
      %swap3A_501 = arith.constant 0 : i32
      %swap3A_502 = arith.index_cast %swap3A_501 : i32 to index
      %swap3A_503 = arith.constant 32 : index
      %swap3A_504 = tpu.vector_load %arg9[%swap3A_502, %swap3A_503] {strides = array<i32>} : memref<4x128xf32, #tpu.memory_space<vmem>>, vector<1x16xf32>,
      %swap3A_505 = vector.shape_cast %swap3A_504 : vector<1x16xf32> to vector<16xf32>
      %swap3A_506 = vector.shape_cast %add3A_500 : vector<16xf32> to vector<1x16xf32>
      tpu.vector_store %arg9[%swap3A_502, %swap3A_503], %swap3A_506 {strides = array<i32>} : memref<4x128xf32, #tpu.memory_space<vmem>>, vector<1x16xf32>,
      %get3A_507 = arith.constant 0 : i32
      %get3A_508 = arith.index_cast %get3A_507 : i32 to index
      %get3A_509 = arith.constant 48 : index
      %get3A_510 = tpu.vector_load %arg9[%get3A_508, %get3A_509] {strides = array<i32>} : memref<4x128xf32, #tpu.memory_space<vmem>>, vector<1x16xf32>,
      %get3A_511 = vector.shape_cast %get3A_510 : vector<1x16xf32> to vector<16xf32>
      %get3A_512 = arith.constant 0 : i32
      %get3A_513 = arith.index_cast %get3A_512 : i32 to index
      %get3A_514 = arith.constant 48 : index
      %get3A_515 = tpu.vector_load %arg10[%get3A_513, %get3A_514] {strides = array<i32>} : memref<4x128xf32, #tpu.memory_space<vmem>>, vector<1x16xf32>,
      %get3A_516 = vector.shape_cast %get3A_515 : vector<1x16xf32> to vector<16xf32>
      %add3A_517 = arith.addf %get3A_511, %get3A_516 : vector<16xf32>
      %swap3A_518 = arith.constant 0 : i32
      %swap3A_519 = arith.index_cast %swap3A_518 : i32 to index
      %swap3A_520 = arith.constant 48 : index
      %swap3A_521 = tpu.vector_load %arg9[%swap3A_519, %swap3A_520] {strides = array<i32>} : memref<4x128xf32, #tpu.memory_space<vmem>>, vector<1x16xf32>,
      %swap3A_522 = vector.shape_cast %swap3A_521 : vector<1x16xf32> to vector<16xf32>
      %swap3A_523 = vector.shape_cast %add3A_517 : vector<16xf32> to vector<1x16xf32>
      tpu.vector_store %arg9[%swap3A_519, %swap3A_520], %swap3A_523 {strides = array<i32>} : memref<4x128xf32, #tpu.memory_space<vmem>>, vector<1x16xf32>,
      %get3A_524 = arith.constant 0 : i32
      %get3A_525 = arith.index_cast %get3A_524 : i32 to index
      %get3A_526 = arith.constant 64 : index
      %get3A_527 = tpu.vector_load %arg9[%get3A_525, %get3A_526] {strides = array<i32>} : memref<4x128xf32, #tpu.memory_space<vmem>>, vector<1x16xf32>,
      %get3A_528 = vector.shape_cast %get3A_527 : vector<1x16xf32> to vector<16xf32>
      %get3A_529 = arith.constant 0 : i32
      %get3A_530 = arith.index_cast %get3A_529 : i32 to index
      %get3A_531 = arith.constant 64 : index
      %get3A_532 = tpu.vector_load %arg10[%get3A_530, %get3A_531] {strides = array<i32>} : memref<4x128xf32, #tpu.memory_space<vmem>>, vector<1x16xf32>,
      %get3A_533 = vector.shape_cast %get3A_532 : vector<1x16xf32> to vector<16xf32>
      %add3A_534 = arith.addf %get3A_528, %get3A_533 : vector<16xf32>
      %swap3A_535 = arith.constant 0 : i32
      %swap3A_536 = arith.index_cast %swap3A_535 : i32 to index
      %swap3A_537 = arith.constant 64 : index
      %swap3A_538 = tpu.vector_load %arg9[%swap3A_536, %swap3A_537] {strides = array<i32>} : memref<4x128xf32, #tpu.memory_space<vmem>>, vector<1x16xf32>,
      %swap3A_539 = vector.shape_cast %swap3A_538 : vector<1x16xf32> to vector<16xf32>
      %swap3A_540 = vector.shape_cast %add3A_534 : vector<16xf32> to vector<1x16xf32>
      tpu.vector_store %arg9[%swap3A_536, %swap3A_537], %swap3A_540 {strides = array<i32>} : memref<4x128xf32, #tpu.memory_space<vmem>>, vector<1x16xf32>,
      %get3A_541 = arith.constant 0 : i32
      %get3A_542 = arith.index_cast %get3A_541 : i32 to index
      %get3A_543 = arith.constant 80 : index
      %get3A_544 = tpu.vector_load %arg9[%get3A_542, %get3A_543] {strides = array<i32>} : memref<4x128xf32, #tpu.memory_space<vmem>>, vector<1x16xf32>,
      %get3A_545 = vector.shape_cast %get3A_544 : vector<1x16xf32> to vector<16xf32>
      %get3A_546 = arith.constant 0 : i32
      %get3A_547 = arith.index_cast %get3A_546 : i32 to index
      %get3A_548 = arith.constant 80 : index
      %get3A_549 = tpu.vector_load %arg10[%get3A_547, %get3A_548] {strides = array<i32>} : memref<4x128xf32, #tpu.memory_space<vmem>>, vector<1x16xf32>,
      %get3A_550 = vector.shape_cast %get3A_549 : vector<1x16xf32> to vector<16xf32>
      %add3A_551 = arith.addf %get3A_545, %get3A_550 : vector<16xf32>
      %swap3A_552 = arith.constant 0 : i32
      %swap3A_553 = arith.index_cast %swap3A_552 : i32 to index
      %swap3A_554 = arith.constant 80 : index
      %swap3A_555 = tpu.vector_load %arg9[%swap3A_553, %swap3A_554] {strides = array<i32>} : memref<4x128xf32, #tpu.memory_space<vmem>>, vector<1x16xf32>,
      %swap3A_556 = vector.shape_cast %swap3A_555 : vector<1x16xf32> to vector<16xf32>
      %swap3A_557 = vector.shape_cast %add3A_551 : vector<16xf32> to vector<1x16xf32>
      tpu.vector_store %arg9[%swap3A_553, %swap3A_554], %swap3A_557 {strides = array<i32>} : memref<4x128xf32, #tpu.memory_space<vmem>>, vector<1x16xf32>,
      %get3A_558 = arith.constant 0 : i32
      %get3A_559 = arith.index_cast %get3A_558 : i32 to index
      %get3A_560 = arith.constant 96 : index
      %get3A_561 = tpu.vector_load %arg9[%get3A_559, %get3A_560] {strides = array<i32>} : memref<4x128xf32, #tpu.memory_space<vmem>>, vector<1x16xf32>,
      %get3A_562 = vector.shape_cast %get3A_561 : vector<1x16xf32> to vector<16xf32>
      %get3A_563 = arith.constant 0 : i32
      %get3A_564 = arith.index_cast %get3A_563 : i32 to index
      %get3A_565 = arith.constant 96 : index
      %get3A_566 = tpu.vector_load %arg10[%get3A_564, %get3A_565] {strides = array<i32>} : memref<4x128xf32, #tpu.memory_space<vmem>>, vector<1x16xf32>,
      %get3A_567 = vector.shape_cast %get3A_566 : vector<1x16xf32> to vector<16xf32>
      %add3A_568 = arith.addf %get3A_562, %get3A_567 : vector<16xf32>
      %swap3A_569 = arith.constant 0 : i32
      %swap3A_570 = arith.index_cast %swap3A_569 : i32 to index
      %swap3A_571 = arith.constant 96 : index
      %swap3A_572 = tpu.vector_load %arg9[%swap3A_570, %swap3A_571] {strides = array<i32>} : memref<4x128xf32, #tpu.memory_space<vmem>>, vector<1x16xf32>,
      %swap3A_573 = vector.shape_cast %swap3A_572 : vector<1x16xf32> to vector<16xf32>
      %swap3A_574 = vector.shape_cast %add3A_568 : vector<16xf32> to vector<1x16xf32>
      tpu.vector_store %arg9[%swap3A_570, %swap3A_571], %swap3A_574 {strides = array<i32>} : memref<4x128xf32, #tpu.memory_space<vmem>>, vector<1x16xf32>,
      %get3A_575 = arith.constant 0 : i32
      %get3A_576 = arith.index_cast %get3A_575 : i32 to index
      %get3A_577 = arith.constant 112 : index
      %get3A_578 = tpu.vector_load %arg9[%get3A_576, %get3A_577] {strides = array<i32>} : memref<4x128xf32, #tpu.memory_space<vmem>>, vector<1x16xf32>,
      %get3A_579 = vector.shape_cast %get3A_578 : vector<1x16xf32> to vector<16xf32>
      %get3A_580 = arith.constant 0 : i32
      %get3A_581 = arith.index_cast %get3A_580 : i32 to index
      %get3A_582 = arith.constant 112 : index
      %get3A_583 = tpu.vector_load %arg10[%get3A_581, %get3A_582] {strides = array<i32>} : memref<4x128xf32, #tpu.memory_space<vmem>>, vector<1x16xf32>,
      %get3A_584 = vector.shape_cast %get3A_583 : vector<1x16xf32> to vector<16xf32>
      %add3A_585 = arith.addf %get3A_579, %get3A_584 : vector<16xf32>
      %swap3A_586 = arith.constant 0 : i32
      %swap3A_587 = arith.index_cast %swap3A_586 : i32 to index
      %swap3A_588 = arith.constant 112 : index
      %swap3A_589 = tpu.vector_load %arg9[%swap3A_587, %swap3A_588] {strides = array<i32>} : memref<4x128xf32, #tpu.memory_space<vmem>>, vector<1x16xf32>,
      %swap3A_590 = vector.shape_cast %swap3A_589 : vector<1x16xf32> to vector<16xf32>
      %swap3A_591 = vector.shape_cast %add3A_585 : vector<16xf32> to vector<1x16xf32>
      tpu.vector_store %arg9[%swap3A_587, %swap3A_588], %swap3A_591 {strides = array<i32>} : memref<4x128xf32, #tpu.memory_space<vmem>>, vector<1x16xf32>,
      %get3A_592 = arith.constant 1 : i32
      %get3A_593 = arith.index_cast %get3A_592 : i32 to index
      %get3A_594 = arith.constant 0 : index
      %get3A_595 = tpu.vector_load %arg9[%get3A_593, %get3A_594] {strides = array<i32>} : memref<4x128xf32, #tpu.memory_space<vmem>>, vector<1x16xf32>,
      %get3A_596 = vector.shape_cast %get3A_595 : vector<1x16xf32> to vector<16xf32>
      %get3A_597 = arith.constant 1 : i32
      %get3A_598 = arith.index_cast %get3A_597 : i32 to index
      %get3A_599 = arith.constant 0 : index
      %get3A_600 = tpu.vector_load %arg10[%get3A_598, %get3A_599] {strides = array<i32>} : memref<4x128xf32, #tpu.memory_space<vmem>>, vector<1x16xf32>,
      %get3A_601 = vector.shape_cast %get3A_600 : vector<1x16xf32> to vector<16xf32>
      %add3A_602 = arith.addf %get3A_596, %get3A_601 : vector<16xf32>
      %swap3A_603 = arith.constant 1 : i32
      %swap3A_604 = arith.index_cast %swap3A_603 : i32 to index
      %swap3A_605 = arith.constant 0 : index
      %swap3A_606 = tpu.vector_load %arg9[%swap3A_604, %swap3A_605] {strides = array<i32>} : memref<4x128xf32, #tpu.memory_space<vmem>>, vector<1x16xf32>,
      %swap3A_607 = vector.shape_cast %swap3A_606 : vector<1x16xf32> to vector<16xf32>
      %swap3A_608 = vector.shape_cast %add3A_602 : vector<16xf32> to vector<1x16xf32>
      tpu.vector_store %arg9[%swap3A_604, %swap3A_605], %swap3A_608 {strides = array<i32>} : memref<4x128xf32, #tpu.memory_space<vmem>>, vector<1x16xf32>,
      %get3A_609 = arith.constant 1 : i32
      %get3A_610 = arith.index_cast %get3A_609 : i32 to index
      %get3A_611 = arith.constant 16 : index
      %get3A_612 = tpu.vector_load %arg9[%get3A_610, %get3A_611] {strides = array<i32>} : memref<4x128xf32, #tpu.memory_space<vmem>>, vector<1x16xf32>,
      %get3A_613 = vector.shape_cast %get3A_612 : vector<1x16xf32> to vector<16xf32>
      %get3A_614 = arith.constant 1 : i32
      %get3A_615 = arith.index_cast %get3A_614 : i32 to index
      %get3A_616 = arith.constant 16 : index
      %get3A_617 = tpu.vector_load %arg10[%get3A_615, %get3A_616] {strides = array<i32>} : memref<4x128xf32, #tpu.memory_space<vmem>>, vector<1x16xf32>,
      %get3A_618 = vector.shape_cast %get3A_617 : vector<1x16xf32> to vector<16xf32>
      %add3A_619 = arith.addf %get3A_613, %get3A_618 : vector<16xf32>
      %swap3A_620 = arith.constant 1 : i32
      %swap3A_621 = arith.index_cast %swap3A_620 : i32 to index
      %swap3A_622 = arith.constant 16 : index
      %swap3A_623 = tpu.vector_load %arg9[%swap3A_621, %swap3A_622] {strides = array<i32>} : memref<4x128xf32, #tpu.memory_space<vmem>>, vector<1x16xf32>,
      %swap3A_624 = vector.shape_cast %swap3A_623 : vector<1x16xf32> to vector<16xf32>
      %swap3A_625 = vector.shape_cast %add3A_619 : vector<16xf32> to vector<1x16xf32>
      tpu.vector_store %arg9[%swap3A_621, %swap3A_622], %swap3A_625 {strides = array<i32>} : memref<4x128xf32, #tpu.memory_space<vmem>>, vector<1x16xf32>,
      %get3A_626 = arith.constant 1 : i32
      %get3A_627 = arith.index_cast %get3A_626 : i32 to index
      %get3A_628 = arith.constant 32 : index
      %get3A_629 = tpu.vector_load %arg9[%get3A_627, %get3A_628] {strides = array<i32>} : memref<4x128xf32, #tpu.memory_space<vmem>>, vector<1x16xf32>,
      %get3A_630 = vector.shape_cast %get3A_629 : vector<1x16xf32> to vector<16xf32>
      %get3A_631 = arith.constant 1 : i32
      %get3A_632 = arith.index_cast %get3A_631 : i32 to index
      %get3A_633 = arith.constant 32 : index
      %get3A_634 = tpu.vector_load %arg10[%get3A_632, %get3A_633] {strides = array<i32>} : memref<4x128xf32, #tpu.memory_space<vmem>>, vector<1x16xf32>,
      %get3A_635 = vector.shape_cast %get3A_634 : vector<1x16xf32> to vector<16xf32>
      %add3A_636 = arith.addf %get3A_630, %get3A_635 : vector<16xf32>
      %swap3A_637 = arith.constant 1 : i32
      %swap3A_638 = arith.index_cast %swap3A_637 : i32 to index
      %swap3A_639 = arith.constant 32 : index
      %swap3A_640 = tpu.vector_load %arg9[%swap3A_638, %swap3A_639] {strides = array<i32>} : memref<4x128xf32, #tpu.memory_space<vmem>>, vector<1x16xf32>,
      %swap3A_641 = vector.shape_cast %swap3A_640 : vector<1x16xf32> to vector<16xf32>
      %swap3A_642 = vector.shape_cast %add3A_636 : vector<16xf32> to vector<1x16xf32>
      tpu.vector_store %arg9[%swap3A_638, %swap3A_639], %swap3A_642 {strides = array<i32>} : memref<4x128xf32, #tpu.memory_space<vmem>>, vector<1x16xf32>,
      %get3A_643 = arith.constant 1 : i32
      %get3A_644 = arith.index_cast %get3A_643 : i32 to index
      %get3A_645 = arith.constant 48 : index
      %get3A_646 = tpu.vector_load %arg9[%get3A_644, %get3A_645] {strides = array<i32>} : memref<4x128xf32, #tpu.memory_space<vmem>>, vector<1x16xf32>,
      %get3A_647 = vector.shape_cast %get3A_646 : vector<1x16xf32> to vector<16xf32>
      %get3A_648 = arith.constant 1 : i32
      %get3A_649 = arith.index_cast %get3A_648 : i32 to index
      %get3A_650 = arith.constant 48 : index
      %get3A_651 = tpu.vector_load %arg10[%get3A_649, %get3A_650] {strides = array<i32>} : memref<4x128xf32, #tpu.memory_space<vmem>>, vector<1x16xf32>,
      %get3A_652 = vector.shape_cast %get3A_651 : vector<1x16xf32> to vector<16xf32>
      %add3A_653 = arith.addf %get3A_647, %get3A_652 : vector<16xf32>
      %swap3A_654 = arith.constant 1 : i32
      %swap3A_655 = arith.index_cast %swap3A_654 : i32 to index
      %swap3A_656 = arith.constant 48 : index
      %swap3A_657 = tpu.vector_load %arg9[%swap3A_655, %swap3A_656] {strides = array<i32>} : memref<4x128xf32, #tpu.memory_space<vmem>>, vector<1x16xf32>,
      %swap3A_658 = vector.shape_cast %swap3A_657 : vector<1x16xf32> to vector<16xf32>
      %swap3A_659 = vector.shape_cast %add3A_653 : vector<16xf32> to vector<1x16xf32>
      tpu.vector_store %arg9[%swap3A_655, %swap3A_656], %swap3A_659 {strides = array<i32>} : memref<4x128xf32, #tpu.memory_space<vmem>>, vector<1x16xf32>,
      %get3A_660 = arith.constant 1 : i32
      %get3A_661 = arith.index_cast %get3A_660 : i32 to index
      %get3A_662 = arith.constant 64 : index
      %get3A_663 = tpu.vector_load %arg9[%get3A_661, %get3A_662] {strides = array<i32>} : memref<4x128xf32, #tpu.memory_space<vmem>>, vector<1x16xf32>,
      %get3A_664 = vector.shape_cast %get3A_663 : vector<1x16xf32> to vector<16xf32>
      %get3A_665 = arith.constant 1 : i32
      %get3A_666 = arith.index_cast %get3A_665 : i32 to index
      %get3A_667 = arith.constant 64 : index
      %get3A_668 = tpu.vector_load %arg10[%get3A_666, %get3A_667] {strides = array<i32>} : memref<4x128xf32, #tpu.memory_space<vmem>>, vector<1x16xf32>,
      %get3A_669 = vector.shape_cast %get3A_668 : vector<1x16xf32> to vector<16xf32>
      %add3A_670 = arith.addf %get3A_664, %get3A_669 : vector<16xf32>
      %swap3A_671 = arith.constant 1 : i32
      %swap3A_672 = arith.index_cast %swap3A_671 : i32 to index
      %swap3A_673 = arith.constant 64 : index
      %swap3A_674 = tpu.vector_load %arg9[%swap3A_672, %swap3A_673] {strides = array<i32>} : memref<4x128xf32, #tpu.memory_space<vmem>>, vector<1x16xf32>,
      %swap3A_675 = vector.shape_cast %swap3A_674 : vector<1x16xf32> to vector<16xf32>
      %swap3A_676 = vector.shape_cast %add3A_670 : vector<16xf32> to vector<1x16xf32>
      tpu.vector_store %arg9[%swap3A_672, %swap3A_673], %swap3A_676 {strides = array<i32>} : memref<4x128xf32, #tpu.memory_space<vmem>>, vector<1x16xf32>,
      %get3A_677 = arith.constant 1 : i32
      %get3A_678 = arith.index_cast %get3A_677 : i32 to index
      %get3A_679 = arith.constant 80 : index
      %get3A_680 = tpu.vector_load %arg9[%get3A_678, %get3A_679] {strides = array<i32>} : memref<4x128xf32, #tpu.memory_space<vmem>>, vector<1x16xf32>,
      %get3A_681 = vector.shape_cast %get3A_680 : vector<1x16xf32> to vector<16xf32>
      %get3A_682 = arith.constant 1 : i32
      %get3A_683 = arith.index_cast %get3A_682 : i32 to index
      %get3A_684 = arith.constant 80 : index
      %get3A_685 = tpu.vector_load %arg10[%get3A_683, %get3A_684] {strides = array<i32>} : memref<4x128xf32, #tpu.memory_space<vmem>>, vector<1x16xf32>,
      %get3A_686 = vector.shape_cast %get3A_685 : vector<1x16xf32> to vector<16xf32>
      %add3A_687 = arith.addf %get3A_681, %get3A_686 : vector<16xf32>
      %swap3A_688 = arith.constant 1 : i32
      %swap3A_689 = arith.index_cast %swap3A_688 : i32 to index
      %swap3A_690 = arith.constant 80 : index
      %swap3A_691 = tpu.vector_load %arg9[%swap3A_689, %swap3A_690] {strides = array<i32>} : memref<4x128xf32, #tpu.memory_space<vmem>>, vector<1x16xf32>,
      %swap3A_692 = vector.shape_cast %swap3A_691 : vector<1x16xf32> to vector<16xf32>
      %swap3A_693 = vector.shape_cast %add3A_687 : vector<16xf32> to vector<1x16xf32>
      tpu.vector_store %arg9[%swap3A_689, %swap3A_690], %swap3A_693 {strides = array<i32>} : memref<4x128xf32, #tpu.memory_space<vmem>>, vector<1x16xf32>,
      %get3A_694 = arith.constant 1 : i32
      %get3A_695 = arith.index_cast %get3A_694 : i32 to index
      %get3A_696 = arith.constant 96 : index
      %get3A_697 = tpu.vector_load %arg9[%get3A_695, %get3A_696] {strides = array<i32>} : memref<4x128xf32, #tpu.memory_space<vmem>>, vector<1x16xf32>,
      %get3A_698 = vector.shape_cast %get3A_697 : vector<1x16xf32> to vector<16xf32>
      %get3A_699 = arith.constant 1 : i32
      %get3A_700 = arith.index_cast %get3A_699 : i32 to index
      %get3A_701 = arith.constant 96 : index
      %get3A_702 = tpu.vector_load %arg10[%get3A_700, %get3A_701] {strides = array<i32>} : memref<4x128xf32, #tpu.memory_space<vmem>>, vector<1x16xf32>,
      %get3A_703 = vector.shape_cast %get3A_702 : vector<1x16xf32> to vector<16xf32>
      %add3A_704 = arith.addf %get3A_698, %get3A_703 : vector<16xf32>
      %swap3A_705 = arith.constant 1 : i32
      %swap3A_706 = arith.index_cast %swap3A_705 : i32 to index
      %swap3A_707 = arith.constant 96 : index
      %swap3A_708 = tpu.vector_load %arg9[%swap3A_706, %swap3A_707] {strides = array<i32>} : memref<4x128xf32, #tpu.memory_space<vmem>>, vector<1x16xf32>,
      %swap3A_709 = vector.shape_cast %swap3A_708 : vector<1x16xf32> to vector<16xf32>
      %swap3A_710 = vector.shape_cast %add3A_704 : vector<16xf32> to vector<1x16xf32>
      tpu.vector_store %arg9[%swap3A_706, %swap3A_707], %swap3A_710 {strides = array<i32>} : memref<4x128xf32, #tpu.memory_space<vmem>>, vector<1x16xf32>,
      %get3A_711 = arith.constant 1 : i32
      %get3A_712 = arith.index_cast %get3A_711 : i32 to index
      %get3A_713 = arith.constant 112 : index
      %get3A_714 = tpu.vector_load %arg9[%get3A_712, %get3A_713] {strides = array<i32>} : memref<4x128xf32, #tpu.memory_space<vmem>>, vector<1x16xf32>,
      %get3A_715 = vector.shape_cast %get3A_714 : vector<1x16xf32> to vector<16xf32>
      %get3A_716 = arith.constant 1 : i32
      %get3A_717 = arith.index_cast %get3A_716 : i32 to index
      %get3A_718 = arith.constant 112 : index
      %get3A_719 = tpu.vector_load %arg10[%get3A_717, %get3A_718] {strides = array<i32>} : memref<4x128xf32, #tpu.memory_space<vmem>>, vector<1x16xf32>,
      %get3A_720 = vector.shape_cast %get3A_719 : vector<1x16xf32> to vector<16xf32>
      %add3A_721 = arith.addf %get3A_715, %get3A_720 : vector<16xf32>
      %swap3A_722 = arith.constant 1 : i32
      %swap3A_723 = arith.index_cast %swap3A_722 : i32 to index
      %swap3A_724 = arith.constant 112 : index
      %swap3A_725 = tpu.vector_load %arg9[%swap3A_723, %swap3A_724] {strides = array<i32>} : memref<4x128xf32, #tpu.memory_space<vmem>>, vector<1x16xf32>,
      %swap3A_726 = vector.shape_cast %swap3A_725 : vector<1x16xf32> to vector<16xf32>
      %swap3A_727 = vector.shape_cast %add3A_721 : vector<16xf32> to vector<1x16xf32>
      tpu.vector_store %arg9[%swap3A_723, %swap3A_724], %swap3A_727 {strides = array<i32>} : memref<4x128xf32, #tpu.memory_space<vmem>>, vector<1x16xf32>,
      %get3A_728 = arith.constant 2 : i32
      %get3A_729 = arith.index_cast %get3A_728 : i32 to index
      %get3A_730 = arith.constant 0 : index
      %get3A_731 = tpu.vector_load %arg9[%get3A_729, %get3A_730] {strides = array<i32>} : memref<4x128xf32, #tpu.memory_space<vmem>>, vector<1x16xf32>,
      %get3A_732 = vector.shape_cast %get3A_731 : vector<1x16xf32> to vector<16xf32>
      %get3A_733 = arith.constant 2 : i32
      %get3A_734 = arith.index_cast %get3A_733 : i32 to index
      %get3A_735 = arith.constant 0 : index
      %get3A_736 = tpu.vector_load %arg10[%get3A_734, %get3A_735] {strides = array<i32>} : memref<4x128xf32, #tpu.memory_space<vmem>>, vector<1x16xf32>,
      %get3A_737 = vector.shape_cast %get3A_736 : vector<1x16xf32> to vector<16xf32>
      %add3A_738 = arith.addf %get3A_732, %get3A_737 : vector<16xf32>
      %swap3A_739 = arith.constant 2 : i32
      %swap3A_740 = arith.index_cast %swap3A_739 : i32 to index
      %swap3A_741 = arith.constant 0 : index
      %swap3A_742 = tpu.vector_load %arg9[%swap3A_740, %swap3A_741] {strides = array<i32>} : memref<4x128xf32, #tpu.memory_space<vmem>>, vector<1x16xf32>,
      %swap3A_743 = vector.shape_cast %swap3A_742 : vector<1x16xf32> to vector<16xf32>
      %swap3A_744 = vector.shape_cast %add3A_738 : vector<16xf32> to vector<1x16xf32>
      tpu.vector_store %arg9[%swap3A_740, %swap3A_741], %swap3A_744 {strides = array<i32>} : memref<4x128xf32, #tpu.memory_space<vmem>>, vector<1x16xf32>,
      %get3A_745 = arith.constant 2 : i32
      %get3A_746 = arith.index_cast %get3A_745 : i32 to index
      %get3A_747 = arith.constant 16 : index
      %get3A_748 = tpu.vector_load %arg9[%get3A_746, %get3A_747] {strides = array<i32>} : memref<4x128xf32, #tpu.memory_space<vmem>>, vector<1x16xf32>,
      %get3A_749 = vector.shape_cast %get3A_748 : vector<1x16xf32> to vector<16xf32>
      %get3A_750 = arith.constant 2 : i32
      %get3A_751 = arith.index_cast %get3A_750 : i32 to index
      %get3A_752 = arith.constant 16 : index
      %get3A_753 = tpu.vector_load %arg10[%get3A_751, %get3A_752] {strides = array<i32>} : memref<4x128xf32, #tpu.memory_space<vmem>>, vector<1x16xf32>,
      %get3A_754 = vector.shape_cast %get3A_753 : vector<1x16xf32> to vector<16xf32>
      %add3A_755 = arith.addf %get3A_749, %get3A_754 : vector<16xf32>
      %swap3A_756 = arith.constant 2 : i32
      %swap3A_757 = arith.index_cast %swap3A_756 : i32 to index
      %swap3A_758 = arith.constant 16 : index
      %swap3A_759 = tpu.vector_load %arg9[%swap3A_757, %swap3A_758] {strides = array<i32>} : memref<4x128xf32, #tpu.memory_space<vmem>>, vector<1x16xf32>,
      %swap3A_760 = vector.shape_cast %swap3A_759 : vector<1x16xf32> to vector<16xf32>
      %swap3A_761 = vector.shape_cast %add3A_755 : vector<16xf32> to vector<1x16xf32>
      tpu.vector_store %arg9[%swap3A_757, %swap3A_758], %swap3A_761 {strides = array<i32>} : memref<4x128xf32, #tpu.memory_space<vmem>>, vector<1x16xf32>,
      %get3A_762 = arith.constant 2 : i32
      %get3A_763 = arith.index_cast %get3A_762 : i32 to index
      %get3A_764 = arith.constant 32 : index
      %get3A_765 = tpu.vector_load %arg9[%get3A_763, %get3A_764] {strides = array<i32>} : memref<4x128xf32, #tpu.memory_space<vmem>>, vector<1x16xf32>,
      %get3A_766 = vector.shape_cast %get3A_765 : vector<1x16xf32> to vector<16xf32>
      %get3A_767 = arith.constant 2 : i32
      %get3A_768 = arith.index_cast %get3A_767 : i32 to index
      %get3A_769 = arith.constant 32 : index
      %get3A_770 = tpu.vector_load %arg10[%get3A_768, %get3A_769] {strides = array<i32>} : memref<4x128xf32, #tpu.memory_space<vmem>>, vector<1x16xf32>,
      %get3A_771 = vector.shape_cast %get3A_770 : vector<1x16xf32> to vector<16xf32>
      %add3A_772 = arith.addf %get3A_766, %get3A_771 : vector<16xf32>
      %swap3A_773 = arith.constant 2 : i32
      %swap3A_774 = arith.index_cast %swap3A_773 : i32 to index
      %swap3A_775 = arith.constant 32 : index
      %swap3A_776 = tpu.vector_load %arg9[%swap3A_774, %swap3A_775] {strides = array<i32>} : memref<4x128xf32, #tpu.memory_space<vmem>>, vector<1x16xf32>,
      %swap3A_777 = vector.shape_cast %swap3A_776 : vector<1x16xf32> to vector<16xf32>
      %swap3A_778 = vector.shape_cast %add3A_772 : vector<16xf32> to vector<1x16xf32>
      tpu.vector_store %arg9[%swap3A_774, %swap3A_775], %swap3A_778 {strides = array<i32>} : memref<4x128xf32, #tpu.memory_space<vmem>>, vector<1x16xf32>,
      %get3A_779 = arith.constant 2 : i32
      %get3A_780 = arith.index_cast %get3A_779 : i32 to index
      %get3A_781 = arith.constant 48 : index
      %get3A_782 = tpu.vector_load %arg9[%get3A_780, %get3A_781] {strides = array<i32>} : memref<4x128xf32, #tpu.memory_space<vmem>>, vector<1x16xf32>,
      %get3A_783 = vector.shape_cast %get3A_782 : vector<1x16xf32> to vector<16xf32>
      %get3A_784 = arith.constant 2 : i32
      %get3A_785 = arith.index_cast %get3A_784 : i32 to index
      %get3A_786 = arith.constant 48 : index
      %get3A_787 = tpu.vector_load %arg10[%get3A_785, %get3A_786] {strides = array<i32>} : memref<4x128xf32, #tpu.memory_space<vmem>>, vector<1x16xf32>,
      %get3A_788 = vector.shape_cast %get3A_787 : vector<1x16xf32> to vector<16xf32>
      %add3A_789 = arith.addf %get3A_783, %get3A_788 : vector<16xf32>
      %swap3A_790 = arith.constant 2 : i32
      %swap3A_791 = arith.index_cast %swap3A_790 : i32 to index
      %swap3A_792 = arith.constant 48 : index
      %swap3A_793 = tpu.vector_load %arg9[%swap3A_791, %swap3A_792] {strides = array<i32>} : memref<4x128xf32, #tpu.memory_space<vmem>>, vector<1x16xf32>,
      %swap3A_794 = vector.shape_cast %swap3A_793 : vector<1x16xf32> to vector<16xf32>
      %swap3A_795 = vector.shape_cast %add3A_789 : vector<16xf32> to vector<1x16xf32>
      tpu.vector_store %arg9[%swap3A_791, %swap3A_792], %swap3A_795 {strides = array<i32>} : memref<4x128xf32, #tpu.memory_space<vmem>>, vector<1x16xf32>,
      %get3A_796 = arith.constant 2 : i32
      %get3A_797 = arith.index_cast %get3A_796 : i32 to index
      %get3A_798 = arith.constant 64 : index
      %get3A_799 = tpu.vector_load %arg9[%get3A_797, %get3A_798] {strides = array<i32>} : memref<4x128xf32, #tpu.memory_space<vmem>>, vector<1x16xf32>,
      %get3A_800 = vector.shape_cast %get3A_799 : vector<1x16xf32> to vector<16xf32>
      %get3A_801 = arith.constant 2 : i32
      %get3A_802 = arith.index_cast %get3A_801 : i32 to index
      %get3A_803 = arith.constant 64 : index
      %get3A_804 = tpu.vector_load %arg10[%get3A_802, %get3A_803] {strides = array<i32>} : memref<4x128xf32, #tpu.memory_space<vmem>>, vector<1x16xf32>,
      %get3A_805 = vector.shape_cast %get3A_804 : vector<1x16xf32> to vector<16xf32>
      %add3A_806 = arith.addf %get3A_800, %get3A_805 : vector<16xf32>
      %swap3A_807 = arith.constant 2 : i32
      %swap3A_808 = arith.index_cast %swap3A_807 : i32 to index
      %swap3A_809 = arith.constant 64 : index
      %swap3A_810 = tpu.vector_load %arg9[%swap3A_808, %swap3A_809] {strides = array<i32>} : memref<4x128xf32, #tpu.memory_space<vmem>>, vector<1x16xf32>,
      %swap3A_811 = vector.shape_cast %swap3A_810 : vector<1x16xf32> to vector<16xf32>
      %swap3A_812 = vector.shape_cast %add3A_806 : vector<16xf32> to vector<1x16xf32>
      tpu.vector_store %arg9[%swap3A_808, %swap3A_809], %swap3A_812 {strides = array<i32>} : memref<4x128xf32, #tpu.memory_space<vmem>>, vector<1x16xf32>,
      %get3A_813 = arith.constant 2 : i32
      %get3A_814 = arith.index_cast %get3A_813 : i32 to index
      %get3A_815 = arith.constant 80 : index
      %get3A_816 = tpu.vector_load %arg9[%get3A_814, %get3A_815] {strides = array<i32>} : memref<4x128xf32, #tpu.memory_space<vmem>>, vector<1x16xf32>,
      %get3A_817 = vector.shape_cast %get3A_816 : vector<1x16xf32> to vector<16xf32>
      %get3A_818 = arith.constant 2 : i32
      %get3A_819 = arith.index_cast %get3A_818 : i32 to index
      %get3A_820 = arith.constant 80 : index
      %get3A_821 = tpu.vector_load %arg10[%get3A_819, %get3A_820] {strides = array<i32>} : memref<4x128xf32, #tpu.memory_space<vmem>>, vector<1x16xf32>,
      %get3A_822 = vector.shape_cast %get3A_821 : vector<1x16xf32> to vector<16xf32>
      %add3A_823 = arith.addf %get3A_817, %get3A_822 : vector<16xf32>
      %swap3A_824 = arith.constant 2 : i32
      %swap3A_825 = arith.index_cast %swap3A_824 : i32 to index
      %swap3A_826 = arith.constant 80 : index
      %swap3A_827 = tpu.vector_load %arg9[%swap3A_825, %swap3A_826] {strides = array<i32>} : memref<4x128xf32, #tpu.memory_space<vmem>>, vector<1x16xf32>,
      %swap3A_828 = vector.shape_cast %swap3A_827 : vector<1x16xf32> to vector<16xf32>
      %swap3A_829 = vector.shape_cast %add3A_823 : vector<16xf32> to vector<1x16xf32>
      tpu.vector_store %arg9[%swap3A_825, %swap3A_826], %swap3A_829 {strides = array<i32>} : memref<4x128xf32, #tpu.memory_space<vmem>>, vector<1x16xf32>,
      %get3A_830 = arith.constant 2 : i32
      %get3A_831 = arith.index_cast %get3A_830 : i32 to index
      %get3A_832 = arith.constant 96 : index
      %get3A_833 = tpu.vector_load %arg9[%get3A_831, %get3A_832] {strides = array<i32>} : memref<4x128xf32, #tpu.memory_space<vmem>>, vector<1x16xf32>,
      %get3A_834 = vector.shape_cast %get3A_833 : vector<1x16xf32> to vector<16xf32>
      %get3A_835 = arith.constant 2 : i32
      %get3A_836 = arith.index_cast %get3A_835 : i32 to index
      %get3A_837 = arith.constant 96 : index
      %get3A_838 = tpu.vector_load %arg10[%get3A_836, %get3A_837] {strides = array<i32>} : memref<4x128xf32, #tpu.memory_space<vmem>>, vector<1x16xf32>,
      %get3A_839 = vector.shape_cast %get3A_838 : vector<1x16xf32> to vector<16xf32>
      %add3A_840 = arith.addf %get3A_834, %get3A_839 : vector<16xf32>
      %swap3A_841 = arith.constant 2 : i32
      %swap3A_842 = arith.index_cast %swap3A_841 : i32 to index
      %swap3A_843 = arith.constant 96 : index
      %swap3A_844 = tpu.vector_load %arg9[%swap3A_842, %swap3A_843] {strides = array<i32>} : memref<4x128xf32, #tpu.memory_space<vmem>>, vector<1x16xf32>,
      %swap3A_845 = vector.shape_cast %swap3A_844 : vector<1x16xf32> to vector<16xf32>
      %swap3A_846 = vector.shape_cast %add3A_840 : vector<16xf32> to vector<1x16xf32>
      tpu.vector_store %arg9[%swap3A_842, %swap3A_843], %swap3A_846 {strides = array<i32>} : memref<4x128xf32, #tpu.memory_space<vmem>>, vector<1x16xf32>,
      %get3A_847 = arith.constant 2 : i32
      %get3A_848 = arith.index_cast %get3A_847 : i32 to index
      %get3A_849 = arith.constant 112 : index
      %get3A_850 = tpu.vector_load %arg9[%get3A_848, %get3A_849] {strides = array<i32>} : memref<4x128xf32, #tpu.memory_space<vmem>>, vector<1x16xf32>,
      %get3A_851 = vector.shape_cast %get3A_850 : vector<1x16xf32> to vector<16xf32>
      %get3A_852 = arith.constant 2 : i32
      %get3A_853 = arith.index_cast %get3A_852 : i32 to index
      %get3A_854 = arith.constant 112 : index
      %get3A_855 = tpu.vector_load %arg10[%get3A_853, %get3A_854] {strides = array<i32>} : memref<4x128xf32, #tpu.memory_space<vmem>>, vector<1x16xf32>,
      %get3A_856 = vector.shape_cast %get3A_855 : vector<1x16xf32> to vector<16xf32>
      %add3A_857 = arith.addf %get3A_851, %get3A_856 : vector<16xf32>
      %swap3A_858 = arith.constant 2 : i32
      %swap3A_859 = arith.index_cast %swap3A_858 : i32 to index
      %swap3A_860 = arith.constant 112 : index
      %swap3A_861 = tpu.vector_load %arg9[%swap3A_859, %swap3A_860] {strides = array<i32>} : memref<4x128xf32, #tpu.memory_space<vmem>>, vector<1x16xf32>,
      %swap3A_862 = vector.shape_cast %swap3A_861 : vector<1x16xf32> to vector<16xf32>
      %swap3A_863 = vector.shape_cast %add3A_857 : vector<16xf32> to vector<1x16xf32>
      tpu.vector_store %arg9[%swap3A_859, %swap3A_860], %swap3A_863 {strides = array<i32>} : memref<4x128xf32, #tpu.memory_space<vmem>>, vector<1x16xf32>,
      %get3A_864 = arith.constant 3 : i32
      %get3A_865 = arith.index_cast %get3A_864 : i32 to index
      %get3A_866 = arith.constant 0 : index
      %get3A_867 = tpu.vector_load %arg9[%get3A_865, %get3A_866] {strides = array<i32>} : memref<4x128xf32, #tpu.memory_space<vmem>>, vector<1x16xf32>,
      %get3A_868 = vector.shape_cast %get3A_867 : vector<1x16xf32> to vector<16xf32>
      %get3A_869 = arith.constant 3 : i32
      %get3A_870 = arith.index_cast %get3A_869 : i32 to index
      %get3A_871 = arith.constant 0 : index
      %get3A_872 = tpu.vector_load %arg10[%get3A_870, %get3A_871] {strides = array<i32>} : memref<4x128xf32, #tpu.memory_space<vmem>>, vector<1x16xf32>,
      %get3A_873 = vector.shape_cast %get3A_872 : vector<1x16xf32> to vector<16xf32>
      %add3A_874 = arith.addf %get3A_868, %get3A_873 : vector<16xf32>
      %swap3A_875 = arith.constant 3 : i32
      %swap3A_876 = arith.index_cast %swap3A_875 : i32 to index
      %swap3A_877 = arith.constant 0 : index
      %swap3A_878 = tpu.vector_load %arg9[%swap3A_876, %swap3A_877] {strides = array<i32>} : memref<4x128xf32, #tpu.memory_space<vmem>>, vector<1x16xf32>,
      %swap3A_879 = vector.shape_cast %swap3A_878 : vector<1x16xf32> to vector<16xf32>
      %swap3A_880 = vector.shape_cast %add3A_874 : vector<16xf32> to vector<1x16xf32>
      tpu.vector_store %arg9[%swap3A_876, %swap3A_877], %swap3A_880 {strides = array<i32>} : memref<4x128xf32, #tpu.memory_space<vmem>>, vector<1x16xf32>,
      %get3A_881 = arith.constant 3 : i32
      %get3A_882 = arith.index_cast %get3A_881 : i32 to index
      %get3A_883 = arith.constant 16 : index
      %get3A_884 = tpu.vector_load %arg9[%get3A_882, %get3A_883] {strides = array<i32>} : memref<4x128xf32, #tpu.memory_space<vmem>>, vector<1x16xf32>,
      %get3A_885 = vector.shape_cast %get3A_884 : vector<1x16xf32> to vector<16xf32>
      %get3A_886 = arith.constant 3 : i32
      %get3A_887 = arith.index_cast %get3A_886 : i32 to index
      %get3A_888 = arith.constant 16 : index
      %get3A_889 = tpu.vector_load %arg10[%get3A_887, %get3A_888] {strides = array<i32>} : memref<4x128xf32, #tpu.memory_space<vmem>>, vector<1x16xf32>,
      %get3A_890 = vector.shape_cast %get3A_889 : vector<1x16xf32> to vector<16xf32>
      %add3A_891 = arith.addf %get3A_885, %get3A_890 : vector<16xf32>
      %swap3A_892 = arith.constant 3 : i32
      %swap3A_893 = arith.index_cast %swap3A_892 : i32 to index
      %swap3A_894 = arith.constant 16 : index
      %swap3A_895 = tpu.vector_load %arg9[%swap3A_893, %swap3A_894] {strides = array<i32>} : memref<4x128xf32, #tpu.memory_space<vmem>>, vector<1x16xf32>,
      %swap3A_896 = vector.shape_cast %swap3A_895 : vector<1x16xf32> to vector<16xf32>
      %swap3A_897 = vector.shape_cast %add3A_891 : vector<16xf32> to vector<1x16xf32>
      tpu.vector_store %arg9[%swap3A_893, %swap3A_894], %swap3A_897 {strides = array<i32>} : memref<4x128xf32, #tpu.memory_space<vmem>>, vector<1x16xf32>,
      %get3A_898 = arith.constant 3 : i32
      %get3A_899 = arith.index_cast %get3A_898 : i32 to index
      %get3A_900 = arith.constant 32 : index
      %get3A_901 = tpu.vector_load %arg9[%get3A_899, %get3A_900] {strides = array<i32>} : memref<4x128xf32, #tpu.memory_space<vmem>>, vector<1x16xf32>,
      %get3A_902 = vector.shape_cast %get3A_901 : vector<1x16xf32> to vector<16xf32>
      %get3A_903 = arith.constant 3 : i32
      %get3A_904 = arith.index_cast %get3A_903 : i32 to index
      %get3A_905 = arith.constant 32 : index
      %get3A_906 = tpu.vector_load %arg10[%get3A_904, %get3A_905] {strides = array<i32>} : memref<4x128xf32, #tpu.memory_space<vmem>>, vector<1x16xf32>,
      %get3A_907 = vector.shape_cast %get3A_906 : vector<1x16xf32> to vector<16xf32>
      %add3A_908 = arith.addf %get3A_902, %get3A_907 : vector<16xf32>
      %swap3A_909 = arith.constant 3 : i32
      %swap3A_910 = arith.index_cast %swap3A_909 : i32 to index
      %swap3A_911 = arith.constant 32 : index
      %swap3A_912 = tpu.vector_load %arg9[%swap3A_910, %swap3A_911] {strides = array<i32>} : memref<4x128xf32, #tpu.memory_space<vmem>>, vector<1x16xf32>,
      %swap3A_913 = vector.shape_cast %swap3A_912 : vector<1x16xf32> to vector<16xf32>
      %swap3A_914 = vector.shape_cast %add3A_908 : vector<16xf32> to vector<1x16xf32>
      tpu.vector_store %arg9[%swap3A_910, %swap3A_911], %swap3A_914 {strides = array<i32>} : memref<4x128xf32, #tpu.memory_space<vmem>>, vector<1x16xf32>,
      %get3A_915 = arith.constant 3 : i32
      %get3A_916 = arith.index_cast %get3A_915 : i32 to index
      %get3A_917 = arith.constant 48 : index
      %get3A_918 = tpu.vector_load %arg9[%get3A_916, %get3A_917] {strides = array<i32>} : memref<4x128xf32, #tpu.memory_space<vmem>>, vector<1x16xf32>,
      %get3A_919 = vector.shape_cast %get3A_918 : vector<1x16xf32> to vector<16xf32>
      %get3A_920 = arith.constant 3 : i32
      %get3A_921 = arith.index_cast %get3A_920 : i32 to index
      %get3A_922 = arith.constant 48 : index
      %get3A_923 = tpu.vector_load %arg10[%get3A_921, %get3A_922] {strides = array<i32>} : memref<4x128xf32, #tpu.memory_space<vmem>>, vector<1x16xf32>,
      %get3A_924 = vector.shape_cast %get3A_923 : vector<1x16xf32> to vector<16xf32>
      %add3A_925 = arith.addf %get3A_919, %get3A_924 : vector<16xf32>
      %swap3A_926 = arith.constant 3 : i32
      %swap3A_927 = arith.index_cast %swap3A_926 : i32 to index
      %swap3A_928 = arith.constant 48 : index
      %swap3A_929 = tpu.vector_load %arg9[%swap3A_927, %swap3A_928] {strides = array<i32>} : memref<4x128xf32, #tpu.memory_space<vmem>>, vector<1x16xf32>,
      %swap3A_930 = vector.shape_cast %swap3A_929 : vector<1x16xf32> to vector<16xf32>
      %swap3A_931 = vector.shape_cast %add3A_925 : vector<16xf32> to vector<1x16xf32>
      tpu.vector_store %arg9[%swap3A_927, %swap3A_928], %swap3A_931 {strides = array<i32>} : memref<4x128xf32, #tpu.memory_space<vmem>>, vector<1x16xf32>,
      %get3A_932 = arith.constant 3 : i32
      %get3A_933 = arith.index_cast %get3A_932 : i32 to index
      %get3A_934 = arith.constant 64 : index
      %get3A_935 = tpu.vector_load %arg9[%get3A_933, %get3A_934] {strides = array<i32>} : memref<4x128xf32, #tpu.memory_space<vmem>>, vector<1x16xf32>,
      %get3A_936 = vector.shape_cast %get3A_935 : vector<1x16xf32> to vector<16xf32>
      %get3A_937 = arith.constant 3 : i32
      %get3A_938 = arith.index_cast %get3A_937 : i32 to index
      %get3A_939 = arith.constant 64 : index
      %get3A_940 = tpu.vector_load %arg10[%get3A_938, %get3A_939] {strides = array<i32>} : memref<4x128xf32, #tpu.memory_space<vmem>>, vector<1x16xf32>,
      %get3A_941 = vector.shape_cast %get3A_940 : vector<1x16xf32> to vector<16xf32>
      %add3A_942 = arith.addf %get3A_936, %get3A_941 : vector<16xf32>
      %swap3A_943 = arith.constant 3 : i32
      %swap3A_944 = arith.index_cast %swap3A_943 : i32 to index
      %swap3A_945 = arith.constant 64 : index
      %swap3A_946 = tpu.vector_load %arg9[%swap3A_944, %swap3A_945] {strides = array<i32>} : memref<4x128xf32, #tpu.memory_space<vmem>>, vector<1x16xf32>,
      %swap3A_947 = vector.shape_cast %swap3A_946 : vector<1x16xf32> to vector<16xf32>
      %swap3A_948 = vector.shape_cast %add3A_942 : vector<16xf32> to vector<1x16xf32>
      tpu.vector_store %arg9[%swap3A_944, %swap3A_945], %swap3A_948 {strides = array<i32>} : memref<4x128xf32, #tpu.memory_space<vmem>>, vector<1x16xf32>,
      %get3A_949 = arith.constant 3 : i32
      %get3A_950 = arith.index_cast %get3A_949 : i32 to index
      %get3A_951 = arith.constant 80 : index
      %get3A_952 = tpu.vector_load %arg9[%get3A_950, %get3A_951] {strides = array<i32>} : memref<4x128xf32, #tpu.memory_space<vmem>>, vector<1x16xf32>,
      %get3A_953 = vector.shape_cast %get3A_952 : vector<1x16xf32> to vector<16xf32>
      %get3A_954 = arith.constant 3 : i32
      %get3A_955 = arith.index_cast %get3A_954 : i32 to index
      %get3A_956 = arith.constant 80 : index
      %get3A_957 = tpu.vector_load %arg10[%get3A_955, %get3A_956] {strides = array<i32>} : memref<4x128xf32, #tpu.memory_space<vmem>>, vector<1x16xf32>,
      %get3A_958 = vector.shape_cast %get3A_957 : vector<1x16xf32> to vector<16xf32>
      %add3A_959 = arith.addf %get3A_953, %get3A_958 : vector<16xf32>
      %swap3A_960 = arith.constant 3 : i32
      %swap3A_961 = arith.index_cast %swap3A_960 : i32 to index
      %swap3A_962 = arith.constant 80 : index
      %swap3A_963 = tpu.vector_load %arg9[%swap3A_961, %swap3A_962] {strides = array<i32>} : memref<4x128xf32, #tpu.memory_space<vmem>>, vector<1x16xf32>,
      %swap3A_964 = vector.shape_cast %swap3A_963 : vector<1x16xf32> to vector<16xf32>
      %swap3A_965 = vector.shape_cast %add3A_959 : vector<16xf32> to vector<1x16xf32>
      tpu.vector_store %arg9[%swap3A_961, %swap3A_962], %swap3A_965 {strides = array<i32>} : memref<4x128xf32, #tpu.memory_space<vmem>>, vector<1x16xf32>,
      %get3A_966 = arith.constant 3 : i32
      %get3A_967 = arith.index_cast %get3A_966 : i32 to index
      %get3A_968 = arith.constant 96 : index
      %get3A_969 = tpu.vector_load %arg9[%get3A_967, %get3A_968] {strides = array<i32>} : memref<4x128xf32, #tpu.memory_space<vmem>>, vector<1x16xf32>,
      %get3A_970 = vector.shape_cast %get3A_969 : vector<1x16xf32> to vector<16xf32>
      %get3A_971 = arith.constant 3 : i32
      %get3A_972 = arith.index_cast %get3A_971 : i32 to index
      %get3A_973 = arith.constant 96 : index
      %get3A_974 = tpu.vector_load %arg10[%get3A_972, %get3A_973] {strides = array<i32>} : memref<4x128xf32, #tpu.memory_space<vmem>>, vector<1x16xf32>,
      %get3A_975 = vector.shape_cast %get3A_974 : vector<1x16xf32> to vector<16xf32>
      %add3A_976 = arith.addf %get3A_970, %get3A_975 : vector<16xf32>
      %swap3A_977 = arith.constant 3 : i32
      %swap3A_978 = arith.index_cast %swap3A_977 : i32 to index
      %swap3A_979 = arith.constant 96 : index
      %swap3A_980 = tpu.vector_load %arg9[%swap3A_978, %swap3A_979] {strides = array<i32>} : memref<4x128xf32, #tpu.memory_space<vmem>>, vector<1x16xf32>,
      %swap3A_981 = vector.shape_cast %swap3A_980 : vector<1x16xf32> to vector<16xf32>
      %swap3A_982 = vector.shape_cast %add3A_976 : vector<16xf32> to vector<1x16xf32>
      tpu.vector_store %arg9[%swap3A_978, %swap3A_979], %swap3A_982 {strides = array<i32>} : memref<4x128xf32, #tpu.memory_space<vmem>>, vector<1x16xf32>,
      %get3A_983 = arith.constant 3 : i32
      %get3A_984 = arith.index_cast %get3A_983 : i32 to index
      %get3A_985 = arith.constant 112 : index
      %get3A_986 = tpu.vector_load %arg9[%get3A_984, %get3A_985] {strides = array<i32>} : memref<4x128xf32, #tpu.memory_space<vmem>>, vector<1x16xf32>,
      %get3A_987 = vector.shape_cast %get3A_986 : vector<1x16xf32> to vector<16xf32>
      %get3A_988 = arith.constant 3 : i32
      %get3A_989 = arith.index_cast %get3A_988 : i32 to index
      %get3A_990 = arith.constant 112 : index
      %get3A_991 = tpu.vector_load %arg10[%get3A_989, %get3A_990] {strides = array<i32>} : memref<4x128xf32, #tpu.memory_space<vmem>>, vector<1x16xf32>,
      %get3A_992 = vector.shape_cast %get3A_991 : vector<1x16xf32> to vector<16xf32>
      %add3A_993 = arith.addf %get3A_987, %get3A_992 : vector<16xf32>
      %swap3A_994 = arith.constant 3 : i32
      %swap3A_995 = arith.index_cast %swap3A_994 : i32 to index
      %swap3A_996 = arith.constant 112 : index
      %swap3A_997 = tpu.vector_load %arg9[%swap3A_995, %swap3A_996] {strides = array<i32>} : memref<4x128xf32, #tpu.memory_space<vmem>>, vector<1x16xf32>,
      %swap3A_998 = vector.shape_cast %swap3A_997 : vector<1x16xf32> to vector<16xf32>
      %swap3A_999 = vector.shape_cast %add3A_993 : vector<16xf32> to vector<1x16xf32>
      tpu.vector_store %arg9[%swap3A_995, %swap3A_996], %swap3A_999 {strides = array<i32>} : memref<4x128xf32, #tpu.memory_space<vmem>>, vector<1x16xf32>,
    }
    %scan3A_451 = arith.constant 15 : i32
    "tpu.region"() ({
      %run_scoped3A_452 = tpu.sem_alloc : memref<!tpu.dma_semaphore, #tpu.memory_space<semaphore_mem>>
      %dma_start3A_453 = arith.constant 0 : i32
      %dma_start3A_454 = tpu.memref_slice %arg5[%arg0, %mul3A_447, %dma_start3A_453] : memref<2x64x128xf32, #tpu.memory_space<hbm>> -> memref<1x4x128xf32, #tpu.memory_space<hbm>>
      %dma_start3A_455 = tpu.memref_squeeze %dma_start3A_454 : memref<1x4x128xf32, #tpu.memory_space<hbm>> -> memref<4x128xf32, #tpu.memory_space<hbm>>
      %dma_start3A_456 = arith.constant 0 : i32
      %dma_start3A_457 = tpu.memref_slice %arg5[%arg0, %mul3A_447, %dma_start3A_456] : memref<2x64x128xf32, #tpu.memory_space<hbm>> -> memref<1x4x128xf32, #tpu.memory_space<hbm>>
      %dma_start3A_458 = tpu.memref_squeeze %dma_start3A_457 : memref<1x4x128xf32, #tpu.memory_space<hbm>> -> memref<4x128xf32, #tpu.memory_space<hbm>>
      tpu.enqueue_dma source(%arg9 : memref<4x128xf32, #tpu.memory_space<vmem>>) target(%dma_start3A_458 : memref<4x128xf32, #tpu.memory_space<hbm>>) target_semaphore(%run_scoped3A_452 : memref<!tpu.dma_semaphore, #tpu.memory_space<semaphore_mem>>)
      %dma_wait3A = arith.constant 0 : i32
      %dma_wait3A_459 = tpu.memref_slice %arg5[%arg0, %mul3A_447, %dma_wait3A] : memref<2x64x128xf32, #tpu.memory_space<hbm>> -> memref<1x4x128xf32, #tpu.memory_space<hbm>>
      %dma_wait3A_460 = tpu.memref_squeeze %dma_wait3A_459 : memref<1x4x128xf32, #tpu.memory_space<hbm>> -> memref<4x128xf32, #tpu.memory_space<hbm>>
      %dma_wait3A_461 = arith.constant 0 : i32
      %dma_wait3A_462 = tpu.memref_slice %arg5[%arg0, %mul3A_447, %dma_wait3A_461] : memref<2x64x128xf32, #tpu.memory_space<hbm>> -> memref<1x4x128xf32, #tpu.memory_space<hbm>>
      %dma_wait3A_463 = tpu.memref_squeeze %dma_wait3A_462 : memref<1x4x128xf32, #tpu.memory_space<hbm>> -> memref<4x128xf32, #tpu.memory_space<hbm>>
      tpu.wait_dma2 semaphore(%run_scoped3A_452 : memref<!tpu.dma_semaphore, #tpu.memory_space<semaphore_mem>>) src(%arg9 : memref<4x128xf32, #tpu.memory_space<vmem>>) dst(%dma_wait3A_463 : memref<4x128xf32, #tpu.memory_space<hbm>>)
      tpu.yield
    }) : () -> ()
    return
  }
}

module attributes {stable_mosaic.version = 14 : i64} {
  func.func @_prep_body(%arg0: memref<1250x128xi32, #tpu.memory_space<vmem>>, %arg1: memref<1250x16xi32, #tpu.memory_space<vmem>>, %arg2: memref<1344x128xi32, #tpu.memory_space<vmem>>, %arg3: memref<1344x128xi32, #tpu.memory_space<vmem>>) attributes {dimension_semantics = [], scalar_prefetch = 0 : i64, scratch_operands = 0 : i64, tpu.core_type = #tpu.core_type<tc>} {
    %get3A = arith.constant 0 : index
    %get3A_0 = arith.constant 0 : index
    %get3A_1 = vector.load %arg0[%get3A, %get3A_0] : memref<1250x128xi32, #tpu.memory_space<vmem>>, vector<1250x128xi32>
    %get3A_2 = arith.constant 0 : index
    %get3A_3 = arith.constant 0 : index
    %get3A_4 = vector.load %arg1[%get3A_2, %get3A_3] : memref<1250x16xi32, #tpu.memory_space<vmem>>, vector<1250x1xi32>
    %broadcast_in_dim3A = vector.shape_cast %get3A_4 : vector<1250x1xi32> to vector<1250x1xi32>
    %broadcast_in_dim3A_5 = vector.broadcast %broadcast_in_dim3A : vector<1250x1xi32> to vector<1250x8xi32>
    %get3A_6 = arith.constant 0 : index
    %get3A_7 = arith.constant 1 : index
    %get3A_8 = vector.load %arg1[%get3A_6, %get3A_7] : memref<1250x16xi32, #tpu.memory_space<vmem>>, vector<1250x1xi32>
    %broadcast_in_dim3A_9 = vector.shape_cast %get3A_8 : vector<1250x1xi32> to vector<1250x1xi32>
    %broadcast_in_dim3A_10 = vector.broadcast %broadcast_in_dim3A_9 : vector<1250x1xi32> to vector<1250x8xi32>
    %get3A_11 = arith.constant 0 : index
    %get3A_12 = arith.constant 2 : index
    %get3A_13 = vector.load %arg1[%get3A_11, %get3A_12] : memref<1250x16xi32, #tpu.memory_space<vmem>>, vector<1250x1xi32>
    %broadcast_in_dim3A_14 = vector.shape_cast %get3A_13 : vector<1250x1xi32> to vector<1250x1xi32>
    %broadcast_in_dim3A_15 = vector.broadcast %broadcast_in_dim3A_14 : vector<1250x1xi32> to vector<1250x8xi32>
    %get3A_16 = arith.constant 0 : index
    %get3A_17 = arith.constant 3 : index
    %get3A_18 = vector.load %arg1[%get3A_16, %get3A_17] : memref<1250x16xi32, #tpu.memory_space<vmem>>, vector<1250x1xi32>
    %broadcast_in_dim3A_19 = vector.shape_cast %get3A_18 : vector<1250x1xi32> to vector<1250x1xi32>
    %broadcast_in_dim3A_20 = vector.broadcast %broadcast_in_dim3A_19 : vector<1250x1xi32> to vector<1250x8xi32>
    %get3A_21 = arith.constant 0 : index
    %get3A_22 = arith.constant 4 : index
    %get3A_23 = vector.load %arg1[%get3A_21, %get3A_22] : memref<1250x16xi32, #tpu.memory_space<vmem>>, vector<1250x1xi32>
    %broadcast_in_dim3A_24 = vector.shape_cast %get3A_23 : vector<1250x1xi32> to vector<1250x1xi32>
    %broadcast_in_dim3A_25 = vector.broadcast %broadcast_in_dim3A_24 : vector<1250x1xi32> to vector<1250x8xi32>
    %get3A_26 = arith.constant 0 : index
    %get3A_27 = arith.constant 5 : index
    %get3A_28 = vector.load %arg1[%get3A_26, %get3A_27] : memref<1250x16xi32, #tpu.memory_space<vmem>>, vector<1250x1xi32>
    %broadcast_in_dim3A_29 = vector.shape_cast %get3A_28 : vector<1250x1xi32> to vector<1250x1xi32>
    %broadcast_in_dim3A_30 = vector.broadcast %broadcast_in_dim3A_29 : vector<1250x1xi32> to vector<1250x8xi32>
    %get3A_31 = arith.constant 0 : index
    %get3A_32 = arith.constant 6 : index
    %get3A_33 = vector.load %arg1[%get3A_31, %get3A_32] : memref<1250x16xi32, #tpu.memory_space<vmem>>, vector<1250x1xi32>
    %broadcast_in_dim3A_34 = vector.shape_cast %get3A_33 : vector<1250x1xi32> to vector<1250x1xi32>
    %broadcast_in_dim3A_35 = vector.broadcast %broadcast_in_dim3A_34 : vector<1250x1xi32> to vector<1250x8xi32>
    %get3A_36 = arith.constant 0 : index
    %get3A_37 = arith.constant 7 : index
    %get3A_38 = vector.load %arg1[%get3A_36, %get3A_37] : memref<1250x16xi32, #tpu.memory_space<vmem>>, vector<1250x1xi32>
    %broadcast_in_dim3A_39 = vector.shape_cast %get3A_38 : vector<1250x1xi32> to vector<1250x1xi32>
    %broadcast_in_dim3A_40 = vector.broadcast %broadcast_in_dim3A_39 : vector<1250x1xi32> to vector<1250x8xi32>
    %get3A_41 = arith.constant 0 : index
    %get3A_42 = arith.constant 8 : index
    %get3A_43 = vector.load %arg1[%get3A_41, %get3A_42] : memref<1250x16xi32, #tpu.memory_space<vmem>>, vector<1250x1xi32>
    %broadcast_in_dim3A_44 = vector.shape_cast %get3A_43 : vector<1250x1xi32> to vector<1250x1xi32>
    %broadcast_in_dim3A_45 = vector.broadcast %broadcast_in_dim3A_44 : vector<1250x1xi32> to vector<1250x8xi32>
    %get3A_46 = arith.constant 0 : index
    %get3A_47 = arith.constant 9 : index
    %get3A_48 = vector.load %arg1[%get3A_46, %get3A_47] : memref<1250x16xi32, #tpu.memory_space<vmem>>, vector<1250x1xi32>
    %broadcast_in_dim3A_49 = vector.shape_cast %get3A_48 : vector<1250x1xi32> to vector<1250x1xi32>
    %broadcast_in_dim3A_50 = vector.broadcast %broadcast_in_dim3A_49 : vector<1250x1xi32> to vector<1250x8xi32>
    %get3A_51 = arith.constant 0 : index
    %get3A_52 = arith.constant 10 : index
    %get3A_53 = vector.load %arg1[%get3A_51, %get3A_52] : memref<1250x16xi32, #tpu.memory_space<vmem>>, vector<1250x1xi32>
    %broadcast_in_dim3A_54 = vector.shape_cast %get3A_53 : vector<1250x1xi32> to vector<1250x1xi32>
    %broadcast_in_dim3A_55 = vector.broadcast %broadcast_in_dim3A_54 : vector<1250x1xi32> to vector<1250x8xi32>
    %get3A_56 = arith.constant 0 : index
    %get3A_57 = arith.constant 11 : index
    %get3A_58 = vector.load %arg1[%get3A_56, %get3A_57] : memref<1250x16xi32, #tpu.memory_space<vmem>>, vector<1250x1xi32>
    %broadcast_in_dim3A_59 = vector.shape_cast %get3A_58 : vector<1250x1xi32> to vector<1250x1xi32>
    %broadcast_in_dim3A_60 = vector.broadcast %broadcast_in_dim3A_59 : vector<1250x1xi32> to vector<1250x8xi32>
    %get3A_61 = arith.constant 0 : index
    %get3A_62 = arith.constant 12 : index
    %get3A_63 = vector.load %arg1[%get3A_61, %get3A_62] : memref<1250x16xi32, #tpu.memory_space<vmem>>, vector<1250x1xi32>
    %broadcast_in_dim3A_64 = vector.shape_cast %get3A_63 : vector<1250x1xi32> to vector<1250x1xi32>
    %broadcast_in_dim3A_65 = vector.broadcast %broadcast_in_dim3A_64 : vector<1250x1xi32> to vector<1250x8xi32>
    %get3A_66 = arith.constant 0 : index
    %get3A_67 = arith.constant 13 : index
    %get3A_68 = vector.load %arg1[%get3A_66, %get3A_67] : memref<1250x16xi32, #tpu.memory_space<vmem>>, vector<1250x1xi32>
    %broadcast_in_dim3A_69 = vector.shape_cast %get3A_68 : vector<1250x1xi32> to vector<1250x1xi32>
    %broadcast_in_dim3A_70 = vector.broadcast %broadcast_in_dim3A_69 : vector<1250x1xi32> to vector<1250x8xi32>
    %get3A_71 = arith.constant 0 : index
    %get3A_72 = arith.constant 14 : index
    %get3A_73 = vector.load %arg1[%get3A_71, %get3A_72] : memref<1250x16xi32, #tpu.memory_space<vmem>>, vector<1250x1xi32>
    %broadcast_in_dim3A_74 = vector.shape_cast %get3A_73 : vector<1250x1xi32> to vector<1250x1xi32>
    %broadcast_in_dim3A_75 = vector.broadcast %broadcast_in_dim3A_74 : vector<1250x1xi32> to vector<1250x8xi32>
    %get3A_76 = arith.constant 0 : index
    %get3A_77 = arith.constant 15 : index
    %get3A_78 = vector.load %arg1[%get3A_76, %get3A_77] : memref<1250x16xi32, #tpu.memory_space<vmem>>, vector<1250x1xi32>
    %broadcast_in_dim3A_79 = vector.shape_cast %get3A_78 : vector<1250x1xi32> to vector<1250x1xi32>
    %broadcast_in_dim3A_80 = vector.broadcast %broadcast_in_dim3A_79 : vector<1250x1xi32> to vector<1250x8xi32>
    %concatenate3A = tpu.concatenate %broadcast_in_dim3A_5, %broadcast_in_dim3A_10, %broadcast_in_dim3A_15, %broadcast_in_dim3A_20, %broadcast_in_dim3A_25, %broadcast_in_dim3A_30, %broadcast_in_dim3A_35, %broadcast_in_dim3A_40, %broadcast_in_dim3A_45, %broadcast_in_dim3A_50, %broadcast_in_dim3A_55, %broadcast_in_dim3A_60, %broadcast_in_dim3A_65, %broadcast_in_dim3A_70, %broadcast_in_dim3A_75, %broadcast_in_dim3A_80 in 1 : vector<1250x8xi32>, vector<1250x8xi32>, vector<1250x8xi32>, vector<1250x8xi32>, vector<1250x8xi32>, vector<1250x8xi32>, vector<1250x8xi32>, vector<1250x8xi32>, vector<1250x8xi32>, vector<1250x8xi32>, vector<1250x8xi32>, vector<1250x8xi32>, vector<1250x8xi32>, vector<1250x8xi32>, vector<1250x8xi32>, vector<1250x8xi32> -> vector<1250x128xi32>
    %eq3A = arith.constant 0 : i32
    %eq3A_81 = vector.broadcast %eq3A : i32 to vector<1250x128xi32>
    %eq3A_82 = arith.cmpi eq, %get3A_1, %eq3A_81 : vector<1250x128xi32>
    %jit3A = arith.constant 64 : i32
    %broadcast_in_dim3A_83 = vector.broadcast %jit3A : i32 to vector<1250x128xi32>
    %select_n3A = arith.select %eq3A_82, %broadcast_in_dim3A_83, %concatenate3A : vector<1250x128xi1>, vector<1250x128xi32>
    %sub3A = arith.constant 1 : i32
    %sub3A_84 = vector.broadcast %sub3A : i32 to vector<1250x128xi32>
    %sub3A_85 = arith.subi %get3A_1, %sub3A_84 : vector<1250x128xi32>
    %max3A = arith.constant 0 : i32
    %max3A_86 = vector.broadcast %max3A : i32 to vector<1250x128xi32>
    %max3A_87 = arith.maxsi %sub3A_85, %max3A_86 : vector<1250x128xi32>
    %broadcast_in_dim3A_88 = arith.constant 0 : i32
    %broadcast_in_dim3A_89 = vector.broadcast %broadcast_in_dim3A_88 : i32 to vector<94x128xi32>
    %concatenate3A_90 = tpu.concatenate %max3A_87, %broadcast_in_dim3A_89 in 0 : vector<1250x128xi32>, vector<94x128xi32> -> vector<1344x128xi32>
    %swap3A = arith.constant 0 : index
    %swap3A_91 = arith.constant 0 : index
    %swap3A_92 = vector.load %arg2[%swap3A, %swap3A_91] : memref<1344x128xi32, #tpu.memory_space<vmem>>, vector<1344x128xi32>
    tpu.vector_store %arg2[%swap3A, %swap3A_91], %concatenate3A_90 {strides = array<i32>} : memref<1344x128xi32, #tpu.memory_space<vmem>>, vector<1344x128xi32>,
    %broadcast_in_dim3A_93 = arith.constant 64 : i32
    %broadcast_in_dim3A_94 = vector.broadcast %broadcast_in_dim3A_93 : i32 to vector<94x128xi32>
    %concatenate3A_95 = tpu.concatenate %select_n3A, %broadcast_in_dim3A_94 in 0 : vector<1250x128xi32>, vector<94x128xi32> -> vector<1344x128xi32>
    %swap3A_96 = arith.constant 0 : index
    %swap3A_97 = arith.constant 0 : index
    %swap3A_98 = vector.load %arg3[%swap3A_96, %swap3A_97] : memref<1344x128xi32, #tpu.memory_space<vmem>>, vector<1344x128xi32>
    tpu.vector_store %arg3[%swap3A_96, %swap3A_97], %concatenate3A_95 {strides = array<i32>} : memref<1344x128xi32, #tpu.memory_space<vmem>>, vector<1344x128xi32>,
    return
  }
}

module attributes {stable_mosaic.version = 14 : i64} {
  func.func @_tc_body(%arg0: memref<2x64x128xf32, #tpu.memory_space<vmem>>, %arg1: memref<128x300xf32, #tpu.memory_space<vmem>>, %arg2: memref<64x300xf32, #tpu.memory_space<vmem>>, %arg3: memref<160x128xi32, #tpu.memory_space<vmem>>, %arg4: memref<64x300xf32, #tpu.memory_space<vmem>>, %arg5: memref<64x1xi32, #tpu.memory_space<vmem>>) attributes {dimension_semantics = [], scalar_prefetch = 0 : i64, scratch_operands = 0 : i64, tpu.core_type = #tpu.core_type<tc>} {
    %get3A = arith.constant 0 : index
    %get3A_0 = arith.constant 0 : index
    %get3A_1 = arith.constant 0 : index
    %get3A_2 = vector.load %arg0[%get3A, %get3A_0, %get3A_1] : memref<2x64x128xf32, #tpu.memory_space<vmem>>, vector<1x64x128xf32>
    %get3A_3 = vector.shape_cast %get3A_2 : vector<1x64x128xf32> to vector<64x128xf32>
    %get3A_4 = arith.constant 1 : index
    %get3A_5 = arith.constant 0 : index
    %get3A_6 = arith.constant 0 : index
    %get3A_7 = vector.load %arg0[%get3A_4, %get3A_5, %get3A_6] : memref<2x64x128xf32, #tpu.memory_space<vmem>>, vector<1x64x128xf32>
    %get3A_8 = vector.shape_cast %get3A_7 : vector<1x64x128xf32> to vector<64x128xf32>
    %add3A = arith.addf %get3A_3, %get3A_8 : vector<64x128xf32>
    %get3A_9 = arith.constant 0 : index
    %get3A_10 = arith.constant 0 : index
    %get3A_11 = vector.load %arg2[%get3A_9, %get3A_10] : memref<64x300xf32, #tpu.memory_space<vmem>>, vector<64x300xf32>
    %get3A_12 = arith.constant 0 : index
    %get3A_13 = arith.constant 0 : index
    %get3A_14 = vector.load %arg1[%get3A_12, %get3A_13] : memref<128x300xf32, #tpu.memory_space<vmem>>, vector<128x300xf32>
    %dot_general3A = arith.constant dense<0.000000e+00> : vector<64x300xf32>
    %dot_general3A_15 = tpu.matmul %add3A, %get3A_14, %dot_general3A {dimension_numbers = #tpu.dot_dimension_numbers<[1], [0], [0], [1], [0, 0, 1, 1], [], []>, transpose_lhs_hint = false} : vector<64x128xf32>, vector<128x300xf32>, vector<64x300xf32> -> vector<64x300xf32>
    %add3A_16 = arith.addf %get3A_11, %dot_general3A_15 : vector<64x300xf32>
    %swap3A = arith.constant 0 : index
    %swap3A_17 = arith.constant 0 : index
    %swap3A_18 = vector.load %arg4[%swap3A, %swap3A_17] : memref<64x300xf32, #tpu.memory_space<vmem>>, vector<64x300xf32>
    tpu.vector_store %arg4[%swap3A, %swap3A_17], %add3A_16 {strides = array<i32>} : memref<64x300xf32, #tpu.memory_space<vmem>>, vector<64x300xf32>,
    %iota3A = tpu.iota {dimensions = array<i32: 0>} : vector<64x128xi32>
    %broadcast_in_dim3A = arith.constant 0 : i32
    %broadcast_in_dim3A_19 = vector.broadcast %broadcast_in_dim3A : i32 to vector<64x128xi32>
    %scan3A = arith.constant 0 : i32
    %scan3A_20 = arith.constant 160 : i32
    %scan3A_21 = arith.addi %scan3A, %scan3A_20 : i32
    %scan3A_22 = arith.constant 1 : i32
    %scan3A_23 = scf.for %scan3A_33 = %scan3A to %scan3A_21 step %scan3A_22 iter_args(%scan3A_34 = %broadcast_in_dim3A_19) -> (vector<64x128xi32>)  : i32 {
      %get3A_35 = arith.index_cast %scan3A_33 : i32 to index
      %get3A_36 = arith.constant 0 : index
      %get3A_37 = vector.load %arg3[%get3A_35, %get3A_36] : memref<160x128xi32, #tpu.memory_space<vmem>>, vector<1x128xi32>
      %broadcast_in_dim3A_38 = vector.shape_cast %get3A_37 : vector<1x128xi32> to vector<1x128xi32>
      %broadcast_in_dim3A_39 = vector.broadcast %broadcast_in_dim3A_38 : vector<1x128xi32> to vector<64x128xi32>
      %eq3A = arith.cmpi eq, %broadcast_in_dim3A_39, %iota3A : vector<64x128xi32>
      %convert_element_type3A = arith.extui %eq3A : vector<64x128xi1> to vector<64x128xi32>
      %add3A_40 = arith.addi %scan3A_34, %convert_element_type3A : vector<64x128xi32>
      scf.yield %add3A_40 : vector<64x128xi32>
    }
    %scan3A_24 = arith.constant 160 : i32
    %reduce_sum3A = arith.constant dense<0> : vector<64xi32>
    %reduce_sum3A_25 = vector.multi_reduction <add>, %scan3A_23, %reduce_sum3A [1] : vector<64x128xi32> to vector<64xi32>
    %broadcast_in_dim3A_26 = vector.shape_cast %reduce_sum3A_25 : vector<64xi32> to vector<64x1xi32>
    %add3A_27 = arith.constant 1 : i32
    %add3A_28 = vector.broadcast %add3A_27 : i32 to vector<64x1xi32>
    %add3A_29 = arith.addi %broadcast_in_dim3A_26, %add3A_28 : vector<64x1xi32>
    %swap3A_30 = arith.constant 0 : index
    %swap3A_31 = arith.constant 0 : index
    %swap3A_32 = vector.load %arg5[%swap3A_30, %swap3A_31] : memref<64x1xi32, #tpu.memory_space<vmem>>, vector<64x1xi32>
    tpu.vector_store %arg5[%swap3A_30, %swap3A_31], %add3A_29 {strides = array<i32>} : memref<64x1xi32, #tpu.memory_space<vmem>>, vector<64x1xi32>,
    return
  }
}

</mosaic_0001>

<sc_bundles>
// kernel: kernel.5.cloned.1.call-start
scs
__scs_entry_jumppad:
0x0: {  	(pc) =	sbr.rel $0x88, $3  }
0x1: {  	(tag) =	ssettag $0x0;
	lr =	simm.s32 $0x1  }
0x2: {  	[smem:$0x3F9C] =	sst lr;
	_ =	strace $0xD0000000  }
0x3: {  	_ = 	snop  }
0x4: {  	_ = 	snop  }
0x5: {  	_ = 	snop  }
0x6: {  	_ = 	snop  }
0x7: {  	_ = 	snop  }
__scs_overlays_trampoline_lowered:
0x8: {  	[smem:$0x3FAB] =	sst s0  }
0x9: {  	[smem:$0x3FAC] =	sst s1  }
0xa: {  	[smem:$0x3FAD] =	sst s2  }
0xb: {  	[smem:$0x3FAE] =	sst s3  }
0xc: {  	[smem:$0x3FAF] =	sst s4  }
0xd: {  	[smem:$0x3FB0] =	sst s5  }
0xe: {  	[smem:$0x3FB1] =	sst s6  }
0xf: {  	[smem:$0x3FB2] =	sst s7  }
0x10: {  	[smem:$0x3FB3] =	sst s8  }
0x11: {  	[smem:$0x3FB4] =	sst s9;
	s0 =	simm.s32 @!p0 $0x0  }
0x12: {  	s1 =	sld [smem:$0x3F9A];
	s0 =	simm.s32 @p0 $0x1  }
0x13: {  	[smem:$0x3FB5] =	sst s0;
	s0 =	simm.s32 @!p1 $0x0  }
0x14: {  	s2 =	sld [smem:$0x3F99];
	s0 =	simm.s32 @p1 $0x1  }
0x15: {  	[smem:$0x3FB6] =	sst s0;
	s0 =	simm.s32 @!p2 $0x0  }
0x16: {  	s3 =	sld [smem:$0x3FDB];
	s0 =	simm.s32 @p2 $0x1  }
0x17: {  	s4 =	simm.s32 $0x1BF5;
	[smem:$0x3FB8] =	sst s0  }
0x18: {  	s0 =	sld [smem:$0x3F9B];
	_ =	swait.ge [sflag:s4], $0x0  }
0x19: {  	s7 =	sld [smem:$0x3F9C]  }
0x1a: {  	s8 =	sadd.s32 $0xFFFFE003, lr  }
0x1b: {  	s9 =	sadd.s32 $0xFFFFFEF7, lr;
	s5 =	simm.s32 $0xFFFFFFFF;
	p2 =	slt.u32 s8, $0xFFFFF086  }
0x1c: {  	p1 =	slt.u32 s9, $0xF7A;
	s5 =	simm.s32 @!p2 $0x0  }
0x1d: {  	s5 =	simm.s32 @p1 $0x1;
	p0 =	seq.s32 s7, s2  }
0x1e: {  	s7 =	smul.u32 @!p0 $0xF7A, s2;
	p2 =	seq.s32 @!p0 s5, $0x0  }
0x1f: {  	s9 =	smul.u32 $0xF7A, s1;
	s8 =	simm.s32 @!p0 $0x1BF5;
	p2 =	por !p2, p0  }
0x20: {  	[sflag:s8] =	ssyncset.s32 @!p0 $0xFFFFF086;
	s6 =	sadd.s32 @!p0 s3, s7;
	s7 =	simm.s32 @!p0 $0x108  }
0x21: {  	s3 =	sadd.s32 s3, s9;
	s6 =	sadd.s32 @!p0 $0x88, s6;
	s7 =	simm.s32 @p2 $0x1082  }
0x22: {  	[simem:s7], [sflag:s8] =	dma.local @!p0 [hbm:s6], $0xF7A  }
0x23: {  	s9 =	sor.u32 $0xD0000000, s2;
	s6 =	simm.s32 $0x108;
	_ =	swait.ge @!p0 [sflag:s8], $0x0  }
0x24: {  	s3 =	sadd.s32 $0x88, s3;
	s6 =	simm.s32 @!p1 $0x1082;
	[sflag:s4] =	ssyncset.s32 $0xFFFFF086  }
0x25: {  	[simem:s6], [sflag:s4] =	dma.local [hbm:s3], $0xF7A  }
0x26: {  	[smem:$0x3F9C] =	sst s1;
	(tag) =	ssettag s2;
	_ =	strace s9  }
0x27: {  	s1 =	sld [smem:$0x3FAC]  }
0x28: {  	s2 =	sld [smem:$0x3FAD]  }
0x29: {  	s4 =	sld [smem:$0x3FAF]  }
0x2a: {  	p0 =	seq.s32 s5, $0x0;
	s5 =	sld [smem:$0x3FB0]  }
0x2b: {  	s6 =	sld [smem:$0x3FB1]  }
0x2c: {  	s7 =	sld [smem:$0x3FB2]  }
0x2d: {  	s3 =	simm.s32 $0x108;
	s8 =	sld [smem:$0x3FB3]  }
0x2e: {  	s3 =	simm.s32 @!p0 $0x1082;
	s9 =	sld [smem:$0x3FB4]  }
0x2f: {  	lr =	sadd.s32 s0, s3;
	s0 =	sld [smem:$0x3FAB]  }
0x30: {  	s3 =	sld [smem:$0x3FAE]  }
0x31: {  	[smem:$0x3FB7] =	sst s10  }
0x32: {  	s10 =	sld [smem:$0x3FB5];
	_ =	sdelay $0x3  }
0x33: {  	p0 =	seq.s32 s10, $0x1;
	s10 =	sld [smem:$0x3FB7];
	_ =	sdelay $0x3  }
0x34: {  	[smem:$0x3FB7] =	sst s10  }
0x35: {  	s10 =	sld [smem:$0x3FB6];
	_ =	sdelay $0x3  }
0x36: {  	p1 =	seq.s32 s10, $0x1;
	s10 =	sld [smem:$0x3FB7];
	_ =	sdelay $0x3  }
0x37: {  	[smem:$0x3FB7] =	sst s10  }
0x38: {  	s10 =	sld [smem:$0x3FB8]  }
0x39: {  	_ = 	snop;
	(pc) =	sbr.ind lr, $3  }
0x3a: {  	_ = 	snop  }
0x3b: {  	_ = 	snop  }
0x3c: {  	p2 =	seq.s32 s10, $0x1;
	s10 =	sld [smem:$0x3FB7]  }
0x3d: {  	_ =	shalt  }
0x3e: {  	_ =	shalt  }
0x3f: {  	_ =	shalt  }
0x40: {  	_ =	shalt  }
0x41: {  	_ =	shalt  }
0x42: {  	_ =	shalt  }
0x43: {  	_ =	shalt  }
0x44: {  	_ =	shalt  }
0x45: {  	_ =	shalt  }
0x46: {  	_ =	shalt  }
0x47: {  	_ =	shalt  }
0x48: {  	_ =	shalt  }
0x49: {  	_ =	shalt  }
0x4a: {  	_ =	shalt  }
0x4b: {  	_ =	shalt  }
0x4c: {  	_ =	shalt  }
0x4d: {  	_ =	shalt  }
0x4e: {  	_ =	shalt  }
0x4f: {  	_ =	shalt  }
0x50: {  	_ =	shalt  }
0x51: {  	_ =	shalt  }
0x52: {  	_ =	shalt  }
0x53: {  	_ =	shalt  }
0x54: {  	_ =	shalt  }
0x55: {  	_ =	shalt  }
0x56: {  	_ =	shalt  }
0x57: {  	_ =	shalt  }
0x58: {  	_ =	shalt  }
0x59: {  	_ =	shalt  }
0x5a: {  	_ =	shalt  }
0x5b: {  	_ =	shalt  }
0x5c: {  	_ =	shalt  }
0x5d: {  	_ =	shalt  }
0x5e: {  	_ =	shalt  }
0x5f: {  	_ =	shalt  }
0x60: {  	_ =	shalt  }
0x61: {  	_ =	shalt  }
0x62: {  	_ =	shalt  }
0x63: {  	_ =	shalt  }
0x64: {  	_ =	shalt  }
0x65: {  	_ =	shalt  }
0x66: {  	_ =	shalt  }
0x67: {  	_ =	shalt  }
0x68: {  	_ =	shalt  }
0x69: {  	_ =	shalt  }
0x6a: {  	_ =	shalt  }
0x6b: {  	_ =	shalt  }
0x6c: {  	_ =	shalt  }
0x6d: {  	_ =	shalt  }
0x6e: {  	_ =	shalt  }
0x6f: {  	_ =	shalt  }
0x70: {  	_ =	shalt  }
0x71: {  	_ =	shalt  }
0x72: {  	_ =	shalt  }
0x73: {  	_ =	shalt  }
0x74: {  	_ =	shalt  }
0x75: {  	_ =	shalt  }
0x76: {  	_ =	shalt  }
0x77: {  	_ =	shalt  }
0x78: {  	_ =	shalt  }
0x79: {  	_ =	shalt  }
0x7a: {  	_ =	shalt  }
0x7b: {  	_ =	shalt  }
0x7c: {  	_ =	shalt  }
0x7d: {  	_ =	shalt  }
0x7e: {  	_ =	shalt  }
0x7f: {  	_ =	shalt  }
0x80: {  	_ =	shalt  }
0x81: {  	_ =	shalt  }
0x82: {  	_ =	shalt  }
0x83: {  	_ =	shalt  }
0x84: {  	_ =	shalt  }
0x85: {  	_ =	shalt  }
0x86: {  	_ =	shalt  }
0x87: {  	_ =	shalt  }
.Lfunc_end0:
.L_simem_size_0:
called_computation_lowered:
.L_overlay_start_0:
0x88: {  	s2 =	sld [smem:$0x3FD9]  }
0x89: {  	s3 =	sld [smem:$0x3FFE];
	_ =	sdelay $0x1  }
0x8a: {  	s1 =	srdreg.scid  }
0x8b: {  	s0 =	sand.u32 $0x1, s1  }
0x8c: {  	s14 =	sshll.u32 s0, $0xA;
	s2 =	sadd.s32 s3, s2  }
0x8d: {  	s2 =	sadd.s32 s2, s14  }
0x8e: {  	[smem:$0x3FC3] =	sst s2  }
0x8f: {  	_ = 	snop  }
0x90: {  	s2 =	sld [smem:$0x3FD0];
	_ =	sdelay $0x2  }
0x91: {  	s4 =	simm.s32 $0xA;
	s5 =	simm.s32 $0x10;
	s15 =	sld [smem:$0x3FC9]  }
0x92: {  	[smem:s5], [sflag:s4] =	dma.local [hbm:s2], $0x1  }
0x93: {  	_ =	swait.eq [sflag:s4], $0x1  }
0x94: {  	[sflag:s4] =	ssyncset.done $0x0  }
0x95: {  	[sflag:s4] =	ssyncadd.s32 $0xFFFFFFFF  }
0x96: {  	s16 =	sld [smem:$0x10];
	(tm) =	ssettm $0x1  }
0x97: {  	s17 =	sld [smem:$0x3FFB];
	_ =	sdelay $0x3  }
0x98: {  	_ =	strace s17  }
0x99: {  	s4 =	sld [smem:$0x3FFC];
	_ =	sdelay $0x3  }
0x9a: {  	_ =	strace s4  }
0x9b: {  	s4 =	sld [smem:$0x3FFD];
	_ =	sdelay $0x3  }
0x9c: {  	_ =	strace s4  }
0x9d: {  	_ =	strace $0x8FFFFFFF  }
0x9e: {  	s18 =	sld [smem:$0x3FDB];
	_ =	sdelay $0x1  }
0x9f: {  	s19 =	simm.s32 $_scs_section_size  }
0xa0: {  	s6 =	simm.s32 $_size__tile_overlayer_lowered;
	s7 =	simm.s32 $_tile_overlayer_lowered  }
0xa1: {  	s22 =	simm.s32 $0x1BFF;
	s21 =	sshll.u32 s7, $0x1;
	s4 =	sadd.s32 s19, s18  }
0xa2: {  	s8 =	simm.s32 $0x0;
	s20 =	sshll.u32 s6, $0x1;
	s6 =	sadd.s32 s21, s4  }
0xa3: {  	[timem:s8], [sflag:s22] =	dma.local [hbm:s6], s20  }
0xa4: {  	_ =	swait.ge [sflag:s22], s20  }
0xa5: {  	s5 =	ssub.s32 $0x0, s20;
	[sflag:s22] =	ssyncset.done $0x0  }
0xa6: {  	[sflag:s22] =	ssyncadd.s32 s5;
	_ =	sdelay $0x1  }
0xa7: {  	s23 =	simm.s32 $0x1B8B  }
0xa8: {  	_ =	swait.ge [sflag:s23], $0x1  }
0xa9: {  	[sflag:s23] =	ssyncset.done $0x0  }
0xaa: {  	s25 =	simm.s32 $0x1B8E;
	s24 =	sld [smem:$0x3FFE];
	[sflag:s23] =	ssyncadd.s32 $0xFFFFFFFF  }
0xab: {  	s26 =	simm.s32 $execute0_lowered;
	[smem:$0x3FD2] =	sst s25  }
0xac: {  	s6 =	sshll.u32 s26, $0x1;
	_ =	strace $0x80000046;
	[dreg:$0x1] =	wrdreg $0xFFFFFFFF  }
0xad: {  	s28 =	simm.s32 $_size_execute0_lowered;
	s4 =	sadd.s32 s4, s6;
	[dreg:$0x0] =	wrdreg $0x0  }
0xae: {  	s6 =	sshll.u32 s28, $0x1;
	[dreg:$0x2] =	wrdreg s4  }
0xaf: {  	[dreg:$0x3] =	wrdreg s6  }
0xb0: {  	[dreg:$0x4] =	wrdreg $0xC0  }
0xb1: {  	_ =	task [dreg:s8], $0x5FFFF  }
0xb2: {  	[dreg:$0x1] =	wrdreg $0xFFFFFFFF  }
0xb3: {  	[dreg:$0x0] =	wrdreg $0x60  }
0xb4: {  	[dreg:$0x2] =	wrdreg s15  }
0xb5: {  	[dreg:$0x3] =	wrdreg s24  }
0xb6: {  	[dreg:$0x4] =	wrdreg s16  }
0xb7: {  	[dreg:$0x5] =	wrdreg $0x150000  }
0xb8: {  	[dreg:$0x6] =	wrdreg $0x9  }
0xb9: {  	_ =	task.clear_ibuf [dreg:s8], $0x7FFFF;
	_ =	strace $0x90000046  }
0xba: {  	s29 =	simm.s32 $0x9;
	_ =	strace $0x80000048  }
0xbb: {  	_ =	swait.ge [sflag:s29], $0x1  }
0xbc: {  	[sflag:s29] =	ssyncadd.s32 $0xFFFFFFFF  }
0xbd: {  	_ =	strace $0x90000048  }
0xbe: {  	_ =	sfence  }
0xbf: {  	s30 =	sld [smem:$0x0];
	_ =	sdelay $0x2  }
0xc0: {  	s31 =	sshll.u32 s1, $0xD;
	s1 =	sshrl.u32 s1, $0x2  }
0xc1: {  	s3 =	sand.u32 $0x4000, s31;
	s1 =	sadd.s32 s1, s30  }
0xc2: {  	s0 =	sor.u32 s3, s0;
	s1 =	sshll.u32 s1, $0x11  }
0xc3: {  	s0 =	sor.u32 s1, s0  }
0xc4: {  	s0 =	sadd.s32 $0x8F2B, s0  }
0xc5: {  	[sflag:s0] =	ssyncadd.remote.s32 $0x1  }
0xc6: {  	_ =	sfence.sel $0xFFFF  }
0xc7: {  	[dreg:$0x0] =	wrdreg $0xFFFFFFFF;
	(pc) =	sbr.abs _section_cstart, $3  }
0xc8: {  	[dreg:$0x1] =	wrdreg $0xFFFFFFFF  }
0xc9: {  	_ =	task.clear_ibuf [dreg:s8], $0x2FFFF;
	_ =	strace $0x9FFFFFFF  }
0xca: {  	(tm) =	ssettm $0x7FFFFFFF  }
0xcb: {  	_ =	shalt  }
tec
execute0_lowered:
.L_overlay_start_1:
0x0: {  	(tag) =	ssettag $0x1  }
0x1: {  	s1 =	rddreg [dreg:$0x0]  }
0x2: {  	s0 =	rddreg [dreg:$0x1]  }
0x3: {  	s2 =	rddreg [dreg:$0x2]  }
0x4: {  	s3 =	rddreg [dreg:$0x3]  }
0x5: {  	s4 =	srdreg.scid;
	s11 =	simm.s32 $0x0;
	s12 =	stileid.u32  }
0x6: {  	s28 =	simm.s32 $0x2;
	s29 =	simm.s32 $0x3;
	s30 =	simm.s32 $0xC800  }
0x7: {  	s31 =	simm.s32 $0x4;
	s5 =	sand.u32 $0x1, s4;
	[smem:$0x7FF] =	sst s11  }
0x8: {  	s6 =	sadd.s32 $0x1000, s0;
	s0 =	sadd.s32 $0x6400, s0;
	s8 =	sshll.u32 s12, $0x7  }
0x9: {  	s9 =	smul.u32 $0x480, s12;
	s19 =	sshll.u32 s12, $0xE;
	s23 =	sshll.u32 s12, $0x9  }
0xa: {  	s4 =	ssub.s32 $0x2, s5;
	_ =	strace $0x80000047;
	p0 =	seq.s32 s5, $0x0  }
0xb: {  	s8 =	sor.u32 $0x4800, s8;
	s24 =	sshll.u32 s5, $0xD;
	s18 =	sadd.s32 s23, s3  }
0xc: {  	s7 =	sshrl.u32 s4, $0x1;
	s10 =	sadd.s32 s6, s8;
	s8 =	sadd.s32 s0, s8  }
0xd: {  	s6 =	sadd.s32 s6, s9;
	s0 =	sadd.s32 s0, s9;
	[dreg:$0x6] =	wrdreg s10  }
0xe: {  	s9 =	sadd.s32 s19, s3;
	s3 =	simm.s32 $0x14800;
	[dreg:$0x7] =	wrdreg s8  }
0xf: {  	s7 =	ssub.s32 s4, s7;
	s4 =	simm.s32 $0x48;
	[dreg:$0x8] =	wrdreg s6  }
0x10: {  	[dreg:$0x9] =	wrdreg s0;
	s20 =	sadd.s32 $0x400, s9;
	s21 =	sadd.s32 $0x800, s9  }
0x11: {  	s22 =	sadd.s32 $0xC00, s9;
	s13 =	sadd.s32 $0x1000, s9;
	s14 =	sadd.s32 $0x1400, s9  }
0x12: {  	s15 =	sadd.s32 $0x1800, s9;
	s16 =	sadd.s32 $0x1C00, s9;
	s17 =	sadd.s32 $0x2000, s9  }
0x13: {  	s6 =	sor.u32 s23, s24;
	s23 =	simm.s32 $0x8800;
	[dreg:$0xa] =	wrdreg s20  }
0x14: {  	s24 =	simm.s32 $0x14C00;
	s0 =	simm.s32 $0x10800;
	[dreg:$0xb] =	wrdreg s21  }
0x15: {  	s4 =	simm.s32 @!p0 $0x8;
	[dreg:$0xc] =	wrdreg s22;
	s25 =	sshrl.u32 s6, $0x3  }
0x16: {  	s20 =	smax.u32 s7, $0x1;
	p0 =	sne.s32 s5, $0x0;
	s21 =	simm.s32 $0x80  }
0x17: {  	s22 =	simm.s32 $0x4800;
	s5 =	simm.s32 $0x0;
	s19 =	sshll.u32 s4, $0x9  }
0x18: {  	s26 =	sadd.s32 $0xFFFFF800, s19;
	s19 =	sadd.s32 s2, s25;
	s25 =	simm.s32 $0x1  }
0x19: {  	v0 =	vimm.f32 $0.0e+00;
	s2 =	simm.s32 $0x14A00;
	[dreg:$0x5] =	wrdreg s26;
	s26 =	simm.s32 $0x5  }
.LBB2_1:
0x1a: {  	s6 =	simm.s32 @p0 $0x0;
	s7 =	rddreg [dreg:$0x6]  }
0x1b: {  	[tilespmem:s6], [sflag:$0x5] =	stream.linear.gather @p0 [hbm4b:s7+s6], $0x400, $0x38;
	[tilespmem:$0x19000] =	vst v63  }
0x1c: {  	s7 =	simm.s32 @p0 $0x5  }
0x1d: {  	_ =	swait.ge @p0 [sflag:s7], $0x400  }
0x1e: {  	[sflag:s7] =	ssyncset.done @p0 $0x0  }
0x1f: {  	s8 =	simm.s32 @p0 $0x2400;
	s10 =	rddreg [dreg:$0x7];
	[sflag:s7] =	ssyncadd.s32 @p0 $0xFFFFFC00  }
0x20: {  	[tilespmem:s8], [sflag:$0x5] =	stream.linear.gather @p0 [hbm4b:s10+s6], $0x400, $0x38;
	[tilespmem:$0x19000] =	vst v63  }
0x21: {  	_ =	swait.ge @p0 [sflag:s7], $0x400  }
0x22: {  	[sflag:s7] =	ssyncset.done @p0 $0x0  }
0x23: {  	s6 =	simm.s32 @!p0 $0x0;
	[sflag:s7] =	ssyncadd.s32 @p0 $0xFFFFFC00;
	s7 =	rddreg [dreg:$0x8]  }
0x24: {  	[tilespmem:s6], [sflag:$0x5] =	stream.linear.gather @!p0 [hbm4b:s7+s6], $0x2400, $0x38;
	[tilespmem:$0x19000] =	vst v63  }
0x25: {  	s7 =	simm.s32 @!p0 $0x5  }
0x26: {  	_ =	swait.ge @!p0 [sflag:s7], $0x2400  }
0x27: {  	[sflag:s7] =	ssyncset.done @!p0 $0x0  }
0x28: {  	s8 =	simm.s32 @!p0 $0x2400;
	s10 =	rddreg [dreg:$0x9];
	[sflag:s7] =	ssyncadd.s32 @!p0 $0xFFFFDC00  }
0x29: {  	[tilespmem:s8], [sflag:$0x5] =	stream.linear.gather @!p0 [hbm4b:s10+s6], $0x2400, $0x38;
	[tilespmem:$0x19000] =	vst v63  }
0x2a: {  	_ =	swait.ge @!p0 [sflag:s7], $0x2400  }
0x2b: {  	[sflag:s7] =	ssyncset.done @!p0 $0x0  }
0x2c: {  	[sflag:s7] =	ssyncadd.s32 @!p0 $0xFFFFDC00  }
0x2d: {  	[tilespmem:s22], [sflag:$0x1] =	stream.indirect.gather [hbm4b:s1+s21], $0x80, s11, s21, $0xb8;
	[tilespmem:$0x19000] =	vst v63  }
0x2e: {  	_ = 	snop  }
0x2f: {  	[tilespmem:s23], [sflag:$0x2] =	stream.indirect.gather [hbm4b:s1+s21], $0x80, s21, s21, $0xb8;
	[tilespmem:$0x19000] =	vst v63  }
0x30: {  	[tilespmem:$0x14C00] =	vst v0  }
0x31: {  	[tilespmem:$0x14C10] =	vst v0  }
0x32: {  	[tilespmem:$0x14C20] =	vst v0  }
0x33: {  	[tilespmem:$0x14C30] =	vst v0  }
0x34: {  	[tilespmem:$0x14C40] =	vst v0  }
0x35: {  	[tilespmem:$0x14C50] =	vst v0  }
0x36: {  	[tilespmem:$0x14C60] =	vst v0  }
0x37: {  	[tilespmem:$0x14C70] =	vst v0  }
0x38: {  	[tilespmem:$0x14C80] =	vst v0  }
0x39: {  	[tilespmem:$0x14C90] =	vst v0  }
0x3a: {  	[tilespmem:$0x14CA0] =	vst v0  }
0x3b: {  	[tilespmem:$0x14CB0] =	vst v0  }
0x3c: {  	[tilespmem:$0x14CC0] =	vst v0  }
0x3d: {  	[tilespmem:$0x14CD0] =	vst v0  }
0x3e: {  	[tilespmem:$0x14CE0] =	vst v0  }
0x3f: {  	[tilespmem:$0x14CF0] =	vst v0  }
0x40: {  	[tilespmem:$0x14D00] =	vst v0  }
0x41: {  	[tilespmem:$0x14D10] =	vst v0  }
0x42: {  	[tilespmem:$0x14D20] =	vst v0  }
0x43: {  	[tilespmem:$0x14D30] =	vst v0  }
0x44: {  	[tilespmem:$0x14D40] =	vst v0  }
0x45: {  	[tilespmem:$0x14D50] =	vst v0  }
0x46: {  	[tilespmem:$0x14D60] =	vst v0  }
0x47: {  	[tilespmem:$0x14D70] =	vst v0  }
0x48: {  	[tilespmem:$0x14D80] =	vst v0  }
0x49: {  	[tilespmem:$0x14D90] =	vst v0  }
0x4a: {  	[tilespmem:$0x14DA0] =	vst v0  }
0x4b: {  	[tilespmem:$0x14DB0] =	vst v0  }
0x4c: {  	[tilespmem:$0x14DC0] =	vst v0  }
0x4d: {  	[tilespmem:$0x14DD0] =	vst v0  }
0x4e: {  	[tilespmem:$0x14DE0] =	vst v0  }
0x4f: {  	[tilespmem:$0x14DF0] =	vst v0  }
0x50: {  	[tilespmem:$0x14E00] =	vst v0  }
0x51: {  	[tilespmem:$0x14E10] =	vst v0  }
0x52: {  	[tilespmem:$0x14E20] =	vst v0  }
0x53: {  	[tilespmem:$0x14E30] =	vst v0  }
0x54: {  	[tilespmem:$0x14E40] =	vst v0  }
0x55: {  	[tilespmem:$0x14E50] =	vst v0  }
0x56: {  	[tilespmem:$0x14E60] =	vst v0  }
0x57: {  	[tilespmem:$0x14E70] =	vst v0  }
0x58: {  	[tilespmem:$0x14E80] =	vst v0  }
0x59: {  	[tilespmem:$0x14E90] =	vst v0  }
0x5a: {  	[tilespmem:$0x14EA0] =	vst v0  }
0x5b: {  	[tilespmem:$0x14EB0] =	vst v0  }
0x5c: {  	[tilespmem:$0x14EC0] =	vst v0  }
0x5d: {  	[tilespmem:$0x14ED0] =	vst v0  }
0x5e: {  	[tilespmem:$0x14EE0] =	vst v0  }
0x5f: {  	[tilespmem:$0x14EF0] =	vst v0  }
0x60: {  	[tilespmem:$0x14F00] =	vst v0  }
0x61: {  	[tilespmem:$0x14F10] =	vst v0  }
0x62: {  	[tilespmem:$0x14F20] =	vst v0  }
0x63: {  	[tilespmem:$0x14F30] =	vst v0  }
0x64: {  	[tilespmem:$0x14F40] =	vst v0  }
0x65: {  	[tilespmem:$0x14F50] =	vst v0  }
0x66: {  	[tilespmem:$0x14F60] =	vst v0  }
0x67: {  	[tilespmem:$0x14F70] =	vst v0  }
0x68: {  	[tilespmem:$0x14F80] =	vst v0  }
0x69: {  	[tilespmem:$0x14F90] =	vst v0  }
0x6a: {  	[tilespmem:$0x14FA0] =	vst v0  }
0x6b: {  	[tilespmem:$0x14FB0] =	vst v0  }
0x6c: {  	[tilespmem:$0x14FC0] =	vst v0  }
0x6d: {  	[tilespmem:$0x14FD0] =	vst v0  }
0x6e: {  	[tilespmem:$0x14FE0] =	vst v0  }
0x6f: {  	[tilespmem:$0x14FF0] =	vst v0  }
0x70: {  	[spmem:s9] =	stream.linear.scatter [tilespmem:s24], [sflag:$0x5], $0x400, $0x38;
	[tilespmem:$0x19000] =	vst v63  }
0x71: {  	_ =	swait.ge [sflag:s26], $0x400  }
0x72: {  	[sflag:s26] =	ssyncset.done $0x0  }
0x73: {  	s10 =	rddreg [dreg:$0xa];
	[sflag:s26] =	ssyncadd.s32 $0xFFFFFC00  }
0x74: {  	[spmem:s10] =	stream.linear.scatter [tilespmem:s24], [sflag:$0x5], $0x400, $0x38;
	[tilespmem:$0x19000] =	vst v63  }
0x75: {  	_ =	swait.ge [sflag:s26], $0x400  }
0x76: {  	[sflag:s26] =	ssyncset.done $0x0  }
0x77: {  	s11 =	rddreg [dreg:$0xb];
	[sflag:s26] =	ssyncadd.s32 $0xFFFFFC00  }
0x78: {  	[spmem:s11] =	stream.linear.scatter [tilespmem:s24], [sflag:$0x5], $0x400, $0x38;
	[tilespmem:$0x19000] =	vst v63  }
0x79: {  	_ =	swait.ge [sflag:s26], $0x400  }
0x7a: {  	[sflag:s26] =	ssyncset.done $0x0  }
0x7b: {  	s12 =	rddreg [dreg:$0xc];
	[sflag:s26] =	ssyncadd.s32 $0xFFFFFC00  }
0x7c: {  	[spmem:s12] =	stream.linear.scatter [tilespmem:s24], [sflag:$0x5], $0x400, $0x38;
	[tilespmem:$0x19000] =	vst v63  }
0x7d: {  	_ =	swait.ge [sflag:s26], $0x400  }
0x7e: {  	[sflag:s26] =	ssyncset.done $0x0  }
0x7f: {  	[sflag:s26] =	ssyncadd.s32 $0xFFFFFC00  }
0x80: {  	[spmem:s13] =	stream.linear.scatter [tilespmem:s24], [sflag:$0x5], $0x400, $0x38;
	[tilespmem:$0x19000] =	vst v63  }
0x81: {  	_ =	swait.ge [sflag:s26], $0x400  }
0x82: {  	[sflag:s26] =	ssyncset.done $0x0  }
0x83: {  	[sflag:s26] =	ssyncadd.s32 $0xFFFFFC00  }
0x84: {  	[spmem:s14] =	stream.linear.scatter [tilespmem:s24], [sflag:$0x5], $0x400, $0x38;
	[tilespmem:$0x19000] =	vst v63  }
0x85: {  	_ =	swait.ge [sflag:s26], $0x400  }
0x86: {  	[sflag:s26] =	ssyncset.done $0x0  }
0x87: {  	[sflag:s26] =	ssyncadd.s32 $0xFFFFFC00  }
0x88: {  	[spmem:s15] =	stream.linear.scatter [tilespmem:s24], [sflag:$0x5], $0x400, $0x38;
	[tilespmem:$0x19000] =	vst v63  }
0x89: {  	_ =	swait.ge [sflag:s26], $0x400  }
0x8a: {  	[sflag:s26] =	ssyncset.done $0x0  }
0x8b: {  	[sflag:s26] =	ssyncadd.s32 $0xFFFFFC00  }
0x8c: {  	[spmem:s16] =	stream.linear.scatter [tilespmem:s24], [sflag:$0x5], $0x400, $0x38;
	[tilespmem:$0x19000] =	vst v63  }
0x8d: {  	_ =	swait.ge [sflag:s26], $0x400  }
0x8e: {  	[sflag:s26] =	ssyncset.done $0x0  }
0x8f: {  	[sflag:s26] =	ssyncadd.s32 $0xFFFFFC00  }
0x90: {  	[spmem:s17] =	stream.linear.scatter [tilespmem:s24], [sflag:$0x5], $0x400, $0x38;
	[tilespmem:$0x19000] =	vst v63  }
0x91: {  	_ =	swait.ge [sflag:s26], $0x400  }
0x92: {  	[sflag:s26] =	ssyncset.done $0x0  }
0x93: {  	s6 =	simm.s32 $0x0;
	s7 =	simm.s32 $0x5;
	[sflag:s26] =	ssyncadd.s32 $0xFFFFFC00  }
.LBB2_2:
0x94: {  	_ =	swait.ge [sflag:s25], $0x4000;
	s8 =	sadd.s32 $0xFFFFFFFD, s7  }
0x95: {  	[sflag:s25] =	ssyncset.done $0x0;
	p1 =	sge.u32 s8, s4  }
0x96: {  	[sflag:s25] =	ssyncadd.s32 $0xFFFFC000;
	s8 =	sshra.s32 @!p1 s6, $0x2  }
0x97: {  	s10 =	simm.s32 @!p1 $0x80;
	s11 =	simm.s32 @!p1 $0xC800;
	s8 =	sadd.s32 @!p1 $0x100, s8  }
0x98: {  	[tilespmem:s11], [sflag:$0x3] =	stream.indirect.gather @!p1 [hbm4b:s1+s10], $0x80, s8, s10, $0xb8;
	[tilespmem:$0x19000] =	vst v63  }
0x99: {  	s8 =	sshra.s32 s6, $0x2  }
0x9a: {  	s11 =	sadd.s32 $0x2400, s8  }
0x9b: {  	[spmem:s9] =	stream.indirect.scatter.add.f32 [tilespmem:s22], [sflag:$0x5], $0x80, s11, s21, $0xb8;
	[tilespmem:$0x19000] =	vst v63  }
0x9c: {  	_ =	swait.ge [sflag:s26], $0x4000  }
0x9d: {  	[sflag:s26] =	ssyncset.done $0x0  }
0x9e: {  	s12 =	sadd.s32 $0xFFFFFFFE, s7;
	[sflag:s26] =	ssyncadd.s32 $0xFFFFC000  }
0x9f: {  	p1 =	sge.u32 s12, s4;
	_ =	swait.ge [sflag:s28], $0x4000  }
0xa0: {  	s10 =	sshra.s32 @!p1 s6, $0x2;
	s12 =	simm.s32 @!p1 $0x10800;
	[sflag:s28] =	ssyncset.done $0x0  }
0xa1: {  	s10 =	sadd.s32 @!p1 $0x180, s10;
	s11 =	simm.s32 @!p1 $0x80;
	[sflag:s28] =	ssyncadd.s32 $0xFFFFC000  }
0xa2: {  	[tilespmem:s12], [sflag:$0x4] =	stream.indirect.gather @!p1 [hbm4b:s1+s11], $0x80, s10, s11, $0xb8;
	[tilespmem:$0x19000] =	vst v63  }
0xa3: {  	s11 =	sadd.s32 $0x2480, s8  }
0xa4: {  	[spmem:s9] =	stream.indirect.scatter.add.f32 [tilespmem:s23], [sflag:$0x5], $0x80, s11, s21, $0xb8;
	[tilespmem:$0x19000] =	vst v63  }
0xa5: {  	_ =	swait.ge [sflag:s26], $0x4000  }
0xa6: {  	[sflag:s26] =	ssyncset.done $0x0  }
0xa7: {  	s12 =	sadd.s32 $0xFFFFFFFF, s7;
	[sflag:s26] =	ssyncadd.s32 $0xFFFFC000  }
0xa8: {  	p1 =	sge.u32 s12, s4;
	_ =	swait.ge [sflag:s29], $0x4000  }
0xa9: {  	s10 =	sshra.s32 @!p1 s6, $0x2;
	s11 =	simm.s32 @!p1 $0x80;
	[sflag:s29] =	ssyncset.done $0x0  }
0xaa: {  	s12 =	simm.s32 @!p1 $0x4800;
	s10 =	sadd.s32 @!p1 $0x200, s10;
	[sflag:s29] =	ssyncadd.s32 $0xFFFFC000  }
0xab: {  	[tilespmem:s12], [sflag:$0x1] =	stream.indirect.gather @!p1 [hbm4b:s1+s11], $0x80, s10, s11, $0xb8;
	[tilespmem:$0x19000] =	vst v63  }
0xac: {  	s11 =	sadd.s32 $0x2500, s8  }
0xad: {  	[spmem:s9] =	stream.indirect.scatter.add.f32 [tilespmem:s30], [sflag:$0x5], $0x80, s11, s21, $0xb8;
	[tilespmem:$0x19000] =	vst v63  }
0xae: {  	_ =	swait.ge [sflag:s26], $0x4000  }
0xaf: {  	[sflag:s26] =	ssyncset.done $0x0  }
0xb0: {  	[sflag:s26] =	ssyncadd.s32 $0xFFFFC000  }
0xb1: {  	p1 =	sge.u32 s7, s4;
	_ =	swait.ge [sflag:s31], $0x4000  }
0xb2: {  	s10 =	sshra.s32 @!p1 s6, $0x2;
	s12 =	simm.s32 @!p1 $0x8800;
	[sflag:s31] =	ssyncset.done $0x0  }
0xb3: {  	s10 =	sadd.s32 @!p1 $0x280, s10;
	s11 =	simm.s32 @!p1 $0x80;
	[sflag:s31] =	ssyncadd.s32 $0xFFFFC000  }
0xb4: {  	[tilespmem:s12], [sflag:$0x2] =	stream.indirect.gather @!p1 [hbm4b:s1+s11], $0x80, s10, s11, $0xb8;
	[tilespmem:$0x19000] =	vst v63  }
0xb5: {  	s8 =	sadd.s32 $0x2580, s8  }
0xb6: {  	[spmem:s9] =	stream.indirect.scatter.add.f32 [tilespmem:s0], [sflag:$0x5], $0x80, s8, s21, $0xb8;
	[tilespmem:$0x19000] =	vst v63  }
0xb7: {  	_ =	swait.ge [sflag:s26], $0x4000  }
0xb8: {  	s6 =	sadd.s32 $0x800, s6;
	s12 =	rddreg [dreg:$0x5]  }
0xb9: {  	p1 =	sne.s32 s12, s6  }
.Ltmp0:
0xba: {  	_ = 	snop;
	(pc) =	sbr.rel @p1 .LBB2_2-.Ltmp0, $3  }
0xbb: {  	_ =	sdelay $0x1  }
0xbc: {  	[sflag:s26] =	ssyncset.done $0x0  }
0xbd: {  	s7 =	sadd.s32 $0x4, s7;
	[sflag:s26] =	ssyncadd.s32 $0xFFFFC000  }
0xbe: {  	_ =	swait.ge [sflag:s25], $0x4000;
	s8 =	sadd.s32 $0xFFFFFFFD, s7  }
0xbf: {  	[sflag:s25] =	ssyncset.done $0x0;
	p1 =	sge.u32 s8, s4  }
0xc0: {  	[sflag:s25] =	ssyncadd.s32 $0xFFFFC000;
	s8 =	sshra.s32 @!p1 s6, $0x2  }
0xc1: {  	s10 =	simm.s32 @!p1 $0x80;
	s11 =	simm.s32 @!p1 $0xC800;
	s8 =	sadd.s32 @!p1 $0x100, s8  }
0xc2: {  	[tilespmem:s11], [sflag:$0x3] =	stream.indirect.gather @!p1 [hbm4b:s1+s10], $0x80, s8, s10, $0xb8;
	[tilespmem:$0x19000] =	vst v63  }
0xc3: {  	s8 =	sshra.s32 s6, $0x2  }
0xc4: {  	s11 =	sadd.s32 $0x2400, s8  }
0xc5: {  	[spmem:s9] =	stream.indirect.scatter.add.f32 [tilespmem:s22], [sflag:$0x5], $0x80, s11, s21, $0xb8;
	[tilespmem:$0x19000] =	vst v63  }
0xc6: {  	_ =	swait.ge [sflag:s26], $0x4000  }
0xc7: {  	[sflag:s26] =	ssyncset.done $0x0  }
0xc8: {  	s12 =	sadd.s32 $0xFFFFFFFE, s7;
	[sflag:s26] =	ssyncadd.s32 $0xFFFFC000  }
0xc9: {  	p1 =	sge.u32 s12, s4;
	_ =	swait.ge [sflag:s28], $0x4000  }
0xca: {  	s10 =	sshra.s32 @!p1 s6, $0x2;
	s12 =	simm.s32 @!p1 $0x10800;
	[sflag:s28] =	ssyncset.done $0x0  }
0xcb: {  	s10 =	sadd.s32 @!p1 $0x180, s10;
	s11 =	simm.s32 @!p1 $0x80;
	[sflag:s28] =	ssyncadd.s32 $0xFFFFC000  }
0xcc: {  	[tilespmem:s12], [sflag:$0x4] =	stream.indirect.gather @!p1 [hbm4b:s1+s11], $0x80, s10, s11, $0xb8;
	[tilespmem:$0x19000] =	vst v63  }
0xcd: {  	s11 =	sadd.s32 $0x2480, s8  }
0xce: {  	[spmem:s9] =	stream.indirect.scatter.add.f32 [tilespmem:s23], [sflag:$0x5], $0x80, s11, s21, $0xb8;
	[tilespmem:$0x19000] =	vst v63  }
0xcf: {  	_ =	swait.ge [sflag:s26], $0x4000  }
0xd0: {  	[sflag:s26] =	ssyncset.done $0x0  }
0xd1: {  	s12 =	sadd.s32 $0xFFFFFFFF, s7;
	[sflag:s26] =	ssyncadd.s32 $0xFFFFC000  }
0xd2: {  	p1 =	sge.u32 s12, s4;
	_ =	swait.ge [sflag:s29], $0x4000  }
0xd3: {  	s10 =	sshra.s32 @!p1 s6, $0x2;
	s11 =	simm.s32 @!p1 $0x80;
	[sflag:s29] =	ssyncset.done $0x0  }
0xd4: {  	s12 =	simm.s32 @!p1 $0x4800;
	s10 =	sadd.s32 @!p1 $0x200, s10;
	[sflag:s29] =	ssyncadd.s32 $0xFFFFC000  }
0xd5: {  	[tilespmem:s12], [sflag:$0x1] =	stream.indirect.gather @!p1 [hbm4b:s1+s11], $0x80, s10, s11, $0xb8;
	[tilespmem:$0x19000] =	vst v63  }
0xd6: {  	s11 =	sadd.s32 $0x2500, s8  }
0xd7: {  	[spmem:s9] =	stream.indirect.scatter.add.f32 [tilespmem:s30], [sflag:$0x5], $0x80, s11, s21, $0xb8;
	[tilespmem:$0x19000] =	vst v63  }
0xd8: {  	_ =	swait.ge [sflag:s26], $0x4000  }
0xd9: {  	[sflag:s26] =	ssyncset.done $0x0  }
0xda: {  	[sflag:s26] =	ssyncadd.s32 $0xFFFFC000  }
0xdb: {  	p1 =	sge.u32 s7, s4;
	_ =	swait.ge [sflag:s31], $0x4000  }
0xdc: {  	s6 =	sshra.s32 @!p1 s6, $0x2;
	s7 =	simm.s32 @!p1 $0x80;
	[sflag:s31] =	ssyncset.done $0x0  }
0xdd: {  	s10 =	simm.s32 @!p1 $0x8800;
	s6 =	sadd.s32 @!p1 $0x280, s6;
	[sflag:s31] =	ssyncadd.s32 $0xFFFFC000  }
0xde: {  	[tilespmem:s10], [sflag:$0x2] =	stream.indirect.gather @!p1 [hbm4b:s1+s7], $0x80, s6, s7, $0xb8;
	[tilespmem:$0x19000] =	vst v63  }
0xdf: {  	s12 =	sadd.s32 $0x2580, s8  }
0xe0: {  	[spmem:s9] =	stream.indirect.scatter.add.f32 [tilespmem:s0], [sflag:$0x5], $0x80, s12, s21, $0xb8;
	[tilespmem:$0x19000] =	vst v63  }
0xe1: {  	_ =	swait.ge [sflag:s26], $0x4000  }
0xe2: {  	[sflag:s26] =	ssyncset.done $0x0  }
0xe3: {  	[sflag:s26] =	ssyncadd.s32 $0xFFFFC000  }
0xe4: {  	[bflag:$0x0] =	sbarrier.arrive $0xFFFF  }
0xe5: {  	[tilespmem:s3], [sflag:$0x5] =	stream.linear.gather [spmem:s18], $0x200, $0x38;
	[tilespmem:$0x19000] =	vst v63  }
0xe6: {  	_ =	swait.ge [sflag:s26], $0x200  }
0xe7: {  	[sflag:s26] =	ssyncset.done $0x0  }
0xe8: {  	s6 =	simm.s32 $0x10000;
	[sflag:s26] =	ssyncadd.s32 $0xFFFFFE00  }
.LBB2_4:
0xe9: {  	s7 =	sshra.s32 s6, $0x2  }
0xea: {  	s7 =	sadd.s32 s7, s18  }
0xeb: {  	[tilespmem:s2], [sflag:$0x5] =	stream.linear.gather [spmem:s7], $0x200, $0x38;
	[tilespmem:$0x19000] =	vst v63  }
0xec: {  	_ =	swait.ge [sflag:s26], $0x200  }
0xed: {  	[sflag:s26] =	ssyncset.done $0x0  }
0xee: {  	[sflag:s26] =	ssyncadd.s32 $0xFFFFFE00  }
0xef: {  	v1 =	vld [tilespmem:$0x14800]  }
0xf0: {  	v2 =	vld [tilespmem:$0x14A00]  }
0xf1: {  	v3 =	vld [tilespmem:$0x14810]  }
0xf2: {  	v4 =	vld [tilespmem:$0x14A10]  }
0xf3: {  	v5 =	vld [tilespmem:$0x14820]  }
0xf4: {  	v6 =	vld [tilespmem:$0x14A20]  }
0xf5: {  	v7 =	vld [tilespmem:$0x14830]  }
0xf6: {  	v8 =	vld [tilespmem:$0x14A30]  }
0xf7: {  	v9 =	vld [tilespmem:$0x14840]  }
0xf8: {  	v10 =	vld [tilespmem:$0x14A40]  }
0xf9: {  	v11 =	vld [tilespmem:$0x14850]  }
0xfa: {  	v12 =	vld [tilespmem:$0x14A50]  }
0xfb: {  	v13 =	vld [tilespmem:$0x14860]  }
0xfc: {  	v14 =	vld [tilespmem:$0x14A60]  }
0xfd: {  	v15 =	vld [tilespmem:$0x14870]  }
0xfe: {  	v16 =	vld [tilespmem:$0x14A70]  }
0xff: {  	v17 =	vld [tilespmem:$0x14880]  }
0x100: {  	v18 =	vld [tilespmem:$0x14A80]  }
0x101: {  	v19 =	vld [tilespmem:$0x14890]  }
0x102: {  	v20 =	vld [tilespmem:$0x14A90]  }
0x103: {  	v21 =	vld [tilespmem:$0x148A0]  }
0x104: {  	v22 =	vld [tilespmem:$0x14AA0]  }
0x105: {  	v23 =	vld [tilespmem:$0x148B0]  }
0x106: {  	v24 =	vld [tilespmem:$0x14AB0]  }
0x107: {  	v25 =	vld [tilespmem:$0x148C0]  }
0x108: {  	v26 =	vld [tilespmem:$0x14AC0]  }
0x109: {  	v27 =	vld [tilespmem:$0x148D0]  }
0x10a: {  	v28 =	vld [tilespmem:$0x14AD0]  }
0x10b: {  	v29 =	vld [tilespmem:$0x148E0]  }
0x10c: {  	v30 =	vld [tilespmem:$0x14AE0]  }
0x10d: {  	v31 =	vld [tilespmem:$0x148F0]  }
0x10e: {  	v32 =	vld [tilespmem:$0x14AF0]  }
0x10f: {  	v33 =	vld [tilespmem:$0x14900]  }
0x110: {  	v34 =	vld [tilespmem:$0x14B00]  }
0x111: {  	v35 =	vld [tilespmem:$0x14910]  }
0x112: {  	v36 =	vld [tilespmem:$0x14B10]  }
0x113: {  	v37 =	vld [tilespmem:$0x14920]  }
0x114: {  	v39 =	vld [tilespmem:$0x14930];
	v1 =	vadd.f32 v2, v1  }
0x115: {  	v40 =	vld [tilespmem:$0x14B30];
	v3 =	vadd.f32 v4, v3  }
0x116: {  	v41 =	vld [tilespmem:$0x14940];
	[tilespmem:$0x14800] =	vst v1;
	v1 =	vadd.f32 v6, v5  }
0x117: {  	v42 =	vld [tilespmem:$0x14B40];
	[tilespmem:$0x14810] =	vst v3;
	v3 =	vadd.f32 v8, v7  }
0x118: {  	v43 =	vld [tilespmem:$0x14950];
	[tilespmem:$0x14820] =	vst v1;
	v1 =	vadd.f32 v10, v9  }
0x119: {  	v44 =	vld [tilespmem:$0x14B50];
	[tilespmem:$0x14830] =	vst v3;
	v3 =	vadd.f32 v12, v11  }
0x11a: {  	v45 =	vld [tilespmem:$0x14960];
	[tilespmem:$0x14840] =	vst v1;
	v1 =	vadd.f32 v14, v13  }
0x11b: {  	v46 =	vld [tilespmem:$0x14B60];
	[tilespmem:$0x14850] =	vst v3;
	v3 =	vadd.f32 v16, v15  }
0x11c: {  	v47 =	vld [tilespmem:$0x14970];
	[tilespmem:$0x14860] =	vst v1;
	v1 =	vadd.f32 v18, v17  }
0x11d: {  	v48 =	vld [tilespmem:$0x14B70];
	[tilespmem:$0x14870] =	vst v3;
	v3 =	vadd.f32 v20, v19  }
0x11e: {  	v49 =	vld [tilespmem:$0x14980];
	[tilespmem:$0x14880] =	vst v1;
	v1 =	vadd.f32 v22, v21  }
0x11f: {  	v50 =	vld [tilespmem:$0x14B80];
	[tilespmem:$0x14890] =	vst v3;
	v3 =	vadd.f32 v24, v23  }
0x120: {  	v51 =	vld [tilespmem:$0x14990];
	[tilespmem:$0x148A0] =	vst v1;
	v1 =	vadd.f32 v26, v25  }
0x121: {  	v2 =	vld [tilespmem:$0x14B20];
	[tilespmem:$0x148B0] =	vst v3;
	v3 =	vadd.f32 v28, v27  }
0x122: {  	v52 =	vld [tilespmem:$0x14B90];
	[tilespmem:$0x148C0] =	vst v1;
	v1 =	vadd.f32 v30, v29  }
0x123: {  	v53 =	vld [tilespmem:$0x149A0];
	[tilespmem:$0x148D0] =	vst v3;
	v3 =	vadd.f32 v32, v31  }
0x124: {  	v54 =	vld [tilespmem:$0x14BA0];
	[tilespmem:$0x148E0] =	vst v1;
	v1 =	vadd.f32 v34, v33  }
0x125: {  	v55 =	vld [tilespmem:$0x149B0];
	[tilespmem:$0x148F0] =	vst v3;
	v3 =	vadd.f32 v36, v35  }
0x126: {  	v56 =	vld [tilespmem:$0x149C0];
	[tilespmem:$0x14900] =	vst v1;
	v1 =	vadd.f32 v2, v37  }
0x127: {  	v2 =	vld [tilespmem:$0x14BB0];
	[tilespmem:$0x14910] =	vst v3;
	v3 =	vadd.f32 v40, v39  }
0x128: {  	v57 =	vld [tilespmem:$0x14BC0];
	[tilespmem:$0x14920] =	vst v1;
	v1 =	vadd.f32 v42, v41  }
0x129: {  	v58 =	vld [tilespmem:$0x149D0];
	[tilespmem:$0x14930] =	vst v3;
	v3 =	vadd.f32 v44, v43  }
0x12a: {  	v59 =	vld [tilespmem:$0x14BD0];
	[tilespmem:$0x14940] =	vst v1;
	v1 =	vadd.f32 v46, v45  }
0x12b: {  	v60 =	vld [tilespmem:$0x149E0];
	[tilespmem:$0x14950] =	vst v3;
	v3 =	vadd.f32 v48, v47  }
0x12c: {  	v62 =	vld [tilespmem:$0x149F0];
	v2 =	vadd.f32 v2, v55;
	[tilespmem:$0x14960] =	vst v1  }
0x12d: {  	v63 =	vld [tilespmem:$0x14BF0];
	v1 =	vadd.f32 v50, v49;
	[tilespmem:$0x14970] =	vst v3  }
0x12e: {  	v61 =	vld [tilespmem:$0x14BE0];
	v3 =	vadd.f32 v52, v51;
	[tilespmem:$0x149B0] =	vst v2  }
0x12f: {  	[tilespmem:$0x14980] =	vst v1;
	v1 =	vadd.f32 v54, v53  }
0x130: {  	p1 =	sne.s32 s6, $0xF0000;
	v2 =	vadd.f32 v59, v58;
	[tilespmem:$0x14990] =	vst v3  }
.Ltmp1:
0x131: {  	[tilespmem:$0x149A0] =	vst v1;
	v1 =	vadd.f32 v57, v56;
	(pc) =	sbr.rel @p1 .LBB2_4-.Ltmp1, $4  }
0x132: {  	[tilespmem:$0x149D0] =	vst v2;
	v2 =	vadd.f32 v63, v62  }
0x133: {  	[tilespmem:$0x149C0] =	vst v1;
	v1 =	vadd.f32 v61, v60  }
0x134: {  	[tilespmem:$0x149F0] =	vst v2  }
0x135: {  	s6 =	sadd.s32 $0x10000, s6;
	[tilespmem:$0x149E0] =	vst v1  }
0x136: {  	s5 =	sadd.s32 $0x1, s5  }
0x137: {  	p1 =	sne.s32 s5, s20  }
.Ltmp2:
0x138: {  	s11 =	simm.s32 $0x0;
	(pc) =	sbr.rel @p1 .LBB2_1-.Ltmp2, $4  }
0x139: {  	[hbm4b:s19+s11] =	stream.linear.scatter [tilespmem:s3], [sflag:$0x5], $0x200, $0x38;
	[tilespmem:$0x19000] =	vst v63  }
0x13a: {  	_ =	swait.ge [sflag:s26], $0x200  }
0x13b: {  	[sflag:s26] =	ssyncset.done $0x0  }
0x13c: {  	[sflag:s26] =	ssyncadd.s32 $0xFFFFFE00  }
0x13d: {  	_ =	sfence.sel $0x180000  }
0x13e: {  	[bflag:$0x0] =	sbarrier.arrive $0xFFFF  }
0x13f: {  	_ =	strace $0x90000047  }
0x140: {  	s0 =	stileid.u32;
	[bflag:$0x2] =	sbarrier.arrive $0xFFFF  }
0x141: {  	p0 =	sne.s32 s0, $0x0;
	s0 =	rddreg [dreg:$0x4]  }
0x142: {  	s0 =	sadd.s32 @!p0 $0x100000, s0  }
0x143: {  	[sflag:s0] =	ssyncadd.tile.s32 @!p0 $0x1;
	_ =	shalt  }
.Lfunc_end2:
_tile_overlayer_lowered:
.L_overlay_start_2:
0x144: {  	(tag) =	ssettag $0x2  }
0x145: {  	s0 =	rddreg [dreg:$0x0];
	s2 =	stileid.u32  }
0x146: {  	s1 =	rddreg [dreg:$0x1];
	p0 =	sne.s32 s2, $0x0  }
0x147: {  	s3 =	rddreg [dreg:$0x2];
	[bflag:$0x3] =	sbarrier.arrive $0xFFFF;
	s2 =	simm.s32 @!p0 $0x1C05  }
0x148: {  	[timem:s3], [sflag:s2] =	dma.local @!p0 [hbm:s0], s1  }
0x149: {  	s0 =	simm.s32 @!p0 $0x5  }
0x14a: {  	_ =	swait.ge @!p0 [sflag:s0], s1  }
0x14b: {  	s1 =	ssub.s32 @!p0 $0x0, s1;
	[sflag:s0] =	ssyncset.done @!p0 $0x0  }
0x14c: {  	[sflag:s0] =	ssyncadd.s32 @!p0 s1  }
0x14d: {  	[bflag:$0x3] =	sbarrier.arrive $0xFFFF  }
0x14e: {  	_ =	shalt  }

</sc_bundles>
